<compile_context>
chip_gen: v7x
topology: tpu7x:2x2x1
jax: 0.10.2.dev20260603
libtpu: 0.0.44.dev20260713+nightly
codegen_flags: <defaults>
</compile_context>

<pallas_src>
import functools

import jax
import jax.numpy as jnp
from jax import lax
from jax.experimental import pallas as pl
from jax.experimental.pallas import tpu as pltpu
from jax.experimental.pallas import tpu_sc as plsc

_NC = 2
_NS = 16
_NW = _NC * _NS
_CHUNK = 120
_LANES = 16
_FRAC0 = 0.57


def _node_pad(n_nodes: int) -> int:
  return -(-(n_nodes + 8) // (_NS * 8)) * (_NS * 8)


def _make_agg(n_nodes: int, d: int, n0: int, n1: int, with_counts: bool):
  assert min(n0, n1) >= 4
  n_pad = _node_pad(n_nodes)
  rpt = n_pad // _NS

  mesh = plsc.VectorSubcoreMesh(core_axis_name="c", subcore_axis_name="s")

  out_type = [jax.ShapeDtypeStruct((_NC * n_pad, d), jnp.float32)]
  if with_counts:
    out_type.append(jax.ShapeDtypeStruct((_NC * n_pad, d), jnp.float32))
  scratch = [
      pltpu.VMEM((3, _CHUNK), jnp.int32),
      pltpu.VMEM((4, _CHUNK), jnp.int32),
      pltpu.VMEM((3, _CHUNK, d), jnp.float32),
      pltpu.VMEM_SHARED((n_pad, d), jnp.float32),
      pltpu.SemaphoreType.DMA,
      pltpu.SemaphoreType.DMA,
      pltpu.SemaphoreType.DMA,
      pltpu.SemaphoreType.DMA,
  ]

  @functools.partial(pl.kernel, mesh=mesh, out_type=out_type,
                     scratch_types=scratch)
  def agg(table_hbm, src_hbm, dst_hbm, *refs):
    if with_counts:
      (out_hbm, cnt_hbm, srcw, dstw, rows_v, acc_sh,
       gsem, ssem, isem, dsem) = refs
    else:
      (out_hbm, srcw, dstw, rows_v, acc_sh, gsem, ssem, isem, dsem) = refs
      cnt_hbm = None

    cid = lax.axis_index("c")
    sid = lax.axis_index("s")
    nc = jnp.where(cid == 0, n0, n1)
    base = jnp.where(cid == 0, sid * n0, _NS * n0 + sid * n1)
    m0 = n0
    m1 = n1
    mc = jnp.where(cid == 0, m0, m1)
    base_c = jnp.where(cid == 0, sid * m0, _NS * m0 + sid * m1)
    r0 = pl.multiple_of(sid * rpt, 8)
    ro = pl.multiple_of(cid * n_pad + sid * rpt, 8)

    def fill_slot(slot, val):
      def _f(i, _):
        rows_v[slot, i // (d // _LANES),
               pl.ds((i % (d // _LANES)) * _LANES, _LANES)] = (
                   jnp.full((_LANES,), val, jnp.float32))
        return 0
      lax.fori_loop(0, _CHUNK * (d // _LANES), _f, 0)

    def zero_acc_slice(slot):
      done = 0
      while done < rpt:
        step = min(_CHUNK, rpt - done)
        pltpu.sync_copy(rows_v.at[slot, pl.ds(0, step)],
                        acc_sh.at[pl.ds(r0 + done, step)])
        done += step

    def drain_gather():
      pltpu.make_async_copy(table_hbm.at[pl.ds(0, _CHUNK)], rows_v.at[0],
                            gsem).wait()

    def drain_scatter():
      pltpu.make_async_copy(rows_v.at[0], acc_sh.at[pl.ds(0, _CHUNK)],
                            ssem).wait()

    def drain_src():
      pltpu.make_async_copy(src_hbm.at[0], srcw.at[0], isem).wait()

    def drain_dst():
      pltpu.make_async_copy(dst_hbm.at[0], dstw.at[0], dsem).wait()

    def issue_src(c, slot):
      pltpu.async_copy(src_hbm.at[base + c], srcw.at[slot], isem)

    def issue_dst(c, slot):
      pltpu.async_copy(dst_hbm.at[base + c], dstw.at[slot], dsem)

    def issue_dst_c(c, slot):
      pltpu.async_copy(dst_hbm.at[base_c + c], dstw.at[slot], dsem)

    def issue_gather(slot_ids, slot_rows):
      pltpu.async_copy(table_hbm.at[srcw.at[slot_ids]], rows_v.at[slot_rows],
                       gsem)

    def issue_scatter(slot_ids, slot_rows):
      pltpu.async_copy(rows_v.at[slot_rows], acc_sh.at[dstw.at[slot_ids]],
                       ssem, add=True)

    def counts_pass():
      for k in range(4):
        issue_dst_c(k, k)

      def _b(c, _):
        @pl.when(c >= 2)
        def _():
          drain_scatter()
          @pl.when(c + 2 < mc)
          def _():
            issue_dst_c(c + 2, lax.rem(c + 2, 4))
        drain_dst()
        issue_scatter(lax.rem(c, 4), 0)
        return 0
      lax.fori_loop(0, mc, _b, 0)
      drain_scatter()
      drain_scatter()

    def feature_pass():
      pltpu.sync_copy(src_hbm.at[base], srcw.at[0])
      issue_gather(0, 0)
      issue_src(1, 1)
      for k in range(4):
        issue_dst(k, k)
      drain_src()
      issue_gather(1, 1)
      issue_src(2, 2)

      def _b(c, _):
        drain_gather()
        @pl.when(c + 3 < nc)
        def _():
          issue_src(c + 3, lax.rem(c + 3, 3))
        @pl.when(c >= 1)
        def _():
          drain_scatter()
          @pl.when(c + 3 < nc)
          def _():
            issue_dst(c + 3, lax.rem(c + 3, 4))
        @pl.when(c + 2 < nc)
        def _():
          drain_src()
          issue_gather(lax.rem(c + 2, 3), lax.rem(c + 2, 3))
        drain_dst()
        issue_scatter(lax.rem(c, 4), lax.rem(c, 3))
        return 0
      lax.fori_loop(0, nc, _b, 0)
      drain_scatter()

    def copy_out(dst_hbm_ref):
      pltpu.sync_copy(acc_sh.at[pl.ds(r0, rpt)], dst_hbm_ref.at[pl.ds(ro, rpt)])

    if with_counts:
      fill_slot(0, 1.0)
      fill_slot(1, 0.0)
      zero_acc_slice(1)
      plsc.subcore_barrier()
      counts_pass()
      plsc.subcore_barrier()
      copy_out(cnt_hbm)
      zero_acc_slice(1)
    else:
      fill_slot(1, 0.0)
      zero_acc_slice(1)
    plsc.subcore_barrier()
    feature_pass()
    plsc.subcore_barrier()
    copy_out(out_hbm)

  return agg


def _dense_lin(x, w_r, b_l):
  n, d = x.shape

  def body(x_ref, wr_ref, bl_ref, o_ref):
    o_ref[...] = jnp.dot(x_ref[...], wr_ref[...],
                         preferred_element_type=jnp.float32) + bl_ref[...]

  return pl.pallas_call(
      body,
      out_shape=jax.ShapeDtypeStruct((n, d), jnp.float32),
  )(x, w_r, b_l.reshape(1, d))


def _dense_combine1(sums, cnts, xr, w_l):
  n, d = xr.shape
  n_pad = _node_pad(n)

  def body(s_ref, c_ref, xr_ref, wl_ref, o_ref, ic_ref):
    s = s_ref[...]
    s = s[:n] + s[n_pad:n_pad + n]
    c = c_ref[...]
    c = c[:n, 0:1] + c[n_pad:n_pad + n, 0:1]
    ic = 1.0 / jnp.maximum(c, 1.0)
    ic_ref[...] = ic
    mean = s * ic
    acc = jnp.dot(mean, wl_ref[...], preferred_element_type=jnp.float32)
    o_ref[...] = jnp.maximum(acc + xr_ref[...], 0.0)

  return pl.pallas_call(
      body,
      out_shape=[jax.ShapeDtypeStruct((n, d), jnp.float32),
                 jax.ShapeDtypeStruct((n, 1), jnp.float32)],
  )(sums, cnts, xr, w_l)


def _dense_combine2(sums, invc, xr, w_l):
  n, d = xr.shape
  n_pad = _node_pad(n)

  def body(s_ref, ic_ref, xr_ref, wl_ref, o_ref):
    s = s_ref[...]
    s = s[:n] + s[n_pad:n_pad + n]
    mean = s * ic_ref[...]
    acc = jnp.dot(mean, wl_ref[...], preferred_element_type=jnp.float32)
    o_ref[...] = acc + xr_ref[...]

  return pl.pallas_call(
      body,
      out_shape=jax.ShapeDtypeStruct((n, d), jnp.float32),
  )(sums, invc, xr, w_l)


def kernel(x, edge_index, W_l1, b_l1, W_r1, W_l2, b_l2, W_r2):
  n, d = x.shape
  e = edge_index.shape[1]
  tot = -(-e // (_CHUNK * _NS))
  n0 = max(4, round(tot * _FRAC0))
  n1 = tot - n0
  nch = _NS * (n0 + n1)
  pad = nch * _CHUNK - e

  src2 = jnp.concatenate(
      [edge_index[0].astype(jnp.int32),
       jnp.zeros((pad,), jnp.int32)]).reshape(nch, _CHUNK)
  dst2 = jnp.concatenate(
      [edge_index[1].astype(jnp.int32),
       jnp.full((pad,), n, jnp.int32)]).reshape(nch, _CHUNK)

  agg_c = _make_agg(n, d, n0, n1, True)
  agg = _make_agg(n, d, n0, n1, False)

  xr1 = _dense_lin(x, W_r1, b_l1)
  sums1, cnts = agg_c(x, src2, dst2)
  h, invc = _dense_combine1(sums1, cnts, xr1, W_l1)
  xr2 = _dense_lin(h, W_r2, b_l2)
  (sums2,) = agg(h, src2, dst2)
  return _dense_combine2(sums2, invc, xr2, W_l2)

# --- scband reference (transcript-rebuilt; emitter-appended) ---
"""Pipeline reference for scband-graph-sage-1090921693773 (READ-ONLY COPY).

The authoritative reference and input builder live on the scoring server;
editing this copy changes nothing except your own understanding.
"""

import jax, jax.numpy as jnp
import numpy as np

N_NODES = 10000
N_EDGES = 320000
D_IN = 128
D_HID = 128
D_OUT = 128


def setup_inputs(seed: int = 0) -> dict:
    key = jax.random.key(seed)
    ks = jax.random.split(key, 8)
    x = jax.random.normal(ks[0], (N_NODES, D_IN), dtype=jnp.float32)
    edge_index = jax.random.randint(ks[1], (2, N_EDGES), 0, N_NODES, dtype=jnp.int64)
    # SAGEConv params (PyG convention): lin_l applied to aggregated neighbors (with bias),
    # lin_r applied to root/self features (no bias).
    s1 = 1.0 / np.sqrt(D_IN)
    s2 = 1.0 / np.sqrt(D_HID)
    W_l1 = jax.random.uniform(ks[2], (D_IN, D_HID), jnp.float32, -s1, s1)
    b_l1 = jnp.zeros((D_HID,), jnp.float32)
    W_r1 = jax.random.uniform(ks[3], (D_IN, D_HID), jnp.float32, -s1, s1)
    W_l2 = jax.random.uniform(ks[4], (D_HID, D_OUT), jnp.float32, -s2, s2)
    b_l2 = jnp.zeros((D_OUT,), jnp.float32)
    W_r2 = jax.random.uniform(ks[5], (D_HID, D_OUT), jnp.float32, -s2, s2)
    return {"x": x, "edge_index": edge_index, "W_l1": W_l1, "b_l1": b_l1, "W_r1": W_r1, "W_l2": W_l2, "b_l2": b_l2, "W_r2": W_r2}


def _sage_conv(x, edge_index, W_l, b_l, W_r):
    src = edge_index[0]
    dst = edge_index[1]
    msgs = jnp.take(x, src, axis=0)                       # gather source features [E, d]
    summed = jax.ops.segment_sum(msgs, dst, num_segments=N_NODES)  # scatter-add at dst
    counts = jax.ops.segment_sum(jnp.ones((msgs.shape[0],), jnp.float32), dst, num_segments=N_NODES)
    mean = summed / jnp.clip(counts, 1.0, None)[:, None]  # mean aggregation
    return mean @ W_l + b_l + x @ W_r


def reference(x, edge_index, W_l1, b_l1, W_r1, W_l2, b_l2, W_r2):
    h = _sage_conv(x, edge_index, W_l1, b_l1, W_r1)
    h = jax.nn.relu(h)
    # dropout is identity in eval mode (training=False)
    out = _sage_conv(h, edge_index, W_l2, b_l2, W_r2)
    return out

if __name__ == "__main__":
    import jax
    _d = setup_inputs()
    print(jax.jit(kernel)(*tuple(_d.values())))

</pallas_src>

<mosaic_0001>
#map = affine_map<(d0, d1) -> (0, 0)>
module attributes {stable_mosaic.version = 14 : i64} {
  func.func @agg(%arg0: i32, %arg1: i32, %arg2: memref<10000x128xf32, #tpu.memory_space<hbm>>, %arg3: memref<2672x120xi32, #tpu.memory_space<hbm>>, %arg4: memref<2672x120xi32, #tpu.memory_space<hbm>>, %arg5: memref<20224x128xf32, #tpu.memory_space<hbm>>, %arg6: memref<3x120xi32, #tpu.memory_space<vmem>>, %arg7: memref<4x120xi32, #tpu.memory_space<vmem>>, %arg8: memref<3x120x128xf32, #tpu.memory_space<vmem>>, %arg9: memref<10112x128xf32, #tpu.memory_space<vmem_shared>>, %arg10: memref<!tpu.dma_semaphore, #tpu.memory_space<semaphore_mem>>, %arg11: memref<!tpu.dma_semaphore, #tpu.memory_space<semaphore_mem>>, %arg12: memref<!tpu.dma_semaphore, #tpu.memory_space<semaphore_mem>>, %arg13: memref<!tpu.dma_semaphore, #tpu.memory_space<semaphore_mem>>) attributes {dimension_semantics = [#tpu.dimension_semantics<core_parallel>, #tpu.dimension_semantics<subcore_parallel>], iteration_bounds = array<i64: 2, 16>, scalar_prefetch = 0 : i64, scratch_operands = 8 : i64, tpu.core_type = #tpu.core_type<sc_vector_subcore>, window_params = [{transform_indices = #map}, {transform_indices = #map}, {transform_indices = #map}, {transform_indices = #map}]} {
    %eq3A = arith.constant 0 : i32
    %eq3A_0 = arith.cmpi eq, %arg0, %eq3A : i32
    %jit3A = arith.constant 95 : i32
    %jit3A_1 = arith.constant 72 : i32
    %select_n3A = arith.select %eq3A_0, %jit3A, %jit3A_1 : i32
    %eq3A_2 = arith.constant 0 : i32
    %eq3A_3 = arith.cmpi eq, %arg0, %eq3A_2 : i32
    %mul3A = arith.constant 95 : i32
    %mul3A_4 = arith.muli %arg1, %mul3A : i32
    %mul3A_5 = arith.constant 72 : i32
    %mul3A_6 = arith.muli %arg1, %mul3A_5 : i32
    %add3A = arith.constant 1520 : i32
    %add3A_7 = arith.addi %add3A, %mul3A_6 : i32
    %select_n3A_8 = arith.select %eq3A_3, %mul3A_4, %add3A_7 : i32
    %eq3A_9 = arith.constant 0 : i32
    %eq3A_10 = arith.cmpi eq, %arg0, %eq3A_9 : i32
    %jit3A_11 = arith.constant 95 : i32
    %jit3A_12 = arith.constant 72 : i32
    %select_n3A_13 = arith.select %eq3A_10, %jit3A_11, %jit3A_12 : i32
    %eq3A_14 = arith.constant 0 : i32
    %eq3A_15 = arith.cmpi eq, %arg0, %eq3A_14 : i32
    %mul3A_16 = arith.constant 95 : i32
    %mul3A_17 = arith.muli %arg1, %mul3A_16 : i32
    %mul3A_18 = arith.constant 72 : i32
    %mul3A_19 = arith.muli %arg1, %mul3A_18 : i32
    %add3A_20 = arith.constant 1520 : i32
    %add3A_21 = arith.addi %add3A_20, %mul3A_19 : i32
    %select_n3A_22 = arith.select %eq3A_15, %mul3A_17, %add3A_21 : i32
    %mul3A_23 = arith.constant 632 : i32
    %mul3A_24 = arith.muli %arg1, %mul3A_23 : i32
    %multiple_of3A = tpu.assume_multiple %mul3A_24, 8 : i32
    %mul3A_25 = arith.constant 10112 : i32
    %mul3A_26 = arith.muli %arg0, %mul3A_25 : i32
    %mul3A_27 = arith.constant 632 : i32
    %mul3A_28 = arith.muli %arg1, %mul3A_27 : i32
    %add3A_29 = arith.addi %mul3A_26, %mul3A_28 : i32
    %multiple_of3A_30 = tpu.assume_multiple %add3A_29, 8 : i32
    %scan3A = arith.constant 0 : i32
    %scan3A_31 = arith.constant 0 : i32
    %scan3A_32 = arith.constant 960 : i32
    %scan3A_33 = arith.addi %scan3A_31, %scan3A_32 : i32
    %scan3A_34 = arith.constant 1 : i32
    %scan3A_35 = scf.for %scan3A_208 = %scan3A_31 to %scan3A_33 step %scan3A_34 iter_args(%scan3A_209 = %scan3A) -> (i32)  : i32 {
      %broadcast_in_dim3A = arith.constant 0.000000e+00 : f32
      %broadcast_in_dim3A_210 = vector.broadcast %broadcast_in_dim3A : f32 to vector<16xf32>
      %jit3A_211 = arith.constant 8 : i32
      %div3A = arith.divsi %scan3A_208, %jit3A_211 : i32
      %sign3A = arith.constant 0 : i32
      %sign3A_212 = arith.cmpi sgt, %scan3A_208, %sign3A : i32
      %sign3A_213 = arith.extui %sign3A_212 : i1 to i32
      %sign3A_214 = arith.constant 0 : i32
      %sign3A_215 = arith.cmpi slt, %scan3A_208, %sign3A_214 : i32
      %sign3A_216 = arith.extui %sign3A_215 : i1 to i32
      %sign3A_217 = arith.subi %sign3A_213, %sign3A_216 : i32
      %sign3A_218 = arith.constant 0 : i32
      %sign3A_219 = arith.cmpi sgt, %jit3A_211, %sign3A_218 : i32
      %sign3A_220 = arith.extui %sign3A_219 : i1 to i32
      %sign3A_221 = arith.constant 0 : i32
      %sign3A_222 = arith.cmpi slt, %jit3A_211, %sign3A_221 : i32
      %sign3A_223 = arith.extui %sign3A_222 : i1 to i32
      %sign3A_224 = arith.subi %sign3A_220, %sign3A_223 : i32
      %ne3A = arith.cmpi ne, %sign3A_217, %sign3A_224 : i32
      %rem3A = arith.remsi %scan3A_208, %jit3A_211 : i32
      %ne3A_225 = arith.constant 0 : i32
      %ne3A_226 = arith.cmpi ne, %rem3A, %ne3A_225 : i32
      %and3A = arith.andi %ne3A, %ne3A_226 : i1
      %sub3A = arith.constant 1 : i32
      %sub3A_227 = arith.subi %div3A, %sub3A : i32
      %select_n3A_228 = arith.select %and3A, %sub3A_227, %div3A : i32
      %jit3A_229 = arith.constant 8 : i32
      %eq3A_230 = arith.constant 0 : i32
      %eq3A_231 = arith.cmpi eq, %jit3A_229, %eq3A_230 : i32
      %jit3A_232 = arith.constant 1 : i32
      %select_n3A_233 = arith.select %eq3A_231, %jit3A_232, %jit3A_229 : i32
      %rem3A_234 = arith.remsi %scan3A_208, %select_n3A_233 : i32
      %ne3A_235 = arith.constant 0 : i32
      %ne3A_236 = arith.cmpi ne, %rem3A_234, %ne3A_235 : i32
      %lt3A = arith.constant 0 : i32
      %lt3A_237 = arith.cmpi slt, %rem3A_234, %lt3A : i32
      %lt3A_238 = arith.constant 0 : i32
      %lt3A_239 = arith.cmpi slt, %select_n3A_233, %lt3A_238 : i32
      %ne3A_240 = arith.xori %lt3A_237, %lt3A_239 : i1
      %and3A_241 = arith.andi %ne3A_240, %ne3A_236 : i1
      %add3A_242 = arith.addi %rem3A_234, %select_n3A_233 : i32
      %select_n3A_243 = arith.select %and3A_241, %add3A_242, %rem3A_234 : i32
      %mul3A_244 = arith.constant 16 : i32
      %mul3A_245 = arith.muli %select_n3A_243, %mul3A_244 : i32
      %swap3A = arith.constant 1 : i32
      %swap3A_246 = arith.index_cast %swap3A : i32 to index
      %swap3A_247 = arith.index_cast %select_n3A_228 : i32 to index
      %swap3A_248 = arith.index_cast %mul3A_245 : i32 to index
      %swap3A_249 = tpu.vector_load %arg8[%swap3A_246, %swap3A_247, %swap3A_248] {strides = array<i32>} : memref<3x120x128xf32, #tpu.memory_space<vmem>>, vector<1x1x16xf32>,
      %swap3A_250 = vector.shape_cast %swap3A_249 : vector<1x1x16xf32> to vector<16xf32>
      %swap3A_251 = vector.shape_cast %broadcast_in_dim3A_210 : vector<16xf32> to vector<1x1x16xf32>
      tpu.vector_store %arg8[%swap3A_246, %swap3A_247, %swap3A_248], %swap3A_251 {strides = array<i32>} : memref<3x120x128xf32, #tpu.memory_space<vmem>>, vector<1x1x16xf32>,
      %scan3A_252 = arith.constant 0 : i32
      scf.yield %scan3A_252 : i32
    }
    %scan3A_36 = arith.constant 960 : i32
    %add3A_37 = arith.constant 0 : i32
    %add3A_38 = arith.addi %multiple_of3A, %add3A_37 : i32
    %run_scoped3A = arith.constant 1 : i32
    "tpu.region"() ({
      %run_scoped3A_208 = tpu.sem_alloc : memref<!tpu.dma_semaphore, #tpu.memory_space<semaphore_mem>>
      %dma_start3A_209 = arith.constant 0 : i32
      %dma_start3A_210 = arith.constant 0 : i32
      %dma_start3A_211 = tpu.memref_slice %arg8[%run_scoped3A, %dma_start3A_209, %dma_start3A_210] : memref<3x120x128xf32, #tpu.memory_space<vmem>> -> memref<1x120x128xf32, #tpu.memory_space<vmem>>
      %dma_start3A_212 = tpu.memref_squeeze %dma_start3A_211 : memref<1x120x128xf32, #tpu.memory_space<vmem>> -> memref<120x128xf32, #tpu.memory_space<vmem>>
      %dma_start3A_213 = arith.constant 0 : i32
      %dma_start3A_214 = tpu.memref_slice %arg9[%add3A_38, %dma_start3A_213] : memref<10112x128xf32, #tpu.memory_space<vmem_shared>> -> memref<120x128xf32, #tpu.memory_space<vmem_shared>>
      %dma_start3A_215 = arith.constant 0 : i32
      %dma_start3A_216 = tpu.memref_slice %arg9[%add3A_38, %dma_start3A_215] : memref<10112x128xf32, #tpu.memory_space<vmem_shared>> -> memref<120x128xf32, #tpu.memory_space<vmem_shared>>
      %dma_start3A_217 = arith.constant 0 : i32
      %dma_start3A_218 = arith.constant 0 : i32
      %dma_start3A_219 = tpu.memref_slice %arg8[%run_scoped3A, %dma_start3A_217, %dma_start3A_218] : memref<3x120x128xf32, #tpu.memory_space<vmem>> -> memref<1x120x128xf32, #tpu.memory_space<vmem>>
      %dma_start3A_220 = tpu.memref_squeeze %dma_start3A_219 : memref<1x120x128xf32, #tpu.memory_space<vmem>> -> memref<120x128xf32, #tpu.memory_space<vmem>>
      tpu.enqueue_dma source(%dma_start3A_220 : memref<120x128xf32, #tpu.memory_space<vmem>>) target(%dma_start3A_216 : memref<120x128xf32, #tpu.memory_space<vmem_shared>>) target_semaphore(%run_scoped3A_208 : memref<!tpu.dma_semaphore, #tpu.memory_space<semaphore_mem>>)
      %dma_wait3A_221 = arith.constant 0 : i32
      %dma_wait3A_222 = arith.constant 0 : i32
      %dma_wait3A_223 = tpu.memref_slice %arg8[%run_scoped3A, %dma_wait3A_221, %dma_wait3A_222] : memref<3x120x128xf32, #tpu.memory_space<vmem>> -> memref<1x120x128xf32, #tpu.memory_space<vmem>>
      %dma_wait3A_224 = tpu.memref_squeeze %dma_wait3A_223 : memref<1x120x128xf32, #tpu.memory_space<vmem>> -> memref<120x128xf32, #tpu.memory_space<vmem>>
      %dma_wait3A_225 = arith.constant 0 : i32
      %dma_wait3A_226 = tpu.memref_slice %arg9[%add3A_38, %dma_wait3A_225] : memref<10112x128xf32, #tpu.memory_space<vmem_shared>> -> memref<120x128xf32, #tpu.memory_space<vmem_shared>>
      %dma_wait3A_227 = arith.constant 0 : i32
      %dma_wait3A_228 = tpu.memref_slice %arg9[%add3A_38, %dma_wait3A_227] : memref<10112x128xf32, #tpu.memory_space<vmem_shared>> -> memref<120x128xf32, #tpu.memory_space<vmem_shared>>
      %dma_wait3A_229 = arith.constant 0 : i32
      %dma_wait3A_230 = arith.constant 0 : i32
      %dma_wait3A_231 = tpu.memref_slice %arg8[%run_scoped3A, %dma_wait3A_229, %dma_wait3A_230] : memref<3x120x128xf32, #tpu.memory_space<vmem>> -> memref<1x120x128xf32, #tpu.memory_space<vmem>>
      %dma_wait3A_232 = tpu.memref_squeeze %dma_wait3A_231 : memref<1x120x128xf32, #tpu.memory_space<vmem>> -> memref<120x128xf32, #tpu.memory_space<vmem>>
      tpu.wait_dma2 semaphore(%run_scoped3A_208 : memref<!tpu.dma_semaphore, #tpu.memory_space<semaphore_mem>>) src(%dma_wait3A_232 : memref<120x128xf32, #tpu.memory_space<vmem>>) dst(%dma_wait3A_228 : memref<120x128xf32, #tpu.memory_space<vmem_shared>>)
      tpu.yield
    }) : () -> ()
    %add3A_39 = arith.constant 120 : i32
    %add3A_40 = arith.addi %multiple_of3A, %add3A_39 : i32
    %run_scoped3A_41 = arith.constant 1 : i32
    "tpu.region"() ({
      %run_scoped3A_208 = tpu.sem_alloc : memref<!tpu.dma_semaphore, #tpu.memory_space<semaphore_mem>>
      %dma_start3A_209 = arith.constant 0 : i32
      %dma_start3A_210 = arith.constant 0 : i32
      %dma_start3A_211 = tpu.memref_slice %arg8[%run_scoped3A_41, %dma_start3A_209, %dma_start3A_210] : memref<3x120x128xf32, #tpu.memory_space<vmem>> -> memref<1x120x128xf32, #tpu.memory_space<vmem>>
      %dma_start3A_212 = tpu.memref_squeeze %dma_start3A_211 : memref<1x120x128xf32, #tpu.memory_space<vmem>> -> memref<120x128xf32, #tpu.memory_space<vmem>>
      %dma_start3A_213 = arith.constant 0 : i32
      %dma_start3A_214 = tpu.memref_slice %arg9[%add3A_40, %dma_start3A_213] : memref<10112x128xf32, #tpu.memory_space<vmem_shared>> -> memref<120x128xf32, #tpu.memory_space<vmem_shared>>
      %dma_start3A_215 = arith.constant 0 : i32
      %dma_start3A_216 = tpu.memref_slice %arg9[%add3A_40, %dma_start3A_215] : memref<10112x128xf32, #tpu.memory_space<vmem_shared>> -> memref<120x128xf32, #tpu.memory_space<vmem_shared>>
      %dma_start3A_217 = arith.constant 0 : i32
      %dma_start3A_218 = arith.constant 0 : i32
      %dma_start3A_219 = tpu.memref_slice %arg8[%run_scoped3A_41, %dma_start3A_217, %dma_start3A_218] : memref<3x120x128xf32, #tpu.memory_space<vmem>> -> memref<1x120x128xf32, #tpu.memory_space<vmem>>
      %dma_start3A_220 = tpu.memref_squeeze %dma_start3A_219 : memref<1x120x128xf32, #tpu.memory_space<vmem>> -> memref<120x128xf32, #tpu.memory_space<vmem>>
      tpu.enqueue_dma source(%dma_start3A_220 : memref<120x128xf32, #tpu.memory_space<vmem>>) target(%dma_start3A_216 : memref<120x128xf32, #tpu.memory_space<vmem_shared>>) target_semaphore(%run_scoped3A_208 : memref<!tpu.dma_semaphore, #tpu.memory_space<semaphore_mem>>)
      %dma_wait3A_221 = arith.constant 0 : i32
      %dma_wait3A_222 = arith.constant 0 : i32
      %dma_wait3A_223 = tpu.memref_slice %arg8[%run_scoped3A_41, %dma_wait3A_221, %dma_wait3A_222] : memref<3x120x128xf32, #tpu.memory_space<vmem>> -> memref<1x120x128xf32, #tpu.memory_space<vmem>>
      %dma_wait3A_224 = tpu.memref_squeeze %dma_wait3A_223 : memref<1x120x128xf32, #tpu.memory_space<vmem>> -> memref<120x128xf32, #tpu.memory_space<vmem>>
      %dma_wait3A_225 = arith.constant 0 : i32
      %dma_wait3A_226 = tpu.memref_slice %arg9[%add3A_40, %dma_wait3A_225] : memref<10112x128xf32, #tpu.memory_space<vmem_shared>> -> memref<120x128xf32, #tpu.memory_space<vmem_shared>>
      %dma_wait3A_227 = arith.constant 0 : i32
      %dma_wait3A_228 = tpu.memref_slice %arg9[%add3A_40, %dma_wait3A_227] : memref<10112x128xf32, #tpu.memory_space<vmem_shared>> -> memref<120x128xf32, #tpu.memory_space<vmem_shared>>
      %dma_wait3A_229 = arith.constant 0 : i32
      %dma_wait3A_230 = arith.constant 0 : i32
      %dma_wait3A_231 = tpu.memref_slice %arg8[%run_scoped3A_41, %dma_wait3A_229, %dma_wait3A_230] : memref<3x120x128xf32, #tpu.memory_space<vmem>> -> memref<1x120x128xf32, #tpu.memory_space<vmem>>
      %dma_wait3A_232 = tpu.memref_squeeze %dma_wait3A_231 : memref<1x120x128xf32, #tpu.memory_space<vmem>> -> memref<120x128xf32, #tpu.memory_space<vmem>>
      tpu.wait_dma2 semaphore(%run_scoped3A_208 : memref<!tpu.dma_semaphore, #tpu.memory_space<semaphore_mem>>) src(%dma_wait3A_232 : memref<120x128xf32, #tpu.memory_space<vmem>>) dst(%dma_wait3A_228 : memref<120x128xf32, #tpu.memory_space<vmem_shared>>)
      tpu.yield
    }) : () -> ()
    %add3A_42 = arith.constant 240 : i32
    %add3A_43 = arith.addi %multiple_of3A, %add3A_42 : i32
    %run_scoped3A_44 = arith.constant 1 : i32
    "tpu.region"() ({
      %run_scoped3A_208 = tpu.sem_alloc : memref<!tpu.dma_semaphore, #tpu.memory_space<semaphore_mem>>
      %dma_start3A_209 = arith.constant 0 : i32
      %dma_start3A_210 = arith.constant 0 : i32
      %dma_start3A_211 = tpu.memref_slice %arg8[%run_scoped3A_44, %dma_start3A_209, %dma_start3A_210] : memref<3x120x128xf32, #tpu.memory_space<vmem>> -> memref<1x120x128xf32, #tpu.memory_space<vmem>>
      %dma_start3A_212 = tpu.memref_squeeze %dma_start3A_211 : memref<1x120x128xf32, #tpu.memory_space<vmem>> -> memref<120x128xf32, #tpu.memory_space<vmem>>
      %dma_start3A_213 = arith.constant 0 : i32
      %dma_start3A_214 = tpu.memref_slice %arg9[%add3A_43, %dma_start3A_213] : memref<10112x128xf32, #tpu.memory_space<vmem_shared>> -> memref<120x128xf32, #tpu.memory_space<vmem_shared>>
      %dma_start3A_215 = arith.constant 0 : i32
      %dma_start3A_216 = tpu.memref_slice %arg9[%add3A_43, %dma_start3A_215] : memref<10112x128xf32, #tpu.memory_space<vmem_shared>> -> memref<120x128xf32, #tpu.memory_space<vmem_shared>>
      %dma_start3A_217 = arith.constant 0 : i32
      %dma_start3A_218 = arith.constant 0 : i32
      %dma_start3A_219 = tpu.memref_slice %arg8[%run_scoped3A_44, %dma_start3A_217, %dma_start3A_218] : memref<3x120x128xf32, #tpu.memory_space<vmem>> -> memref<1x120x128xf32, #tpu.memory_space<vmem>>
      %dma_start3A_220 = tpu.memref_squeeze %dma_start3A_219 : memref<1x120x128xf32, #tpu.memory_space<vmem>> -> memref<120x128xf32, #tpu.memory_space<vmem>>
      tpu.enqueue_dma source(%dma_start3A_220 : memref<120x128xf32, #tpu.memory_space<vmem>>) target(%dma_start3A_216 : memref<120x128xf32, #tpu.memory_space<vmem_shared>>) target_semaphore(%run_scoped3A_208 : memref<!tpu.dma_semaphore, #tpu.memory_space<semaphore_mem>>)
      %dma_wait3A_221 = arith.constant 0 : i32
      %dma_wait3A_222 = arith.constant 0 : i32
      %dma_wait3A_223 = tpu.memref_slice %arg8[%run_scoped3A_44, %dma_wait3A_221, %dma_wait3A_222] : memref<3x120x128xf32, #tpu.memory_space<vmem>> -> memref<1x120x128xf32, #tpu.memory_space<vmem>>
      %dma_wait3A_224 = tpu.memref_squeeze %dma_wait3A_223 : memref<1x120x128xf32, #tpu.memory_space<vmem>> -> memref<120x128xf32, #tpu.memory_space<vmem>>
      %dma_wait3A_225 = arith.constant 0 : i32
      %dma_wait3A_226 = tpu.memref_slice %arg9[%add3A_43, %dma_wait3A_225] : memref<10112x128xf32, #tpu.memory_space<vmem_shared>> -> memref<120x128xf32, #tpu.memory_space<vmem_shared>>
      %dma_wait3A_227 = arith.constant 0 : i32
      %dma_wait3A_228 = tpu.memref_slice %arg9[%add3A_43, %dma_wait3A_227] : memref<10112x128xf32, #tpu.memory_space<vmem_shared>> -> memref<120x128xf32, #tpu.memory_space<vmem_shared>>
      %dma_wait3A_229 = arith.constant 0 : i32
      %dma_wait3A_230 = arith.constant 0 : i32
      %dma_wait3A_231 = tpu.memref_slice %arg8[%run_scoped3A_44, %dma_wait3A_229, %dma_wait3A_230] : memref<3x120x128xf32, #tpu.memory_space<vmem>> -> memref<1x120x128xf32, #tpu.memory_space<vmem>>
      %dma_wait3A_232 = tpu.memref_squeeze %dma_wait3A_231 : memref<1x120x128xf32, #tpu.memory_space<vmem>> -> memref<120x128xf32, #tpu.memory_space<vmem>>
      tpu.wait_dma2 semaphore(%run_scoped3A_208 : memref<!tpu.dma_semaphore, #tpu.memory_space<semaphore_mem>>) src(%dma_wait3A_232 : memref<120x128xf32, #tpu.memory_space<vmem>>) dst(%dma_wait3A_228 : memref<120x128xf32, #tpu.memory_space<vmem_shared>>)
      tpu.yield
    }) : () -> ()
    %add3A_45 = arith.constant 360 : i32
    %add3A_46 = arith.addi %multiple_of3A, %add3A_45 : i32
    %run_scoped3A_47 = arith.constant 1 : i32
    "tpu.region"() ({
      %run_scoped3A_208 = tpu.sem_alloc : memref<!tpu.dma_semaphore, #tpu.memory_space<semaphore_mem>>
      %dma_start3A_209 = arith.constant 0 : i32
      %dma_start3A_210 = arith.constant 0 : i32
      %dma_start3A_211 = tpu.memref_slice %arg8[%run_scoped3A_47, %dma_start3A_209, %dma_start3A_210] : memref<3x120x128xf32, #tpu.memory_space<vmem>> -> memref<1x120x128xf32, #tpu.memory_space<vmem>>
      %dma_start3A_212 = tpu.memref_squeeze %dma_start3A_211 : memref<1x120x128xf32, #tpu.memory_space<vmem>> -> memref<120x128xf32, #tpu.memory_space<vmem>>
      %dma_start3A_213 = arith.constant 0 : i32
      %dma_start3A_214 = tpu.memref_slice %arg9[%add3A_46, %dma_start3A_213] : memref<10112x128xf32, #tpu.memory_space<vmem_shared>> -> memref<120x128xf32, #tpu.memory_space<vmem_shared>>
      %dma_start3A_215 = arith.constant 0 : i32
      %dma_start3A_216 = tpu.memref_slice %arg9[%add3A_46, %dma_start3A_215] : memref<10112x128xf32, #tpu.memory_space<vmem_shared>> -> memref<120x128xf32, #tpu.memory_space<vmem_shared>>
      %dma_start3A_217 = arith.constant 0 : i32
      %dma_start3A_218 = arith.constant 0 : i32
      %dma_start3A_219 = tpu.memref_slice %arg8[%run_scoped3A_47, %dma_start3A_217, %dma_start3A_218] : memref<3x120x128xf32, #tpu.memory_space<vmem>> -> memref<1x120x128xf32, #tpu.memory_space<vmem>>
      %dma_start3A_220 = tpu.memref_squeeze %dma_start3A_219 : memref<1x120x128xf32, #tpu.memory_space<vmem>> -> memref<120x128xf32, #tpu.memory_space<vmem>>
      tpu.enqueue_dma source(%dma_start3A_220 : memref<120x128xf32, #tpu.memory_space<vmem>>) target(%dma_start3A_216 : memref<120x128xf32, #tpu.memory_space<vmem_shared>>) target_semaphore(%run_scoped3A_208 : memref<!tpu.dma_semaphore, #tpu.memory_space<semaphore_mem>>)
      %dma_wait3A_221 = arith.constant 0 : i32
      %dma_wait3A_222 = arith.constant 0 : i32
      %dma_wait3A_223 = tpu.memref_slice %arg8[%run_scoped3A_47, %dma_wait3A_221, %dma_wait3A_222] : memref<3x120x128xf32, #tpu.memory_space<vmem>> -> memref<1x120x128xf32, #tpu.memory_space<vmem>>
      %dma_wait3A_224 = tpu.memref_squeeze %dma_wait3A_223 : memref<1x120x128xf32, #tpu.memory_space<vmem>> -> memref<120x128xf32, #tpu.memory_space<vmem>>
      %dma_wait3A_225 = arith.constant 0 : i32
      %dma_wait3A_226 = tpu.memref_slice %arg9[%add3A_46, %dma_wait3A_225] : memref<10112x128xf32, #tpu.memory_space<vmem_shared>> -> memref<120x128xf32, #tpu.memory_space<vmem_shared>>
      %dma_wait3A_227 = arith.constant 0 : i32
      %dma_wait3A_228 = tpu.memref_slice %arg9[%add3A_46, %dma_wait3A_227] : memref<10112x128xf32, #tpu.memory_space<vmem_shared>> -> memref<120x128xf32, #tpu.memory_space<vmem_shared>>
      %dma_wait3A_229 = arith.constant 0 : i32
      %dma_wait3A_230 = arith.constant 0 : i32
      %dma_wait3A_231 = tpu.memref_slice %arg8[%run_scoped3A_47, %dma_wait3A_229, %dma_wait3A_230] : memref<3x120x128xf32, #tpu.memory_space<vmem>> -> memref<1x120x128xf32, #tpu.memory_space<vmem>>
      %dma_wait3A_232 = tpu.memref_squeeze %dma_wait3A_231 : memref<1x120x128xf32, #tpu.memory_space<vmem>> -> memref<120x128xf32, #tpu.memory_space<vmem>>
      tpu.wait_dma2 semaphore(%run_scoped3A_208 : memref<!tpu.dma_semaphore, #tpu.memory_space<semaphore_mem>>) src(%dma_wait3A_232 : memref<120x128xf32, #tpu.memory_space<vmem>>) dst(%dma_wait3A_228 : memref<120x128xf32, #tpu.memory_space<vmem_shared>>)
      tpu.yield
    }) : () -> ()
    %add3A_48 = arith.constant 480 : i32
    %add3A_49 = arith.addi %multiple_of3A, %add3A_48 : i32
    %run_scoped3A_50 = arith.constant 1 : i32
    "tpu.region"() ({
      %run_scoped3A_208 = tpu.sem_alloc : memref<!tpu.dma_semaphore, #tpu.memory_space<semaphore_mem>>
      %dma_start3A_209 = arith.constant 0 : i32
      %dma_start3A_210 = arith.constant 0 : i32
      %dma_start3A_211 = tpu.memref_slice %arg8[%run_scoped3A_50, %dma_start3A_209, %dma_start3A_210] : memref<3x120x128xf32, #tpu.memory_space<vmem>> -> memref<1x120x128xf32, #tpu.memory_space<vmem>>
      %dma_start3A_212 = tpu.memref_squeeze %dma_start3A_211 : memref<1x120x128xf32, #tpu.memory_space<vmem>> -> memref<120x128xf32, #tpu.memory_space<vmem>>
      %dma_start3A_213 = arith.constant 0 : i32
      %dma_start3A_214 = tpu.memref_slice %arg9[%add3A_49, %dma_start3A_213] : memref<10112x128xf32, #tpu.memory_space<vmem_shared>> -> memref<120x128xf32, #tpu.memory_space<vmem_shared>>
      %dma_start3A_215 = arith.constant 0 : i32
      %dma_start3A_216 = tpu.memref_slice %arg9[%add3A_49, %dma_start3A_215] : memref<10112x128xf32, #tpu.memory_space<vmem_shared>> -> memref<120x128xf32, #tpu.memory_space<vmem_shared>>
      %dma_start3A_217 = arith.constant 0 : i32
      %dma_start3A_218 = arith.constant 0 : i32
      %dma_start3A_219 = tpu.memref_slice %arg8[%run_scoped3A_50, %dma_start3A_217, %dma_start3A_218] : memref<3x120x128xf32, #tpu.memory_space<vmem>> -> memref<1x120x128xf32, #tpu.memory_space<vmem>>
      %dma_start3A_220 = tpu.memref_squeeze %dma_start3A_219 : memref<1x120x128xf32, #tpu.memory_space<vmem>> -> memref<120x128xf32, #tpu.memory_space<vmem>>
      tpu.enqueue_dma source(%dma_start3A_220 : memref<120x128xf32, #tpu.memory_space<vmem>>) target(%dma_start3A_216 : memref<120x128xf32, #tpu.memory_space<vmem_shared>>) target_semaphore(%run_scoped3A_208 : memref<!tpu.dma_semaphore, #tpu.memory_space<semaphore_mem>>)
      %dma_wait3A_221 = arith.constant 0 : i32
      %dma_wait3A_222 = arith.constant 0 : i32
      %dma_wait3A_223 = tpu.memref_slice %arg8[%run_scoped3A_50, %dma_wait3A_221, %dma_wait3A_222] : memref<3x120x128xf32, #tpu.memory_space<vmem>> -> memref<1x120x128xf32, #tpu.memory_space<vmem>>
      %dma_wait3A_224 = tpu.memref_squeeze %dma_wait3A_223 : memref<1x120x128xf32, #tpu.memory_space<vmem>> -> memref<120x128xf32, #tpu.memory_space<vmem>>
      %dma_wait3A_225 = arith.constant 0 : i32
      %dma_wait3A_226 = tpu.memref_slice %arg9[%add3A_49, %dma_wait3A_225] : memref<10112x128xf32, #tpu.memory_space<vmem_shared>> -> memref<120x128xf32, #tpu.memory_space<vmem_shared>>
      %dma_wait3A_227 = arith.constant 0 : i32
      %dma_wait3A_228 = tpu.memref_slice %arg9[%add3A_49, %dma_wait3A_227] : memref<10112x128xf32, #tpu.memory_space<vmem_shared>> -> memref<120x128xf32, #tpu.memory_space<vmem_shared>>
      %dma_wait3A_229 = arith.constant 0 : i32
      %dma_wait3A_230 = arith.constant 0 : i32
      %dma_wait3A_231 = tpu.memref_slice %arg8[%run_scoped3A_50, %dma_wait3A_229, %dma_wait3A_230] : memref<3x120x128xf32, #tpu.memory_space<vmem>> -> memref<1x120x128xf32, #tpu.memory_space<vmem>>
      %dma_wait3A_232 = tpu.memref_squeeze %dma_wait3A_231 : memref<1x120x128xf32, #tpu.memory_space<vmem>> -> memref<120x128xf32, #tpu.memory_space<vmem>>
      tpu.wait_dma2 semaphore(%run_scoped3A_208 : memref<!tpu.dma_semaphore, #tpu.memory_space<semaphore_mem>>) src(%dma_wait3A_232 : memref<120x128xf32, #tpu.memory_space<vmem>>) dst(%dma_wait3A_228 : memref<120x128xf32, #tpu.memory_space<vmem_shared>>)
      tpu.yield
    }) : () -> ()
    %add3A_51 = arith.constant 600 : i32
    %add3A_52 = arith.addi %multiple_of3A, %add3A_51 : i32
    %run_scoped3A_53 = arith.constant 1 : i32
    "tpu.region"() ({
      %run_scoped3A_208 = tpu.sem_alloc : memref<!tpu.dma_semaphore, #tpu.memory_space<semaphore_mem>>
      %dma_start3A_209 = arith.constant 0 : i32
      %dma_start3A_210 = arith.constant 0 : i32
      %dma_start3A_211 = tpu.memref_slice %arg8[%run_scoped3A_53, %dma_start3A_209, %dma_start3A_210] : memref<3x120x128xf32, #tpu.memory_space<vmem>> -> memref<1x32x128xf32, #tpu.memory_space<vmem>>
      %dma_start3A_212 = tpu.memref_squeeze %dma_start3A_211 : memref<1x32x128xf32, #tpu.memory_space<vmem>> -> memref<32x128xf32, #tpu.memory_space<vmem>>
      %dma_start3A_213 = arith.constant 0 : i32
      %dma_start3A_214 = tpu.memref_slice %arg9[%add3A_52, %dma_start3A_213] : memref<10112x128xf32, #tpu.memory_space<vmem_shared>> -> memref<32x128xf32, #tpu.memory_space<vmem_shared>>
      %dma_start3A_215 = arith.constant 0 : i32
      %dma_start3A_216 = tpu.memref_slice %arg9[%add3A_52, %dma_start3A_215] : memref<10112x128xf32, #tpu.memory_space<vmem_shared>> -> memref<32x128xf32, #tpu.memory_space<vmem_shared>>
      %dma_start3A_217 = arith.constant 0 : i32
      %dma_start3A_218 = arith.constant 0 : i32
      %dma_start3A_219 = tpu.memref_slice %arg8[%run_scoped3A_53, %dma_start3A_217, %dma_start3A_218] : memref<3x120x128xf32, #tpu.memory_space<vmem>> -> memref<1x32x128xf32, #tpu.memory_space<vmem>>
      %dma_start3A_220 = tpu.memref_squeeze %dma_start3A_219 : memref<1x32x128xf32, #tpu.memory_space<vmem>> -> memref<32x128xf32, #tpu.memory_space<vmem>>
      tpu.enqueue_dma source(%dma_start3A_220 : memref<32x128xf32, #tpu.memory_space<vmem>>) target(%dma_start3A_216 : memref<32x128xf32, #tpu.memory_space<vmem_shared>>) target_semaphore(%run_scoped3A_208 : memref<!tpu.dma_semaphore, #tpu.memory_space<semaphore_mem>>)
      %dma_wait3A_221 = arith.constant 0 : i32
      %dma_wait3A_222 = arith.constant 0 : i32
      %dma_wait3A_223 = tpu.memref_slice %arg8[%run_scoped3A_53, %dma_wait3A_221, %dma_wait3A_222] : memref<3x120x128xf32, #tpu.memory_space<vmem>> -> memref<1x32x128xf32, #tpu.memory_space<vmem>>
      %dma_wait3A_224 = tpu.memref_squeeze %dma_wait3A_223 : memref<1x32x128xf32, #tpu.memory_space<vmem>> -> memref<32x128xf32, #tpu.memory_space<vmem>>
      %dma_wait3A_225 = arith.constant 0 : i32
      %dma_wait3A_226 = tpu.memref_slice %arg9[%add3A_52, %dma_wait3A_225] : memref<10112x128xf32, #tpu.memory_space<vmem_shared>> -> memref<32x128xf32, #tpu.memory_space<vmem_shared>>
      %dma_wait3A_227 = arith.constant 0 : i32
      %dma_wait3A_228 = tpu.memref_slice %arg9[%add3A_52, %dma_wait3A_227] : memref<10112x128xf32, #tpu.memory_space<vmem_shared>> -> memref<32x128xf32, #tpu.memory_space<vmem_shared>>
      %dma_wait3A_229 = arith.constant 0 : i32
      %dma_wait3A_230 = arith.constant 0 : i32
      %dma_wait3A_231 = tpu.memref_slice %arg8[%run_scoped3A_53, %dma_wait3A_229, %dma_wait3A_230] : memref<3x120x128xf32, #tpu.memory_space<vmem>> -> memref<1x32x128xf32, #tpu.memory_space<vmem>>
      %dma_wait3A_232 = tpu.memref_squeeze %dma_wait3A_231 : memref<1x32x128xf32, #tpu.memory_space<vmem>> -> memref<32x128xf32, #tpu.memory_space<vmem>>
      tpu.wait_dma2 semaphore(%run_scoped3A_208 : memref<!tpu.dma_semaphore, #tpu.memory_space<semaphore_mem>>) src(%dma_wait3A_232 : memref<32x128xf32, #tpu.memory_space<vmem>>) dst(%dma_wait3A_228 : memref<32x128xf32, #tpu.memory_space<vmem_shared>>)
      tpu.yield
    }) : () -> ()
    %barrier3A = arith.constant 0 : index
    tpu.barrier barrier_id(%barrier3A)
    %run_scoped3A_54 = arith.constant 0 : i32
    "tpu.region"() ({
      %run_scoped3A_208 = tpu.sem_alloc : memref<!tpu.dma_semaphore, #tpu.memory_space<semaphore_mem>>
      %dma_start3A_209 = arith.constant 0 : i32
      %dma_start3A_210 = tpu.memref_slice %arg6[%run_scoped3A_54, %dma_start3A_209] : memref<3x120xi32, #tpu.memory_space<vmem>> -> memref<1x120xi32, #tpu.memory_space<vmem>>
      %dma_start3A_211 = tpu.memref_squeeze %dma_start3A_210 : memref<1x120xi32, #tpu.memory_space<vmem>> -> memref<120xi32, #tpu.memory_space<vmem>>
      %dma_start3A_212 = arith.constant 0 : i32
      %dma_start3A_213 = tpu.memref_slice %arg3[%select_n3A_8, %dma_start3A_212] : memref<2672x120xi32, #tpu.memory_space<hbm>> -> memref<1x120xi32, #tpu.memory_space<hbm>>
      %dma_start3A_214 = tpu.memref_squeeze %dma_start3A_213 : memref<1x120xi32, #tpu.memory_space<hbm>> -> memref<120xi32, #tpu.memory_space<hbm>>
      %dma_start3A_215 = arith.constant 0 : i32
      %dma_start3A_216 = tpu.memref_slice %arg6[%run_scoped3A_54, %dma_start3A_215] : memref<3x120xi32, #tpu.memory_space<vmem>> -> memref<1x120xi32, #tpu.memory_space<vmem>>
      %dma_start3A_217 = tpu.memref_squeeze %dma_start3A_216 : memref<1x120xi32, #tpu.memory_space<vmem>> -> memref<120xi32, #tpu.memory_space<vmem>>
      %dma_start3A_218 = arith.constant 0 : i32
      %dma_start3A_219 = tpu.memref_slice %arg3[%select_n3A_8, %dma_start3A_218] : memref<2672x120xi32, #tpu.memory_space<hbm>> -> memref<1x120xi32, #tpu.memory_space<hbm>>
      %dma_start3A_220 = tpu.memref_squeeze %dma_start3A_219 : memref<1x120xi32, #tpu.memory_space<hbm>> -> memref<120xi32, #tpu.memory_space<hbm>>
      tpu.enqueue_dma source(%dma_start3A_220 : memref<120xi32, #tpu.memory_space<hbm>>) target(%dma_start3A_217 : memref<120xi32, #tpu.memory_space<vmem>>) target_semaphore(%run_scoped3A_208 : memref<!tpu.dma_semaphore, #tpu.memory_space<semaphore_mem>>)
      %dma_wait3A_221 = arith.constant 0 : i32
      %dma_wait3A_222 = tpu.memref_slice %arg6[%run_scoped3A_54, %dma_wait3A_221] : memref<3x120xi32, #tpu.memory_space<vmem>> -> memref<1x120xi32, #tpu.memory_space<vmem>>
      %dma_wait3A_223 = tpu.memref_squeeze %dma_wait3A_222 : memref<1x120xi32, #tpu.memory_space<vmem>> -> memref<120xi32, #tpu.memory_space<vmem>>
      %dma_wait3A_224 = arith.constant 0 : i32
      %dma_wait3A_225 = tpu.memref_slice %arg3[%select_n3A_8, %dma_wait3A_224] : memref<2672x120xi32, #tpu.memory_space<hbm>> -> memref<1x120xi32, #tpu.memory_space<hbm>>
      %dma_wait3A_226 = tpu.memref_squeeze %dma_wait3A_225 : memref<1x120xi32, #tpu.memory_space<hbm>> -> memref<120xi32, #tpu.memory_space<hbm>>
      %dma_wait3A_227 = arith.constant 0 : i32
      %dma_wait3A_228 = tpu.memref_slice %arg6[%run_scoped3A_54, %dma_wait3A_227] : memref<3x120xi32, #tpu.memory_space<vmem>> -> memref<1x120xi32, #tpu.memory_space<vmem>>
      %dma_wait3A_229 = tpu.memref_squeeze %dma_wait3A_228 : memref<1x120xi32, #tpu.memory_space<vmem>> -> memref<120xi32, #tpu.memory_space<vmem>>
      %dma_wait3A_230 = arith.constant 0 : i32
      %dma_wait3A_231 = tpu.memref_slice %arg3[%select_n3A_8, %dma_wait3A_230] : memref<2672x120xi32, #tpu.memory_space<hbm>> -> memref<1x120xi32, #tpu.memory_space<hbm>>
      %dma_wait3A_232 = tpu.memref_squeeze %dma_wait3A_231 : memref<1x120xi32, #tpu.memory_space<hbm>> -> memref<120xi32, #tpu.memory_space<hbm>>
      tpu.wait_dma2 semaphore(%run_scoped3A_208 : memref<!tpu.dma_semaphore, #tpu.memory_space<semaphore_mem>>) src(%dma_wait3A_232 : memref<120xi32, #tpu.memory_space<hbm>>) dst(%dma_wait3A_229 : memref<120xi32, #tpu.memory_space<vmem>>)
      tpu.yield
    }) : () -> ()
    %dma_start3A = arith.constant 0 : i32
    %dma_start3A_55 = arith.constant 0 : i32
    %dma_start3A_56 = arith.constant 0 : i32
    %dma_start3A_57 = arith.constant 0 : i32
    %dma_start3A_58 = tpu.memref_slice %arg8[%dma_start3A_55, %dma_start3A_56, %dma_start3A_57] : memref<3x120x128xf32, #tpu.memory_space<vmem>> -> memref<1x120x128xf32, #tpu.memory_space<vmem>>
    %dma_start3A_59 = tpu.memref_squeeze %dma_start3A_58 : memref<1x120x128xf32, #tpu.memory_space<vmem>> -> memref<120x128xf32, #tpu.memory_space<vmem>>
    %dma_start3A_60 = arith.constant 0 : i32
    %dma_start3A_61 = tpu.memref_slice %arg6[%dma_start3A, %dma_start3A_60] : memref<3x120xi32, #tpu.memory_space<vmem>> -> memref<1x120xi32, #tpu.memory_space<vmem>>
    %dma_start3A_62 = tpu.memref_squeeze %dma_start3A_61 : memref<1x120xi32, #tpu.memory_space<vmem>> -> memref<120xi32, #tpu.memory_space<vmem>>
    %dma_start3A_63 = arith.constant 0 : i32
    %dma_start3A_64 = arith.constant 0 : i32
    %dma_start3A_65 = tpu.memref_slice %arg2[%dma_start3A_63, %dma_start3A_64] : memref<10000x128xf32, #tpu.memory_space<hbm>> -> memref<10000x128xf32, #tpu.memory_space<hbm>>
    tpu.enqueue_indirect_dma source(%dma_start3A_65 : memref<10000x128xf32, #tpu.memory_space<hbm>>) target(%dma_start3A_59 : memref<120x128xf32, #tpu.memory_space<vmem>>) offsets(%dma_start3A_62 : memref<120xi32, #tpu.memory_space<vmem>>) semaphore(%arg10 : memref<!tpu.dma_semaphore, #tpu.memory_space<semaphore_mem>>)
    %add3A_66 = arith.constant 1 : i32
    %add3A_67 = arith.addi %select_n3A_8, %add3A_66 : i32
    %dma_start3A_68 = arith.constant 1 : i32
    %dma_start3A_69 = arith.constant 0 : i32
    %dma_start3A_70 = tpu.memref_slice %arg6[%dma_start3A_68, %dma_start3A_69] : memref<3x120xi32, #tpu.memory_space<vmem>> -> memref<1x120xi32, #tpu.memory_space<vmem>>
    %dma_start3A_71 = tpu.memref_squeeze %dma_start3A_70 : memref<1x120xi32, #tpu.memory_space<vmem>> -> memref<120xi32, #tpu.memory_space<vmem>>
    %dma_start3A_72 = arith.constant 0 : i32
    %dma_start3A_73 = tpu.memref_slice %arg3[%add3A_67, %dma_start3A_72] : memref<2672x120xi32, #tpu.memory_space<hbm>> -> memref<1x120xi32, #tpu.memory_space<hbm>>
    %dma_start3A_74 = tpu.memref_squeeze %dma_start3A_73 : memref<1x120xi32, #tpu.memory_space<hbm>> -> memref<120xi32, #tpu.memory_space<hbm>>
    %dma_start3A_75 = arith.constant 0 : i32
    %dma_start3A_76 = tpu.memref_slice %arg6[%dma_start3A_68, %dma_start3A_75] : memref<3x120xi32, #tpu.memory_space<vmem>> -> memref<1x120xi32, #tpu.memory_space<vmem>>
    %dma_start3A_77 = tpu.memref_squeeze %dma_start3A_76 : memref<1x120xi32, #tpu.memory_space<vmem>> -> memref<120xi32, #tpu.memory_space<vmem>>
    %dma_start3A_78 = arith.constant 0 : i32
    %dma_start3A_79 = tpu.memref_slice %arg3[%add3A_67, %dma_start3A_78] : memref<2672x120xi32, #tpu.memory_space<hbm>> -> memref<1x120xi32, #tpu.memory_space<hbm>>
    %dma_start3A_80 = tpu.memref_squeeze %dma_start3A_79 : memref<1x120xi32, #tpu.memory_space<hbm>> -> memref<120xi32, #tpu.memory_space<hbm>>
    tpu.enqueue_dma source(%dma_start3A_80 : memref<120xi32, #tpu.memory_space<hbm>>) target(%dma_start3A_77 : memref<120xi32, #tpu.memory_space<vmem>>) target_semaphore(%arg12 : memref<!tpu.dma_semaphore, #tpu.memory_space<semaphore_mem>>)
    %add3A_81 = arith.constant 0 : i32
    %add3A_82 = arith.addi %select_n3A_8, %add3A_81 : i32
    %dma_start3A_83 = arith.constant 0 : i32
    %dma_start3A_84 = arith.constant 0 : i32
    %dma_start3A_85 = tpu.memref_slice %arg7[%dma_start3A_83, %dma_start3A_84] : memref<4x120xi32, #tpu.memory_space<vmem>> -> memref<1x120xi32, #tpu.memory_space<vmem>>
    %dma_start3A_86 = tpu.memref_squeeze %dma_start3A_85 : memref<1x120xi32, #tpu.memory_space<vmem>> -> memref<120xi32, #tpu.memory_space<vmem>>
    %dma_start3A_87 = arith.constant 0 : i32
    %dma_start3A_88 = tpu.memref_slice %arg4[%add3A_82, %dma_start3A_87] : memref<2672x120xi32, #tpu.memory_space<hbm>> -> memref<1x120xi32, #tpu.memory_space<hbm>>
    %dma_start3A_89 = tpu.memref_squeeze %dma_start3A_88 : memref<1x120xi32, #tpu.memory_space<hbm>> -> memref<120xi32, #tpu.memory_space<hbm>>
    %dma_start3A_90 = arith.constant 0 : i32
    %dma_start3A_91 = tpu.memref_slice %arg7[%dma_start3A_83, %dma_start3A_90] : memref<4x120xi32, #tpu.memory_space<vmem>> -> memref<1x120xi32, #tpu.memory_space<vmem>>
    %dma_start3A_92 = tpu.memref_squeeze %dma_start3A_91 : memref<1x120xi32, #tpu.memory_space<vmem>> -> memref<120xi32, #tpu.memory_space<vmem>>
    %dma_start3A_93 = arith.constant 0 : i32
    %dma_start3A_94 = tpu.memref_slice %arg4[%add3A_82, %dma_start3A_93] : memref<2672x120xi32, #tpu.memory_space<hbm>> -> memref<1x120xi32, #tpu.memory_space<hbm>>
    %dma_start3A_95 = tpu.memref_squeeze %dma_start3A_94 : memref<1x120xi32, #tpu.memory_space<hbm>> -> memref<120xi32, #tpu.memory_space<hbm>>
    tpu.enqueue_dma source(%dma_start3A_95 : memref<120xi32, #tpu.memory_space<hbm>>) target(%dma_start3A_92 : memref<120xi32, #tpu.memory_space<vmem>>) target_semaphore(%arg13 : memref<!tpu.dma_semaphore, #tpu.memory_space<semaphore_mem>>)
    %add3A_96 = arith.constant 1 : i32
    %add3A_97 = arith.addi %select_n3A_8, %add3A_96 : i32
    %dma_start3A_98 = arith.constant 1 : i32
    %dma_start3A_99 = arith.constant 0 : i32
    %dma_start3A_100 = tpu.memref_slice %arg7[%dma_start3A_98, %dma_start3A_99] : memref<4x120xi32, #tpu.memory_space<vmem>> -> memref<1x120xi32, #tpu.memory_space<vmem>>
    %dma_start3A_101 = tpu.memref_squeeze %dma_start3A_100 : memref<1x120xi32, #tpu.memory_space<vmem>> -> memref<120xi32, #tpu.memory_space<vmem>>
    %dma_start3A_102 = arith.constant 0 : i32
    %dma_start3A_103 = tpu.memref_slice %arg4[%add3A_97, %dma_start3A_102] : memref<2672x120xi32, #tpu.memory_space<hbm>> -> memref<1x120xi32, #tpu.memory_space<hbm>>
    %dma_start3A_104 = tpu.memref_squeeze %dma_start3A_103 : memref<1x120xi32, #tpu.memory_space<hbm>> -> memref<120xi32, #tpu.memory_space<hbm>>
    %dma_start3A_105 = arith.constant 0 : i32
    %dma_start3A_106 = tpu.memref_slice %arg7[%dma_start3A_98, %dma_start3A_105] : memref<4x120xi32, #tpu.memory_space<vmem>> -> memref<1x120xi32, #tpu.memory_space<vmem>>
    %dma_start3A_107 = tpu.memref_squeeze %dma_start3A_106 : memref<1x120xi32, #tpu.memory_space<vmem>> -> memref<120xi32, #tpu.memory_space<vmem>>
    %dma_start3A_108 = arith.constant 0 : i32
    %dma_start3A_109 = tpu.memref_slice %arg4[%add3A_97, %dma_start3A_108] : memref<2672x120xi32, #tpu.memory_space<hbm>> -> memref<1x120xi32, #tpu.memory_space<hbm>>
    %dma_start3A_110 = tpu.memref_squeeze %dma_start3A_109 : memref<1x120xi32, #tpu.memory_space<hbm>> -> memref<120xi32, #tpu.memory_space<hbm>>
    tpu.enqueue_dma source(%dma_start3A_110 : memref<120xi32, #tpu.memory_space<hbm>>) target(%dma_start3A_107 : memref<120xi32, #tpu.memory_space<vmem>>) target_semaphore(%arg13 : memref<!tpu.dma_semaphore, #tpu.memory_space<semaphore_mem>>)
    %add3A_111 = arith.constant 2 : i32
    %add3A_112 = arith.addi %select_n3A_8, %add3A_111 : i32
    %dma_start3A_113 = arith.constant 2 : i32
    %dma_start3A_114 = arith.constant 0 : i32
    %dma_start3A_115 = tpu.memref_slice %arg7[%dma_start3A_113, %dma_start3A_114] : memref<4x120xi32, #tpu.memory_space<vmem>> -> memref<1x120xi32, #tpu.memory_space<vmem>>
    %dma_start3A_116 = tpu.memref_squeeze %dma_start3A_115 : memref<1x120xi32, #tpu.memory_space<vmem>> -> memref<120xi32, #tpu.memory_space<vmem>>
    %dma_start3A_117 = arith.constant 0 : i32
    %dma_start3A_118 = tpu.memref_slice %arg4[%add3A_112, %dma_start3A_117] : memref<2672x120xi32, #tpu.memory_space<hbm>> -> memref<1x120xi32, #tpu.memory_space<hbm>>
    %dma_start3A_119 = tpu.memref_squeeze %dma_start3A_118 : memref<1x120xi32, #tpu.memory_space<hbm>> -> memref<120xi32, #tpu.memory_space<hbm>>
    %dma_start3A_120 = arith.constant 0 : i32
    %dma_start3A_121 = tpu.memref_slice %arg7[%dma_start3A_113, %dma_start3A_120] : memref<4x120xi32, #tpu.memory_space<vmem>> -> memref<1x120xi32, #tpu.memory_space<vmem>>
    %dma_start3A_122 = tpu.memref_squeeze %dma_start3A_121 : memref<1x120xi32, #tpu.memory_space<vmem>> -> memref<120xi32, #tpu.memory_space<vmem>>
    %dma_start3A_123 = arith.constant 0 : i32
    %dma_start3A_124 = tpu.memref_slice %arg4[%add3A_112, %dma_start3A_123] : memref<2672x120xi32, #tpu.memory_space<hbm>> -> memref<1x120xi32, #tpu.memory_space<hbm>>
    %dma_start3A_125 = tpu.memref_squeeze %dma_start3A_124 : memref<1x120xi32, #tpu.memory_space<hbm>> -> memref<120xi32, #tpu.memory_space<hbm>>
    tpu.enqueue_dma source(%dma_start3A_125 : memref<120xi32, #tpu.memory_space<hbm>>) target(%dma_start3A_122 : memref<120xi32, #tpu.memory_space<vmem>>) target_semaphore(%arg13 : memref<!tpu.dma_semaphore, #tpu.memory_space<semaphore_mem>>)
    %add3A_126 = arith.constant 3 : i32
    %add3A_127 = arith.addi %select_n3A_8, %add3A_126 : i32
    %dma_start3A_128 = arith.constant 3 : i32
    %dma_start3A_129 = arith.constant 0 : i32
    %dma_start3A_130 = tpu.memref_slice %arg7[%dma_start3A_128, %dma_start3A_129] : memref<4x120xi32, #tpu.memory_space<vmem>> -> memref<1x120xi32, #tpu.memory_space<vmem>>
    %dma_start3A_131 = tpu.memref_squeeze %dma_start3A_130 : memref<1x120xi32, #tpu.memory_space<vmem>> -> memref<120xi32, #tpu.memory_space<vmem>>
    %dma_start3A_132 = arith.constant 0 : i32
    %dma_start3A_133 = tpu.memref_slice %arg4[%add3A_127, %dma_start3A_132] : memref<2672x120xi32, #tpu.memory_space<hbm>> -> memref<1x120xi32, #tpu.memory_space<hbm>>
    %dma_start3A_134 = tpu.memref_squeeze %dma_start3A_133 : memref<1x120xi32, #tpu.memory_space<hbm>> -> memref<120xi32, #tpu.memory_space<hbm>>
    %dma_start3A_135 = arith.constant 0 : i32
    %dma_start3A_136 = tpu.memref_slice %arg7[%dma_start3A_128, %dma_start3A_135] : memref<4x120xi32, #tpu.memory_space<vmem>> -> memref<1x120xi32, #tpu.memory_space<vmem>>
    %dma_start3A_137 = tpu.memref_squeeze %dma_start3A_136 : memref<1x120xi32, #tpu.memory_space<vmem>> -> memref<120xi32, #tpu.memory_space<vmem>>
    %dma_start3A_138 = arith.constant 0 : i32
    %dma_start3A_139 = tpu.memref_slice %arg4[%add3A_127, %dma_start3A_138] : memref<2672x120xi32, #tpu.memory_space<hbm>> -> memref<1x120xi32, #tpu.memory_space<hbm>>
    %dma_start3A_140 = tpu.memref_squeeze %dma_start3A_139 : memref<1x120xi32, #tpu.memory_space<hbm>> -> memref<120xi32, #tpu.memory_space<hbm>>
    tpu.enqueue_dma source(%dma_start3A_140 : memref<120xi32, #tpu.memory_space<hbm>>) target(%dma_start3A_137 : memref<120xi32, #tpu.memory_space<vmem>>) target_semaphore(%arg13 : memref<!tpu.dma_semaphore, #tpu.memory_space<semaphore_mem>>)
    %dma_wait3A = arith.constant 0 : i32
    %dma_wait3A_141 = arith.constant 0 : i32
    %dma_wait3A_142 = arith.constant 0 : i32
    %dma_wait3A_143 = tpu.memref_slice %arg6[%dma_wait3A_141, %dma_wait3A_142] : memref<3x120xi32, #tpu.memory_space<vmem>> -> memref<1x120xi32, #tpu.memory_space<vmem>>
    %dma_wait3A_144 = tpu.memref_squeeze %dma_wait3A_143 : memref<1x120xi32, #tpu.memory_space<vmem>> -> memref<120xi32, #tpu.memory_space<vmem>>
    %dma_wait3A_145 = arith.constant 0 : i32
    %dma_wait3A_146 = tpu.memref_slice %arg3[%dma_wait3A, %dma_wait3A_145] : memref<2672x120xi32, #tpu.memory_space<hbm>> -> memref<1x120xi32, #tpu.memory_space<hbm>>
    %dma_wait3A_147 = tpu.memref_squeeze %dma_wait3A_146 : memref<1x120xi32, #tpu.memory_space<hbm>> -> memref<120xi32, #tpu.memory_space<hbm>>
    %dma_wait3A_148 = arith.constant 0 : i32
    %dma_wait3A_149 = tpu.memref_slice %arg6[%dma_wait3A_141, %dma_wait3A_148] : memref<3x120xi32, #tpu.memory_space<vmem>> -> memref<1x120xi32, #tpu.memory_space<vmem>>
    %dma_wait3A_150 = tpu.memref_squeeze %dma_wait3A_149 : memref<1x120xi32, #tpu.memory_space<vmem>> -> memref<120xi32, #tpu.memory_space<vmem>>
    %dma_wait3A_151 = arith.constant 0 : i32
    %dma_wait3A_152 = tpu.memref_slice %arg3[%dma_wait3A, %dma_wait3A_151] : memref<2672x120xi32, #tpu.memory_space<hbm>> -> memref<1x120xi32, #tpu.memory_space<hbm>>
    %dma_wait3A_153 = tpu.memref_squeeze %dma_wait3A_152 : memref<1x120xi32, #tpu.memory_space<hbm>> -> memref<120xi32, #tpu.memory_space<hbm>>
    tpu.wait_dma2 semaphore(%arg12 : memref<!tpu.dma_semaphore, #tpu.memory_space<semaphore_mem>>) src(%dma_wait3A_153 : memref<120xi32, #tpu.memory_space<hbm>>) dst(%dma_wait3A_150 : memref<120xi32, #tpu.memory_space<vmem>>)
    %dma_start3A_154 = arith.constant 1 : i32
    %dma_start3A_155 = arith.constant 1 : i32
    %dma_start3A_156 = arith.constant 0 : i32
    %dma_start3A_157 = arith.constant 0 : i32
    %dma_start3A_158 = tpu.memref_slice %arg8[%dma_start3A_155, %dma_start3A_156, %dma_start3A_157] : memref<3x120x128xf32, #tpu.memory_space<vmem>> -> memref<1x120x128xf32, #tpu.memory_space<vmem>>
    %dma_start3A_159 = tpu.memref_squeeze %dma_start3A_158 : memref<1x120x128xf32, #tpu.memory_space<vmem>> -> memref<120x128xf32, #tpu.memory_space<vmem>>
    %dma_start3A_160 = arith.constant 0 : i32
    %dma_start3A_161 = tpu.memref_slice %arg6[%dma_start3A_154, %dma_start3A_160] : memref<3x120xi32, #tpu.memory_space<vmem>> -> memref<1x120xi32, #tpu.memory_space<vmem>>
    %dma_start3A_162 = tpu.memref_squeeze %dma_start3A_161 : memref<1x120xi32, #tpu.memory_space<vmem>> -> memref<120xi32, #tpu.memory_space<vmem>>
    %dma_start3A_163 = arith.constant 0 : i32
    %dma_start3A_164 = arith.constant 0 : i32
    %dma_start3A_165 = tpu.memref_slice %arg2[%dma_start3A_163, %dma_start3A_164] : memref<10000x128xf32, #tpu.memory_space<hbm>> -> memref<10000x128xf32, #tpu.memory_space<hbm>>
    tpu.enqueue_indirect_dma source(%dma_start3A_165 : memref<10000x128xf32, #tpu.memory_space<hbm>>) target(%dma_start3A_159 : memref<120x128xf32, #tpu.memory_space<vmem>>) offsets(%dma_start3A_162 : memref<120xi32, #tpu.memory_space<vmem>>) semaphore(%arg10 : memref<!tpu.dma_semaphore, #tpu.memory_space<semaphore_mem>>)
    %add3A_166 = arith.constant 2 : i32
    %add3A_167 = arith.addi %select_n3A_8, %add3A_166 : i32
    %dma_start3A_168 = arith.constant 2 : i32
    %dma_start3A_169 = arith.constant 0 : i32
    %dma_start3A_170 = tpu.memref_slice %arg6[%dma_start3A_168, %dma_start3A_169] : memref<3x120xi32, #tpu.memory_space<vmem>> -> memref<1x120xi32, #tpu.memory_space<vmem>>
    %dma_start3A_171 = tpu.memref_squeeze %dma_start3A_170 : memref<1x120xi32, #tpu.memory_space<vmem>> -> memref<120xi32, #tpu.memory_space<vmem>>
    %dma_start3A_172 = arith.constant 0 : i32
    %dma_start3A_173 = tpu.memref_slice %arg3[%add3A_167, %dma_start3A_172] : memref<2672x120xi32, #tpu.memory_space<hbm>> -> memref<1x120xi32, #tpu.memory_space<hbm>>
    %dma_start3A_174 = tpu.memref_squeeze %dma_start3A_173 : memref<1x120xi32, #tpu.memory_space<hbm>> -> memref<120xi32, #tpu.memory_space<hbm>>
    %dma_start3A_175 = arith.constant 0 : i32
    %dma_start3A_176 = tpu.memref_slice %arg6[%dma_start3A_168, %dma_start3A_175] : memref<3x120xi32, #tpu.memory_space<vmem>> -> memref<1x120xi32, #tpu.memory_space<vmem>>
    %dma_start3A_177 = tpu.memref_squeeze %dma_start3A_176 : memref<1x120xi32, #tpu.memory_space<vmem>> -> memref<120xi32, #tpu.memory_space<vmem>>
    %dma_start3A_178 = arith.constant 0 : i32
    %dma_start3A_179 = tpu.memref_slice %arg3[%add3A_167, %dma_start3A_178] : memref<2672x120xi32, #tpu.memory_space<hbm>> -> memref<1x120xi32, #tpu.memory_space<hbm>>
    %dma_start3A_180 = tpu.memref_squeeze %dma_start3A_179 : memref<1x120xi32, #tpu.memory_space<hbm>> -> memref<120xi32, #tpu.memory_space<hbm>>
    tpu.enqueue_dma source(%dma_start3A_180 : memref<120xi32, #tpu.memory_space<hbm>>) target(%dma_start3A_177 : memref<120xi32, #tpu.memory_space<vmem>>) target_semaphore(%arg12 : memref<!tpu.dma_semaphore, #tpu.memory_space<semaphore_mem>>)
    %while3A = arith.constant 0 : i32
    %while3A_181 = arith.constant 0 : i32
    %while3A_182 = arith.subi %select_n3A, %while3A : i32
    %while3A_183 = arith.addi %while3A, %while3A_182 : i32
    %while3A_184 = arith.constant 1 : i32
    %while3A_185 = arith.divsi %while3A_182, %while3A_184 : i32
    %while3A_186 = arith.muli %while3A_185, %while3A_184 : i32
    %while3A_187 = arith.addi %while3A, %while3A_186 : i32
    %while3A_188 = arith.constant 1 : i32
    %while3A_189 = scf.for %while3A_208 = %while3A to %while3A_187 step %while3A_188 iter_args(%while3A_209 = %while3A_181) -> (i32)  : i32 {
      %dma_wait3A_210 = arith.constant 0 : i32
      %dma_wait3A_211 = arith.constant 0 : i32
      %dma_wait3A_212 = arith.constant 0 : i32
      %dma_wait3A_213 = tpu.memref_slice %arg8[%dma_wait3A_210, %dma_wait3A_211, %dma_wait3A_212] : memref<3x120x128xf32, #tpu.memory_space<vmem>> -> memref<1x120x128xf32, #tpu.memory_space<vmem>>
      %dma_wait3A_214 = tpu.memref_squeeze %dma_wait3A_213 : memref<1x120x128xf32, #tpu.memory_space<vmem>> -> memref<120x128xf32, #tpu.memory_space<vmem>>
      %dma_wait3A_215 = arith.constant 0 : i32
      %dma_wait3A_216 = arith.constant 0 : i32
      %dma_wait3A_217 = tpu.memref_slice %arg2[%dma_wait3A_215, %dma_wait3A_216] : memref<10000x128xf32, #tpu.memory_space<hbm>> -> memref<120x128xf32, #tpu.memory_space<hbm>>
      %dma_wait3A_218 = arith.constant 0 : i32
      %dma_wait3A_219 = arith.constant 0 : i32
      %dma_wait3A_220 = tpu.memref_slice %arg8[%dma_wait3A_210, %dma_wait3A_218, %dma_wait3A_219] : memref<3x120x128xf32, #tpu.memory_space<vmem>> -> memref<1x120x128xf32, #tpu.memory_space<vmem>>
      %dma_wait3A_221 = tpu.memref_squeeze %dma_wait3A_220 : memref<1x120x128xf32, #tpu.memory_space<vmem>> -> memref<120x128xf32, #tpu.memory_space<vmem>>
      %dma_wait3A_222 = arith.constant 0 : i32
      %dma_wait3A_223 = arith.constant 0 : i32
      %dma_wait3A_224 = tpu.memref_slice %arg2[%dma_wait3A_222, %dma_wait3A_223] : memref<10000x128xf32, #tpu.memory_space<hbm>> -> memref<120x128xf32, #tpu.memory_space<hbm>>
      tpu.wait_dma2 semaphore(%arg10 : memref<!tpu.dma_semaphore, #tpu.memory_space<semaphore_mem>>) src(%dma_wait3A_224 : memref<120x128xf32, #tpu.memory_space<hbm>>) dst(%dma_wait3A_221 : memref<120x128xf32, #tpu.memory_space<vmem>>)
      %add3A_225 = arith.constant 3 : i32
      %add3A_226 = arith.addi %while3A_208, %add3A_225 : i32
      %lt3A = arith.cmpi slt, %add3A_226, %select_n3A : i32
      %convert_element_type3A = arith.extui %lt3A : i1 to i32
      %cond3A = arith.constant 0 : i32
      %cond3A_227 = arith.cmpi ne, %convert_element_type3A, %cond3A : i32
      scf.if %cond3A_227 {
        %add3A_266 = arith.constant 3 : i32
        %add3A_267 = arith.addi %while3A_208, %add3A_266 : i32
        %add3A_268 = arith.constant 3 : i32
        %add3A_269 = arith.addi %while3A_208, %add3A_268 : i32
        %rem3A_270 = arith.constant 3 : i32
        %rem3A_271 = arith.remsi %add3A_269, %rem3A_270 : i32
        %add3A_272 = arith.addi %select_n3A_8, %add3A_267 : i32
        %dma_start3A_273 = arith.constant 0 : i32
        %dma_start3A_274 = tpu.memref_slice %arg6[%rem3A_271, %dma_start3A_273] : memref<3x120xi32, #tpu.memory_space<vmem>> -> memref<1x120xi32, #tpu.memory_space<vmem>>
        %dma_start3A_275 = tpu.memref_squeeze %dma_start3A_274 : memref<1x120xi32, #tpu.memory_space<vmem>> -> memref<120xi32, #tpu.memory_space<vmem>>
        %dma_start3A_276 = arith.constant 0 : i32
        %dma_start3A_277 = tpu.memref_slice %arg3[%add3A_272, %dma_start3A_276] : memref<2672x120xi32, #tpu.memory_space<hbm>> -> memref<1x120xi32, #tpu.memory_space<hbm>>
        %dma_start3A_278 = tpu.memref_squeeze %dma_start3A_277 : memref<1x120xi32, #tpu.memory_space<hbm>> -> memref<120xi32, #tpu.memory_space<hbm>>
        %dma_start3A_279 = arith.constant 0 : i32
        %dma_start3A_280 = tpu.memref_slice %arg6[%rem3A_271, %dma_start3A_279] : memref<3x120xi32, #tpu.memory_space<vmem>> -> memref<1x120xi32, #tpu.memory_space<vmem>>
        %dma_start3A_281 = tpu.memref_squeeze %dma_start3A_280 : memref<1x120xi32, #tpu.memory_space<vmem>> -> memref<120xi32, #tpu.memory_space<vmem>>
        %dma_start3A_282 = arith.constant 0 : i32
        %dma_start3A_283 = tpu.memref_slice %arg3[%add3A_272, %dma_start3A_282] : memref<2672x120xi32, #tpu.memory_space<hbm>> -> memref<1x120xi32, #tpu.memory_space<hbm>>
        %dma_start3A_284 = tpu.memref_squeeze %dma_start3A_283 : memref<1x120xi32, #tpu.memory_space<hbm>> -> memref<120xi32, #tpu.memory_space<hbm>>
        tpu.enqueue_dma source(%dma_start3A_284 : memref<120xi32, #tpu.memory_space<hbm>>) target(%dma_start3A_281 : memref<120xi32, #tpu.memory_space<vmem>>) target_semaphore(%arg12 : memref<!tpu.dma_semaphore, #tpu.memory_space<semaphore_mem>>)
      } else {
      }
      %ge3A = arith.constant 1 : i32
      %ge3A_228 = arith.cmpi sge, %while3A_208, %ge3A : i32
      %convert_element_type3A_229 = arith.extui %ge3A_228 : i1 to i32
      %cond3A_230 = arith.constant 0 : i32
      %cond3A_231 = arith.cmpi ne, %convert_element_type3A_229, %cond3A_230 : i32
      scf.if %cond3A_231 {
        %dma_wait3A_266 = arith.constant 0 : i32
        %dma_wait3A_267 = arith.constant 0 : i32
        %dma_wait3A_268 = arith.constant 0 : i32
        %dma_wait3A_269 = tpu.memref_slice %arg8[%dma_wait3A_266, %dma_wait3A_267, %dma_wait3A_268] : memref<3x120x128xf32, #tpu.memory_space<vmem>> -> memref<1x120x128xf32, #tpu.memory_space<vmem>>
        %dma_wait3A_270 = tpu.memref_squeeze %dma_wait3A_269 : memref<1x120x128xf32, #tpu.memory_space<vmem>> -> memref<120x128xf32, #tpu.memory_space<vmem>>
        %dma_wait3A_271 = arith.constant 0 : i32
        %dma_wait3A_272 = arith.constant 0 : i32
        %dma_wait3A_273 = tpu.memref_slice %arg9[%dma_wait3A_271, %dma_wait3A_272] : memref<10112x128xf32, #tpu.memory_space<vmem_shared>> -> memref<120x128xf32, #tpu.memory_space<vmem_shared>>
        %dma_wait3A_274 = arith.constant 0 : i32
        %dma_wait3A_275 = arith.constant 0 : i32
        %dma_wait3A_276 = tpu.memref_slice %arg9[%dma_wait3A_274, %dma_wait3A_275] : memref<10112x128xf32, #tpu.memory_space<vmem_shared>> -> memref<120x128xf32, #tpu.memory_space<vmem_shared>>
        %dma_wait3A_277 = arith.constant 0 : i32
        %dma_wait3A_278 = arith.constant 0 : i32
        %dma_wait3A_279 = tpu.memref_slice %arg8[%dma_wait3A_266, %dma_wait3A_277, %dma_wait3A_278] : memref<3x120x128xf32, #tpu.memory_space<vmem>> -> memref<1x120x128xf32, #tpu.memory_space<vmem>>
        %dma_wait3A_280 = tpu.memref_squeeze %dma_wait3A_279 : memref<1x120x128xf32, #tpu.memory_space<vmem>> -> memref<120x128xf32, #tpu.memory_space<vmem>>
        tpu.wait_dma2 semaphore(%arg11 : memref<!tpu.dma_semaphore, #tpu.memory_space<semaphore_mem>>) src(%dma_wait3A_280 : memref<120x128xf32, #tpu.memory_space<vmem>>) dst(%dma_wait3A_276 : memref<120x128xf32, #tpu.memory_space<vmem_shared>>)
        %add3A_281 = arith.constant 3 : i32
        %add3A_282 = arith.addi %while3A_208, %add3A_281 : i32
        %lt3A_283 = arith.cmpi slt, %add3A_282, %select_n3A : i32
        %convert_element_type3A_284 = arith.extui %lt3A_283 : i1 to i32
        %cond3A_285 = arith.constant 0 : i32
        %cond3A_286 = arith.cmpi ne, %convert_element_type3A_284, %cond3A_285 : i32
        scf.if %cond3A_286 {
          %add3A_287 = arith.constant 3 : i32
          %add3A_288 = arith.addi %while3A_208, %add3A_287 : i32
          %add3A_289 = arith.constant 3 : i32
          %add3A_290 = arith.addi %while3A_208, %add3A_289 : i32
          %rem3A_291 = arith.constant 4 : i32
          %rem3A_292 = arith.remsi %add3A_290, %rem3A_291 : i32
          %add3A_293 = arith.addi %select_n3A_8, %add3A_288 : i32
          %dma_start3A_294 = arith.constant 0 : i32
          %dma_start3A_295 = tpu.memref_slice %arg7[%rem3A_292, %dma_start3A_294] : memref<4x120xi32, #tpu.memory_space<vmem>> -> memref<1x120xi32, #tpu.memory_space<vmem>>
          %dma_start3A_296 = tpu.memref_squeeze %dma_start3A_295 : memref<1x120xi32, #tpu.memory_space<vmem>> -> memref<120xi32, #tpu.memory_space<vmem>>
          %dma_start3A_297 = arith.constant 0 : i32
          %dma_start3A_298 = tpu.memref_slice %arg4[%add3A_293, %dma_start3A_297] : memref<2672x120xi32, #tpu.memory_space<hbm>> -> memref<1x120xi32, #tpu.memory_space<hbm>>
          %dma_start3A_299 = tpu.memref_squeeze %dma_start3A_298 : memref<1x120xi32, #tpu.memory_space<hbm>> -> memref<120xi32, #tpu.memory_space<hbm>>
          %dma_start3A_300 = arith.constant 0 : i32
          %dma_start3A_301 = tpu.memref_slice %arg7[%rem3A_292, %dma_start3A_300] : memref<4x120xi32, #tpu.memory_space<vmem>> -> memref<1x120xi32, #tpu.memory_space<vmem>>
          %dma_start3A_302 = tpu.memref_squeeze %dma_start3A_301 : memref<1x120xi32, #tpu.memory_space<vmem>> -> memref<120xi32, #tpu.memory_space<vmem>>
          %dma_start3A_303 = arith.constant 0 : i32
          %dma_start3A_304 = tpu.memref_slice %arg4[%add3A_293, %dma_start3A_303] : memref<2672x120xi32, #tpu.memory_space<hbm>> -> memref<1x120xi32, #tpu.memory_space<hbm>>
          %dma_start3A_305 = tpu.memref_squeeze %dma_start3A_304 : memref<1x120xi32, #tpu.memory_space<hbm>> -> memref<120xi32, #tpu.memory_space<hbm>>
          tpu.enqueue_dma source(%dma_start3A_305 : memref<120xi32, #tpu.memory_space<hbm>>) target(%dma_start3A_302 : memref<120xi32, #tpu.memory_space<vmem>>) target_semaphore(%arg13 : memref<!tpu.dma_semaphore, #tpu.memory_space<semaphore_mem>>)
        } else {
        }
      } else {
      }
      %add3A_232 = arith.constant 2 : i32
      %add3A_233 = arith.addi %while3A_208, %add3A_232 : i32
      %lt3A_234 = arith.cmpi slt, %add3A_233, %select_n3A : i32
      %convert_element_type3A_235 = arith.extui %lt3A_234 : i1 to i32
      %cond3A_236 = arith.constant 0 : i32
      %cond3A_237 = arith.cmpi ne, %convert_element_type3A_235, %cond3A_236 : i32
      scf.if %cond3A_237 {
        %dma_wait3A_266 = arith.constant 0 : i32
        %dma_wait3A_267 = arith.constant 0 : i32
        %dma_wait3A_268 = arith.constant 0 : i32
        %dma_wait3A_269 = tpu.memref_slice %arg6[%dma_wait3A_267, %dma_wait3A_268] : memref<3x120xi32, #tpu.memory_space<vmem>> -> memref<1x120xi32, #tpu.memory_space<vmem>>
        %dma_wait3A_270 = tpu.memref_squeeze %dma_wait3A_269 : memref<1x120xi32, #tpu.memory_space<vmem>> -> memref<120xi32, #tpu.memory_space<vmem>>
        %dma_wait3A_271 = arith.constant 0 : i32
        %dma_wait3A_272 = tpu.memref_slice %arg3[%dma_wait3A_266, %dma_wait3A_271] : memref<2672x120xi32, #tpu.memory_space<hbm>> -> memref<1x120xi32, #tpu.memory_space<hbm>>
        %dma_wait3A_273 = tpu.memref_squeeze %dma_wait3A_272 : memref<1x120xi32, #tpu.memory_space<hbm>> -> memref<120xi32, #tpu.memory_space<hbm>>
        %dma_wait3A_274 = arith.constant 0 : i32
        %dma_wait3A_275 = tpu.memref_slice %arg6[%dma_wait3A_267, %dma_wait3A_274] : memref<3x120xi32, #tpu.memory_space<vmem>> -> memref<1x120xi32, #tpu.memory_space<vmem>>
        %dma_wait3A_276 = tpu.memref_squeeze %dma_wait3A_275 : memref<1x120xi32, #tpu.memory_space<vmem>> -> memref<120xi32, #tpu.memory_space<vmem>>
        %dma_wait3A_277 = arith.constant 0 : i32
        %dma_wait3A_278 = tpu.memref_slice %arg3[%dma_wait3A_266, %dma_wait3A_277] : memref<2672x120xi32, #tpu.memory_space<hbm>> -> memref<1x120xi32, #tpu.memory_space<hbm>>
        %dma_wait3A_279 = tpu.memref_squeeze %dma_wait3A_278 : memref<1x120xi32, #tpu.memory_space<hbm>> -> memref<120xi32, #tpu.memory_space<hbm>>
        tpu.wait_dma2 semaphore(%arg12 : memref<!tpu.dma_semaphore, #tpu.memory_space<semaphore_mem>>) src(%dma_wait3A_279 : memref<120xi32, #tpu.memory_space<hbm>>) dst(%dma_wait3A_276 : memref<120xi32, #tpu.memory_space<vmem>>)
        %add3A_280 = arith.constant 2 : i32
        %add3A_281 = arith.addi %while3A_208, %add3A_280 : i32
        %rem3A_282 = arith.constant 3 : i32
        %rem3A_283 = arith.remsi %add3A_281, %rem3A_282 : i32
        %add3A_284 = arith.constant 2 : i32
        %add3A_285 = arith.addi %while3A_208, %add3A_284 : i32
        %rem3A_286 = arith.constant 3 : i32
        %rem3A_287 = arith.remsi %add3A_285, %rem3A_286 : i32
        %dma_start3A_288 = arith.constant 0 : i32
        %dma_start3A_289 = arith.constant 0 : i32
        %dma_start3A_290 = tpu.memref_slice %arg8[%rem3A_287, %dma_start3A_288, %dma_start3A_289] : memref<3x120x128xf32, #tpu.memory_space<vmem>> -> memref<1x120x128xf32, #tpu.memory_space<vmem>>
        %dma_start3A_291 = tpu.memref_squeeze %dma_start3A_290 : memref<1x120x128xf32, #tpu.memory_space<vmem>> -> memref<120x128xf32, #tpu.memory_space<vmem>>
        %dma_start3A_292 = arith.constant 0 : i32
        %dma_start3A_293 = tpu.memref_slice %arg6[%rem3A_283, %dma_start3A_292] : memref<3x120xi32, #tpu.memory_space<vmem>> -> memref<1x120xi32, #tpu.memory_space<vmem>>
        %dma_start3A_294 = tpu.memref_squeeze %dma_start3A_293 : memref<1x120xi32, #tpu.memory_space<vmem>> -> memref<120xi32, #tpu.memory_space<vmem>>
        %dma_start3A_295 = arith.constant 0 : i32
        %dma_start3A_296 = arith.constant 0 : i32
        %dma_start3A_297 = tpu.memref_slice %arg2[%dma_start3A_295, %dma_start3A_296] : memref<10000x128xf32, #tpu.memory_space<hbm>> -> memref<10000x128xf32, #tpu.memory_space<hbm>>
        tpu.enqueue_indirect_dma source(%dma_start3A_297 : memref<10000x128xf32, #tpu.memory_space<hbm>>) target(%dma_start3A_291 : memref<120x128xf32, #tpu.memory_space<vmem>>) offsets(%dma_start3A_294 : memref<120xi32, #tpu.memory_space<vmem>>) semaphore(%arg10 : memref<!tpu.dma_semaphore, #tpu.memory_space<semaphore_mem>>)
      } else {
      }
      %dma_wait3A_238 = arith.constant 0 : i32
      %dma_wait3A_239 = arith.constant 0 : i32
      %dma_wait3A_240 = arith.constant 0 : i32
      %dma_wait3A_241 = tpu.memref_slice %arg7[%dma_wait3A_239, %dma_wait3A_240] : memref<4x120xi32, #tpu.memory_space<vmem>> -> memref<1x120xi32, #tpu.memory_space<vmem>>
      %dma_wait3A_242 = tpu.memref_squeeze %dma_wait3A_241 : memref<1x120xi32, #tpu.memory_space<vmem>> -> memref<120xi32, #tpu.memory_space<vmem>>
      %dma_wait3A_243 = arith.constant 0 : i32
      %dma_wait3A_244 = tpu.memref_slice %arg4[%dma_wait3A_238, %dma_wait3A_243] : memref<2672x120xi32, #tpu.memory_space<hbm>> -> memref<1x120xi32, #tpu.memory_space<hbm>>
      %dma_wait3A_245 = tpu.memref_squeeze %dma_wait3A_244 : memref<1x120xi32, #tpu.memory_space<hbm>> -> memref<120xi32, #tpu.memory_space<hbm>>
      %dma_wait3A_246 = arith.constant 0 : i32
      %dma_wait3A_247 = tpu.memref_slice %arg7[%dma_wait3A_239, %dma_wait3A_246] : memref<4x120xi32, #tpu.memory_space<vmem>> -> memref<1x120xi32, #tpu.memory_space<vmem>>
      %dma_wait3A_248 = tpu.memref_squeeze %dma_wait3A_247 : memref<1x120xi32, #tpu.memory_space<vmem>> -> memref<120xi32, #tpu.memory_space<vmem>>
      %dma_wait3A_249 = arith.constant 0 : i32
      %dma_wait3A_250 = tpu.memref_slice %arg4[%dma_wait3A_238, %dma_wait3A_249] : memref<2672x120xi32, #tpu.memory_space<hbm>> -> memref<1x120xi32, #tpu.memory_space<hbm>>
      %dma_wait3A_251 = tpu.memref_squeeze %dma_wait3A_250 : memref<1x120xi32, #tpu.memory_space<hbm>> -> memref<120xi32, #tpu.memory_space<hbm>>
      tpu.wait_dma2 semaphore(%arg13 : memref<!tpu.dma_semaphore, #tpu.memory_space<semaphore_mem>>) src(%dma_wait3A_251 : memref<120xi32, #tpu.memory_space<hbm>>) dst(%dma_wait3A_248 : memref<120xi32, #tpu.memory_space<vmem>>)
      %rem3A = arith.constant 4 : i32
      %rem3A_252 = arith.remsi %while3A_208, %rem3A : i32
      %rem3A_253 = arith.constant 3 : i32
      %rem3A_254 = arith.remsi %while3A_208, %rem3A_253 : i32
      %dma_start3A_255 = arith.constant 0 : i32
      %dma_start3A_256 = arith.constant 0 : i32
      %dma_start3A_257 = tpu.memref_slice %arg8[%rem3A_254, %dma_start3A_255, %dma_start3A_256] : memref<3x120x128xf32, #tpu.memory_space<vmem>> -> memref<1x120x128xf32, #tpu.memory_space<vmem>>
      %dma_start3A_258 = tpu.memref_squeeze %dma_start3A_257 : memref<1x120x128xf32, #tpu.memory_space<vmem>> -> memref<120x128xf32, #tpu.memory_space<vmem>>
      %dma_start3A_259 = arith.constant 0 : i32
      %dma_start3A_260 = tpu.memref_slice %arg7[%rem3A_252, %dma_start3A_259] : memref<4x120xi32, #tpu.memory_space<vmem>> -> memref<1x120xi32, #tpu.memory_space<vmem>>
      %dma_start3A_261 = tpu.memref_squeeze %dma_start3A_260 : memref<1x120xi32, #tpu.memory_space<vmem>> -> memref<120xi32, #tpu.memory_space<vmem>>
      %dma_start3A_262 = arith.constant 0 : i32
      %dma_start3A_263 = arith.constant 0 : i32
      %dma_start3A_264 = tpu.memref_slice %arg9[%dma_start3A_262, %dma_start3A_263] : memref<10112x128xf32, #tpu.memory_space<vmem_shared>> -> memref<10112x128xf32, #tpu.memory_space<vmem_shared>>
      tpu.enqueue_indirect_dma source(%dma_start3A_258 : memref<120x128xf32, #tpu.memory_space<vmem>>) target(%dma_start3A_264 : memref<10112x128xf32, #tpu.memory_space<vmem_shared>>) offsets(%dma_start3A_261 : memref<120xi32, #tpu.memory_space<vmem>>) semaphore(%arg11 : memref<!tpu.dma_semaphore, #tpu.memory_space<semaphore_mem>>) {add = true}
      %while3A_265 = arith.constant 0 : i32
      scf.yield %while3A_265 : i32
    }
    %while3A_190 = arith.constant 1 : i32
    %while3A_191 = scf.for %while3A_208 = %while3A_187 to %while3A_183 step %while3A_190 iter_args(%while3A_209 = %while3A_189) -> (i32)  : i32 {
      %dma_wait3A_210 = arith.constant 0 : i32
      %dma_wait3A_211 = arith.constant 0 : i32
      %dma_wait3A_212 = arith.constant 0 : i32
      %dma_wait3A_213 = tpu.memref_slice %arg8[%dma_wait3A_210, %dma_wait3A_211, %dma_wait3A_212] : memref<3x120x128xf32, #tpu.memory_space<vmem>> -> memref<1x120x128xf32, #tpu.memory_space<vmem>>
      %dma_wait3A_214 = tpu.memref_squeeze %dma_wait3A_213 : memref<1x120x128xf32, #tpu.memory_space<vmem>> -> memref<120x128xf32, #tpu.memory_space<vmem>>
      %dma_wait3A_215 = arith.constant 0 : i32
      %dma_wait3A_216 = arith.constant 0 : i32
      %dma_wait3A_217 = tpu.memref_slice %arg2[%dma_wait3A_215, %dma_wait3A_216] : memref<10000x128xf32, #tpu.memory_space<hbm>> -> memref<120x128xf32, #tpu.memory_space<hbm>>
      %dma_wait3A_218 = arith.constant 0 : i32
      %dma_wait3A_219 = arith.constant 0 : i32
      %dma_wait3A_220 = tpu.memref_slice %arg8[%dma_wait3A_210, %dma_wait3A_218, %dma_wait3A_219] : memref<3x120x128xf32, #tpu.memory_space<vmem>> -> memref<1x120x128xf32, #tpu.memory_space<vmem>>
      %dma_wait3A_221 = tpu.memref_squeeze %dma_wait3A_220 : memref<1x120x128xf32, #tpu.memory_space<vmem>> -> memref<120x128xf32, #tpu.memory_space<vmem>>
      %dma_wait3A_222 = arith.constant 0 : i32
      %dma_wait3A_223 = arith.constant 0 : i32
      %dma_wait3A_224 = tpu.memref_slice %arg2[%dma_wait3A_222, %dma_wait3A_223] : memref<10000x128xf32, #tpu.memory_space<hbm>> -> memref<120x128xf32, #tpu.memory_space<hbm>>
      tpu.wait_dma2 semaphore(%arg10 : memref<!tpu.dma_semaphore, #tpu.memory_space<semaphore_mem>>) src(%dma_wait3A_224 : memref<120x128xf32, #tpu.memory_space<hbm>>) dst(%dma_wait3A_221 : memref<120x128xf32, #tpu.memory_space<vmem>>)
      %add3A_225 = arith.constant 3 : i32
      %add3A_226 = arith.addi %while3A_208, %add3A_225 : i32
      %lt3A = arith.cmpi slt, %add3A_226, %select_n3A : i32
      %convert_element_type3A = arith.extui %lt3A : i1 to i32
      %cond3A = arith.constant 0 : i32
      %cond3A_227 = arith.cmpi ne, %convert_element_type3A, %cond3A : i32
      scf.if %cond3A_227 {
        %add3A_266 = arith.constant 3 : i32
        %add3A_267 = arith.addi %while3A_208, %add3A_266 : i32
        %add3A_268 = arith.constant 3 : i32
        %add3A_269 = arith.addi %while3A_208, %add3A_268 : i32
        %rem3A_270 = arith.constant 3 : i32
        %rem3A_271 = arith.remsi %add3A_269, %rem3A_270 : i32
        %add3A_272 = arith.addi %select_n3A_8, %add3A_267 : i32
        %dma_start3A_273 = arith.constant 0 : i32
        %dma_start3A_274 = tpu.memref_slice %arg6[%rem3A_271, %dma_start3A_273] : memref<3x120xi32, #tpu.memory_space<vmem>> -> memref<1x120xi32, #tpu.memory_space<vmem>>
        %dma_start3A_275 = tpu.memref_squeeze %dma_start3A_274 : memref<1x120xi32, #tpu.memory_space<vmem>> -> memref<120xi32, #tpu.memory_space<vmem>>
        %dma_start3A_276 = arith.constant 0 : i32
        %dma_start3A_277 = tpu.memref_slice %arg3[%add3A_272, %dma_start3A_276] : memref<2672x120xi32, #tpu.memory_space<hbm>> -> memref<1x120xi32, #tpu.memory_space<hbm>>
        %dma_start3A_278 = tpu.memref_squeeze %dma_start3A_277 : memref<1x120xi32, #tpu.memory_space<hbm>> -> memref<120xi32, #tpu.memory_space<hbm>>
        %dma_start3A_279 = arith.constant 0 : i32
        %dma_start3A_280 = tpu.memref_slice %arg6[%rem3A_271, %dma_start3A_279] : memref<3x120xi32, #tpu.memory_space<vmem>> -> memref<1x120xi32, #tpu.memory_space<vmem>>
        %dma_start3A_281 = tpu.memref_squeeze %dma_start3A_280 : memref<1x120xi32, #tpu.memory_space<vmem>> -> memref<120xi32, #tpu.memory_space<vmem>>
        %dma_start3A_282 = arith.constant 0 : i32
        %dma_start3A_283 = tpu.memref_slice %arg3[%add3A_272, %dma_start3A_282] : memref<2672x120xi32, #tpu.memory_space<hbm>> -> memref<1x120xi32, #tpu.memory_space<hbm>>
        %dma_start3A_284 = tpu.memref_squeeze %dma_start3A_283 : memref<1x120xi32, #tpu.memory_space<hbm>> -> memref<120xi32, #tpu.memory_space<hbm>>
        tpu.enqueue_dma source(%dma_start3A_284 : memref<120xi32, #tpu.memory_space<hbm>>) target(%dma_start3A_281 : memref<120xi32, #tpu.memory_space<vmem>>) target_semaphore(%arg12 : memref<!tpu.dma_semaphore, #tpu.memory_space<semaphore_mem>>)
      } else {
      }
      %ge3A = arith.constant 1 : i32
      %ge3A_228 = arith.cmpi sge, %while3A_208, %ge3A : i32
      %convert_element_type3A_229 = arith.extui %ge3A_228 : i1 to i32
      %cond3A_230 = arith.constant 0 : i32
      %cond3A_231 = arith.cmpi ne, %convert_element_type3A_229, %cond3A_230 : i32
      scf.if %cond3A_231 {
        %dma_wait3A_266 = arith.constant 0 : i32
        %dma_wait3A_267 = arith.constant 0 : i32
        %dma_wait3A_268 = arith.constant 0 : i32
        %dma_wait3A_269 = tpu.memref_slice %arg8[%dma_wait3A_266, %dma_wait3A_267, %dma_wait3A_268] : memref<3x120x128xf32, #tpu.memory_space<vmem>> -> memref<1x120x128xf32, #tpu.memory_space<vmem>>
        %dma_wait3A_270 = tpu.memref_squeeze %dma_wait3A_269 : memref<1x120x128xf32, #tpu.memory_space<vmem>> -> memref<120x128xf32, #tpu.memory_space<vmem>>
        %dma_wait3A_271 = arith.constant 0 : i32
        %dma_wait3A_272 = arith.constant 0 : i32
        %dma_wait3A_273 = tpu.memref_slice %arg9[%dma_wait3A_271, %dma_wait3A_272] : memref<10112x128xf32, #tpu.memory_space<vmem_shared>> -> memref<120x128xf32, #tpu.memory_space<vmem_shared>>
        %dma_wait3A_274 = arith.constant 0 : i32
        %dma_wait3A_275 = arith.constant 0 : i32
        %dma_wait3A_276 = tpu.memref_slice %arg9[%dma_wait3A_274, %dma_wait3A_275] : memref<10112x128xf32, #tpu.memory_space<vmem_shared>> -> memref<120x128xf32, #tpu.memory_space<vmem_shared>>
        %dma_wait3A_277 = arith.constant 0 : i32
        %dma_wait3A_278 = arith.constant 0 : i32
        %dma_wait3A_279 = tpu.memref_slice %arg8[%dma_wait3A_266, %dma_wait3A_277, %dma_wait3A_278] : memref<3x120x128xf32, #tpu.memory_space<vmem>> -> memref<1x120x128xf32, #tpu.memory_space<vmem>>
        %dma_wait3A_280 = tpu.memref_squeeze %dma_wait3A_279 : memref<1x120x128xf32, #tpu.memory_space<vmem>> -> memref<120x128xf32, #tpu.memory_space<vmem>>
        tpu.wait_dma2 semaphore(%arg11 : memref<!tpu.dma_semaphore, #tpu.memory_space<semaphore_mem>>) src(%dma_wait3A_280 : memref<120x128xf32, #tpu.memory_space<vmem>>) dst(%dma_wait3A_276 : memref<120x128xf32, #tpu.memory_space<vmem_shared>>)
        %add3A_281 = arith.constant 3 : i32
        %add3A_282 = arith.addi %while3A_208, %add3A_281 : i32
        %lt3A_283 = arith.cmpi slt, %add3A_282, %select_n3A : i32
        %convert_element_type3A_284 = arith.extui %lt3A_283 : i1 to i32
        %cond3A_285 = arith.constant 0 : i32
        %cond3A_286 = arith.cmpi ne, %convert_element_type3A_284, %cond3A_285 : i32
        scf.if %cond3A_286 {
          %add3A_287 = arith.constant 3 : i32
          %add3A_288 = arith.addi %while3A_208, %add3A_287 : i32
          %add3A_289 = arith.constant 3 : i32
          %add3A_290 = arith.addi %while3A_208, %add3A_289 : i32
          %rem3A_291 = arith.constant 4 : i32
          %rem3A_292 = arith.remsi %add3A_290, %rem3A_291 : i32
          %add3A_293 = arith.addi %select_n3A_8, %add3A_288 : i32
          %dma_start3A_294 = arith.constant 0 : i32
          %dma_start3A_295 = tpu.memref_slice %arg7[%rem3A_292, %dma_start3A_294] : memref<4x120xi32, #tpu.memory_space<vmem>> -> memref<1x120xi32, #tpu.memory_space<vmem>>
          %dma_start3A_296 = tpu.memref_squeeze %dma_start3A_295 : memref<1x120xi32, #tpu.memory_space<vmem>> -> memref<120xi32, #tpu.memory_space<vmem>>
          %dma_start3A_297 = arith.constant 0 : i32
          %dma_start3A_298 = tpu.memref_slice %arg4[%add3A_293, %dma_start3A_297] : memref<2672x120xi32, #tpu.memory_space<hbm>> -> memref<1x120xi32, #tpu.memory_space<hbm>>
          %dma_start3A_299 = tpu.memref_squeeze %dma_start3A_298 : memref<1x120xi32, #tpu.memory_space<hbm>> -> memref<120xi32, #tpu.memory_space<hbm>>
          %dma_start3A_300 = arith.constant 0 : i32
          %dma_start3A_301 = tpu.memref_slice %arg7[%rem3A_292, %dma_start3A_300] : memref<4x120xi32, #tpu.memory_space<vmem>> -> memref<1x120xi32, #tpu.memory_space<vmem>>
          %dma_start3A_302 = tpu.memref_squeeze %dma_start3A_301 : memref<1x120xi32, #tpu.memory_space<vmem>> -> memref<120xi32, #tpu.memory_space<vmem>>
          %dma_start3A_303 = arith.constant 0 : i32
          %dma_start3A_304 = tpu.memref_slice %arg4[%add3A_293, %dma_start3A_303] : memref<2672x120xi32, #tpu.memory_space<hbm>> -> memref<1x120xi32, #tpu.memory_space<hbm>>
          %dma_start3A_305 = tpu.memref_squeeze %dma_start3A_304 : memref<1x120xi32, #tpu.memory_space<hbm>> -> memref<120xi32, #tpu.memory_space<hbm>>
          tpu.enqueue_dma source(%dma_start3A_305 : memref<120xi32, #tpu.memory_space<hbm>>) target(%dma_start3A_302 : memref<120xi32, #tpu.memory_space<vmem>>) target_semaphore(%arg13 : memref<!tpu.dma_semaphore, #tpu.memory_space<semaphore_mem>>)
        } else {
        }
      } else {
      }
      %add3A_232 = arith.constant 2 : i32
      %add3A_233 = arith.addi %while3A_208, %add3A_232 : i32
      %lt3A_234 = arith.cmpi slt, %add3A_233, %select_n3A : i32
      %convert_element_type3A_235 = arith.extui %lt3A_234 : i1 to i32
      %cond3A_236 = arith.constant 0 : i32
      %cond3A_237 = arith.cmpi ne, %convert_element_type3A_235, %cond3A_236 : i32
      scf.if %cond3A_237 {
        %dma_wait3A_266 = arith.constant 0 : i32
        %dma_wait3A_267 = arith.constant 0 : i32
        %dma_wait3A_268 = arith.constant 0 : i32
        %dma_wait3A_269 = tpu.memref_slice %arg6[%dma_wait3A_267, %dma_wait3A_268] : memref<3x120xi32, #tpu.memory_space<vmem>> -> memref<1x120xi32, #tpu.memory_space<vmem>>
        %dma_wait3A_270 = tpu.memref_squeeze %dma_wait3A_269 : memref<1x120xi32, #tpu.memory_space<vmem>> -> memref<120xi32, #tpu.memory_space<vmem>>
        %dma_wait3A_271 = arith.constant 0 : i32
        %dma_wait3A_272 = tpu.memref_slice %arg3[%dma_wait3A_266, %dma_wait3A_271] : memref<2672x120xi32, #tpu.memory_space<hbm>> -> memref<1x120xi32, #tpu.memory_space<hbm>>
        %dma_wait3A_273 = tpu.memref_squeeze %dma_wait3A_272 : memref<1x120xi32, #tpu.memory_space<hbm>> -> memref<120xi32, #tpu.memory_space<hbm>>
        %dma_wait3A_274 = arith.constant 0 : i32
        %dma_wait3A_275 = tpu.memref_slice %arg6[%dma_wait3A_267, %dma_wait3A_274] : memref<3x120xi32, #tpu.memory_space<vmem>> -> memref<1x120xi32, #tpu.memory_space<vmem>>
        %dma_wait3A_276 = tpu.memref_squeeze %dma_wait3A_275 : memref<1x120xi32, #tpu.memory_space<vmem>> -> memref<120xi32, #tpu.memory_space<vmem>>
        %dma_wait3A_277 = arith.constant 0 : i32
        %dma_wait3A_278 = tpu.memref_slice %arg3[%dma_wait3A_266, %dma_wait3A_277] : memref<2672x120xi32, #tpu.memory_space<hbm>> -> memref<1x120xi32, #tpu.memory_space<hbm>>
        %dma_wait3A_279 = tpu.memref_squeeze %dma_wait3A_278 : memref<1x120xi32, #tpu.memory_space<hbm>> -> memref<120xi32, #tpu.memory_space<hbm>>
        tpu.wait_dma2 semaphore(%arg12 : memref<!tpu.dma_semaphore, #tpu.memory_space<semaphore_mem>>) src(%dma_wait3A_279 : memref<120xi32, #tpu.memory_space<hbm>>) dst(%dma_wait3A_276 : memref<120xi32, #tpu.memory_space<vmem>>)
        %add3A_280 = arith.constant 2 : i32
        %add3A_281 = arith.addi %while3A_208, %add3A_280 : i32
        %rem3A_282 = arith.constant 3 : i32
        %rem3A_283 = arith.remsi %add3A_281, %rem3A_282 : i32
        %add3A_284 = arith.constant 2 : i32
        %add3A_285 = arith.addi %while3A_208, %add3A_284 : i32
        %rem3A_286 = arith.constant 3 : i32
        %rem3A_287 = arith.remsi %add3A_285, %rem3A_286 : i32
        %dma_start3A_288 = arith.constant 0 : i32
        %dma_start3A_289 = arith.constant 0 : i32
        %dma_start3A_290 = tpu.memref_slice %arg8[%rem3A_287, %dma_start3A_288, %dma_start3A_289] : memref<3x120x128xf32, #tpu.memory_space<vmem>> -> memref<1x120x128xf32, #tpu.memory_space<vmem>>
        %dma_start3A_291 = tpu.memref_squeeze %dma_start3A_290 : memref<1x120x128xf32, #tpu.memory_space<vmem>> -> memref<120x128xf32, #tpu.memory_space<vmem>>
        %dma_start3A_292 = arith.constant 0 : i32
        %dma_start3A_293 = tpu.memref_slice %arg6[%rem3A_283, %dma_start3A_292] : memref<3x120xi32, #tpu.memory_space<vmem>> -> memref<1x120xi32, #tpu.memory_space<vmem>>
        %dma_start3A_294 = tpu.memref_squeeze %dma_start3A_293 : memref<1x120xi32, #tpu.memory_space<vmem>> -> memref<120xi32, #tpu.memory_space<vmem>>
        %dma_start3A_295 = arith.constant 0 : i32
        %dma_start3A_296 = arith.constant 0 : i32
        %dma_start3A_297 = tpu.memref_slice %arg2[%dma_start3A_295, %dma_start3A_296] : memref<10000x128xf32, #tpu.memory_space<hbm>> -> memref<10000x128xf32, #tpu.memory_space<hbm>>
        tpu.enqueue_indirect_dma source(%dma_start3A_297 : memref<10000x128xf32, #tpu.memory_space<hbm>>) target(%dma_start3A_291 : memref<120x128xf32, #tpu.memory_space<vmem>>) offsets(%dma_start3A_294 : memref<120xi32, #tpu.memory_space<vmem>>) semaphore(%arg10 : memref<!tpu.dma_semaphore, #tpu.memory_space<semaphore_mem>>)
      } else {
      }
      %dma_wait3A_238 = arith.constant 0 : i32
      %dma_wait3A_239 = arith.constant 0 : i32
      %dma_wait3A_240 = arith.constant 0 : i32
      %dma_wait3A_241 = tpu.memref_slice %arg7[%dma_wait3A_239, %dma_wait3A_240] : memref<4x120xi32, #tpu.memory_space<vmem>> -> memref<1x120xi32, #tpu.memory_space<vmem>>
      %dma_wait3A_242 = tpu.memref_squeeze %dma_wait3A_241 : memref<1x120xi32, #tpu.memory_space<vmem>> -> memref<120xi32, #tpu.memory_space<vmem>>
      %dma_wait3A_243 = arith.constant 0 : i32
      %dma_wait3A_244 = tpu.memref_slice %arg4[%dma_wait3A_238, %dma_wait3A_243] : memref<2672x120xi32, #tpu.memory_space<hbm>> -> memref<1x120xi32, #tpu.memory_space<hbm>>
      %dma_wait3A_245 = tpu.memref_squeeze %dma_wait3A_244 : memref<1x120xi32, #tpu.memory_space<hbm>> -> memref<120xi32, #tpu.memory_space<hbm>>
      %dma_wait3A_246 = arith.constant 0 : i32
      %dma_wait3A_247 = tpu.memref_slice %arg7[%dma_wait3A_239, %dma_wait3A_246] : memref<4x120xi32, #tpu.memory_space<vmem>> -> memref<1x120xi32, #tpu.memory_space<vmem>>
      %dma_wait3A_248 = tpu.memref_squeeze %dma_wait3A_247 : memref<1x120xi32, #tpu.memory_space<vmem>> -> memref<120xi32, #tpu.memory_space<vmem>>
      %dma_wait3A_249 = arith.constant 0 : i32
      %dma_wait3A_250 = tpu.memref_slice %arg4[%dma_wait3A_238, %dma_wait3A_249] : memref<2672x120xi32, #tpu.memory_space<hbm>> -> memref<1x120xi32, #tpu.memory_space<hbm>>
      %dma_wait3A_251 = tpu.memref_squeeze %dma_wait3A_250 : memref<1x120xi32, #tpu.memory_space<hbm>> -> memref<120xi32, #tpu.memory_space<hbm>>
      tpu.wait_dma2 semaphore(%arg13 : memref<!tpu.dma_semaphore, #tpu.memory_space<semaphore_mem>>) src(%dma_wait3A_251 : memref<120xi32, #tpu.memory_space<hbm>>) dst(%dma_wait3A_248 : memref<120xi32, #tpu.memory_space<vmem>>)
      %rem3A = arith.constant 4 : i32
      %rem3A_252 = arith.remsi %while3A_208, %rem3A : i32
      %rem3A_253 = arith.constant 3 : i32
      %rem3A_254 = arith.remsi %while3A_208, %rem3A_253 : i32
      %dma_start3A_255 = arith.constant 0 : i32
      %dma_start3A_256 = arith.constant 0 : i32
      %dma_start3A_257 = tpu.memref_slice %arg8[%rem3A_254, %dma_start3A_255, %dma_start3A_256] : memref<3x120x128xf32, #tpu.memory_space<vmem>> -> memref<1x120x128xf32, #tpu.memory_space<vmem>>
      %dma_start3A_258 = tpu.memref_squeeze %dma_start3A_257 : memref<1x120x128xf32, #tpu.memory_space<vmem>> -> memref<120x128xf32, #tpu.memory_space<vmem>>
      %dma_start3A_259 = arith.constant 0 : i32
      %dma_start3A_260 = tpu.memref_slice %arg7[%rem3A_252, %dma_start3A_259] : memref<4x120xi32, #tpu.memory_space<vmem>> -> memref<1x120xi32, #tpu.memory_space<vmem>>
      %dma_start3A_261 = tpu.memref_squeeze %dma_start3A_260 : memref<1x120xi32, #tpu.memory_space<vmem>> -> memref<120xi32, #tpu.memory_space<vmem>>
      %dma_start3A_262 = arith.constant 0 : i32
      %dma_start3A_263 = arith.constant 0 : i32
      %dma_start3A_264 = tpu.memref_slice %arg9[%dma_start3A_262, %dma_start3A_263] : memref<10112x128xf32, #tpu.memory_space<vmem_shared>> -> memref<10112x128xf32, #tpu.memory_space<vmem_shared>>
      tpu.enqueue_indirect_dma source(%dma_start3A_258 : memref<120x128xf32, #tpu.memory_space<vmem>>) target(%dma_start3A_264 : memref<10112x128xf32, #tpu.memory_space<vmem_shared>>) offsets(%dma_start3A_261 : memref<120xi32, #tpu.memory_space<vmem>>) semaphore(%arg11 : memref<!tpu.dma_semaphore, #tpu.memory_space<semaphore_mem>>) {add = true}
      %while3A_265 = arith.constant 0 : i32
      scf.yield %while3A_265 : i32
    }
    %dma_wait3A_192 = arith.constant 0 : i32
    %dma_wait3A_193 = arith.constant 0 : i32
    %dma_wait3A_194 = arith.constant 0 : i32
    %dma_wait3A_195 = tpu.memref_slice %arg8[%dma_wait3A_192, %dma_wait3A_193, %dma_wait3A_194] : memref<3x120x128xf32, #tpu.memory_space<vmem>> -> memref<1x120x128xf32, #tpu.memory_space<vmem>>
    %dma_wait3A_196 = tpu.memref_squeeze %dma_wait3A_195 : memref<1x120x128xf32, #tpu.memory_space<vmem>> -> memref<120x128xf32, #tpu.memory_space<vmem>>
    %dma_wait3A_197 = arith.constant 0 : i32
    %dma_wait3A_198 = arith.constant 0 : i32
    %dma_wait3A_199 = tpu.memref_slice %arg9[%dma_wait3A_197, %dma_wait3A_198] : memref<10112x128xf32, #tpu.memory_space<vmem_shared>> -> memref<120x128xf32, #tpu.memory_space<vmem_shared>>
    %dma_wait3A_200 = arith.constant 0 : i32
    %dma_wait3A_201 = arith.constant 0 : i32
    %dma_wait3A_202 = tpu.memref_slice %arg9[%dma_wait3A_200, %dma_wait3A_201] : memref<10112x128xf32, #tpu.memory_space<vmem_shared>> -> memref<120x128xf32, #tpu.memory_space<vmem_shared>>
    %dma_wait3A_203 = arith.constant 0 : i32
    %dma_wait3A_204 = arith.constant 0 : i32
    %dma_wait3A_205 = tpu.memref_slice %arg8[%dma_wait3A_192, %dma_wait3A_203, %dma_wait3A_204] : memref<3x120x128xf32, #tpu.memory_space<vmem>> -> memref<1x120x128xf32, #tpu.memory_space<vmem>>
    %dma_wait3A_206 = tpu.memref_squeeze %dma_wait3A_205 : memref<1x120x128xf32, #tpu.memory_space<vmem>> -> memref<120x128xf32, #tpu.memory_space<vmem>>
    tpu.wait_dma2 semaphore(%arg11 : memref<!tpu.dma_semaphore, #tpu.memory_space<semaphore_mem>>) src(%dma_wait3A_206 : memref<120x128xf32, #tpu.memory_space<vmem>>) dst(%dma_wait3A_202 : memref<120x128xf32, #tpu.memory_space<vmem_shared>>)
    %barrier3A_207 = arith.constant 0 : index
    tpu.barrier barrier_id(%barrier3A_207)
    "tpu.region"() ({
      %run_scoped3A_208 = tpu.sem_alloc : memref<!tpu.dma_semaphore, #tpu.memory_space<semaphore_mem>>
      %dma_start3A_209 = arith.constant 0 : i32
      %dma_start3A_210 = tpu.memref_slice %arg5[%multiple_of3A_30, %dma_start3A_209] : memref<20224x128xf32, #tpu.memory_space<hbm>> -> memref<632x128xf32, #tpu.memory_space<hbm>>
      %dma_start3A_211 = arith.constant 0 : i32
      %dma_start3A_212 = tpu.memref_slice %arg9[%multiple_of3A, %dma_start3A_211] : memref<10112x128xf32, #tpu.memory_space<vmem_shared>> -> memref<632x128xf32, #tpu.memory_space<vmem_shared>>
      tpu.enqueue_dma source(%dma_start3A_212 : memref<632x128xf32, #tpu.memory_space<vmem_shared>>) target(%dma_start3A_210 : memref<632x128xf32, #tpu.memory_space<hbm>>) target_semaphore(%run_scoped3A_208 : memref<!tpu.dma_semaphore, #tpu.memory_space<semaphore_mem>>)
      %dma_wait3A_213 = arith.constant 0 : i32
      %dma_wait3A_214 = tpu.memref_slice %arg5[%multiple_of3A_30, %dma_wait3A_213] : memref<20224x128xf32, #tpu.memory_space<hbm>> -> memref<632x128xf32, #tpu.memory_space<hbm>>
      %dma_wait3A_215 = arith.constant 0 : i32
      %dma_wait3A_216 = tpu.memref_slice %arg9[%multiple_of3A, %dma_wait3A_215] : memref<10112x128xf32, #tpu.memory_space<vmem_shared>> -> memref<632x128xf32, #tpu.memory_space<vmem_shared>>
      tpu.wait_dma2 semaphore(%run_scoped3A_208 : memref<!tpu.dma_semaphore, #tpu.memory_space<semaphore_mem>>) src(%dma_wait3A_216 : memref<632x128xf32, #tpu.memory_space<vmem_shared>>) dst(%dma_wait3A_214 : memref<632x128xf32, #tpu.memory_space<hbm>>)
      tpu.yield
    }) : () -> ()
    return
  }
}

#map = affine_map<(d0, d1) -> (0, 0)>
module attributes {stable_mosaic.version = 14 : i64} {
  func.func @agg(%arg0: i32, %arg1: i32, %arg2: memref<10000x128xf32, #tpu.memory_space<hbm>>, %arg3: memref<2672x120xi32, #tpu.memory_space<hbm>>, %arg4: memref<2672x120xi32, #tpu.memory_space<hbm>>, %arg5: memref<20224x128xf32, #tpu.memory_space<hbm>>, %arg6: memref<20224x128xf32, #tpu.memory_space<hbm>>, %arg7: memref<3x120xi32, #tpu.memory_space<vmem>>, %arg8: memref<4x120xi32, #tpu.memory_space<vmem>>, %arg9: memref<3x120x128xf32, #tpu.memory_space<vmem>>, %arg10: memref<10112x128xf32, #tpu.memory_space<vmem_shared>>, %arg11: memref<!tpu.dma_semaphore, #tpu.memory_space<semaphore_mem>>, %arg12: memref<!tpu.dma_semaphore, #tpu.memory_space<semaphore_mem>>, %arg13: memref<!tpu.dma_semaphore, #tpu.memory_space<semaphore_mem>>, %arg14: memref<!tpu.dma_semaphore, #tpu.memory_space<semaphore_mem>>) attributes {dimension_semantics = [#tpu.dimension_semantics<core_parallel>, #tpu.dimension_semantics<subcore_parallel>], iteration_bounds = array<i64: 2, 16>, scalar_prefetch = 0 : i64, scratch_operands = 8 : i64, tpu.core_type = #tpu.core_type<sc_vector_subcore>, window_params = [{transform_indices = #map}, {transform_indices = #map}, {transform_indices = #map}, {transform_indices = #map}, {transform_indices = #map}]} {
    %eq3A = arith.constant 0 : i32
    %eq3A_0 = arith.cmpi eq, %arg0, %eq3A : i32
    %jit3A = arith.constant 95 : i32
    %jit3A_1 = arith.constant 72 : i32
    %select_n3A = arith.select %eq3A_0, %jit3A, %jit3A_1 : i32
    %eq3A_2 = arith.constant 0 : i32
    %eq3A_3 = arith.cmpi eq, %arg0, %eq3A_2 : i32
    %mul3A = arith.constant 95 : i32
    %mul3A_4 = arith.muli %arg1, %mul3A : i32
    %mul3A_5 = arith.constant 72 : i32
    %mul3A_6 = arith.muli %arg1, %mul3A_5 : i32
    %add3A = arith.constant 1520 : i32
    %add3A_7 = arith.addi %add3A, %mul3A_6 : i32
    %select_n3A_8 = arith.select %eq3A_3, %mul3A_4, %add3A_7 : i32
    %eq3A_9 = arith.constant 0 : i32
    %eq3A_10 = arith.cmpi eq, %arg0, %eq3A_9 : i32
    %jit3A_11 = arith.constant 95 : i32
    %jit3A_12 = arith.constant 72 : i32
    %select_n3A_13 = arith.select %eq3A_10, %jit3A_11, %jit3A_12 : i32
    %eq3A_14 = arith.constant 0 : i32
    %eq3A_15 = arith.cmpi eq, %arg0, %eq3A_14 : i32
    %mul3A_16 = arith.constant 95 : i32
    %mul3A_17 = arith.muli %arg1, %mul3A_16 : i32
    %mul3A_18 = arith.constant 72 : i32
    %mul3A_19 = arith.muli %arg1, %mul3A_18 : i32
    %add3A_20 = arith.constant 1520 : i32
    %add3A_21 = arith.addi %add3A_20, %mul3A_19 : i32
    %select_n3A_22 = arith.select %eq3A_15, %mul3A_17, %add3A_21 : i32
    %mul3A_23 = arith.constant 632 : i32
    %mul3A_24 = arith.muli %arg1, %mul3A_23 : i32
    %multiple_of3A = tpu.assume_multiple %mul3A_24, 8 : i32
    %mul3A_25 = arith.constant 10112 : i32
    %mul3A_26 = arith.muli %arg0, %mul3A_25 : i32
    %mul3A_27 = arith.constant 632 : i32
    %mul3A_28 = arith.muli %arg1, %mul3A_27 : i32
    %add3A_29 = arith.addi %mul3A_26, %mul3A_28 : i32
    %multiple_of3A_30 = tpu.assume_multiple %add3A_29, 8 : i32
    %scan3A = arith.constant 0 : i32
    %scan3A_31 = arith.constant 0 : i32
    %scan3A_32 = arith.constant 960 : i32
    %scan3A_33 = arith.addi %scan3A_31, %scan3A_32 : i32
    %scan3A_34 = arith.constant 1 : i32
    %scan3A_35 = scf.for %scan3A_337 = %scan3A_31 to %scan3A_33 step %scan3A_34 iter_args(%scan3A_338 = %scan3A) -> (i32)  : i32 {
      %broadcast_in_dim3A = arith.constant 1.000000e+00 : f32
      %broadcast_in_dim3A_339 = vector.broadcast %broadcast_in_dim3A : f32 to vector<16xf32>
      %jit3A_340 = arith.constant 8 : i32
      %div3A = arith.divsi %scan3A_337, %jit3A_340 : i32
      %sign3A = arith.constant 0 : i32
      %sign3A_341 = arith.cmpi sgt, %scan3A_337, %sign3A : i32
      %sign3A_342 = arith.extui %sign3A_341 : i1 to i32
      %sign3A_343 = arith.constant 0 : i32
      %sign3A_344 = arith.cmpi slt, %scan3A_337, %sign3A_343 : i32
      %sign3A_345 = arith.extui %sign3A_344 : i1 to i32
      %sign3A_346 = arith.subi %sign3A_342, %sign3A_345 : i32
      %sign3A_347 = arith.constant 0 : i32
      %sign3A_348 = arith.cmpi sgt, %jit3A_340, %sign3A_347 : i32
      %sign3A_349 = arith.extui %sign3A_348 : i1 to i32
      %sign3A_350 = arith.constant 0 : i32
      %sign3A_351 = arith.cmpi slt, %jit3A_340, %sign3A_350 : i32
      %sign3A_352 = arith.extui %sign3A_351 : i1 to i32
      %sign3A_353 = arith.subi %sign3A_349, %sign3A_352 : i32
      %ne3A = arith.cmpi ne, %sign3A_346, %sign3A_353 : i32
      %rem3A = arith.remsi %scan3A_337, %jit3A_340 : i32
      %ne3A_354 = arith.constant 0 : i32
      %ne3A_355 = arith.cmpi ne, %rem3A, %ne3A_354 : i32
      %and3A = arith.andi %ne3A, %ne3A_355 : i1
      %sub3A = arith.constant 1 : i32
      %sub3A_356 = arith.subi %div3A, %sub3A : i32
      %select_n3A_357 = arith.select %and3A, %sub3A_356, %div3A : i32
      %jit3A_358 = arith.constant 8 : i32
      %eq3A_359 = arith.constant 0 : i32
      %eq3A_360 = arith.cmpi eq, %jit3A_358, %eq3A_359 : i32
      %jit3A_361 = arith.constant 1 : i32
      %select_n3A_362 = arith.select %eq3A_360, %jit3A_361, %jit3A_358 : i32
      %rem3A_363 = arith.remsi %scan3A_337, %select_n3A_362 : i32
      %ne3A_364 = arith.constant 0 : i32
      %ne3A_365 = arith.cmpi ne, %rem3A_363, %ne3A_364 : i32
      %lt3A = arith.constant 0 : i32
      %lt3A_366 = arith.cmpi slt, %rem3A_363, %lt3A : i32
      %lt3A_367 = arith.constant 0 : i32
      %lt3A_368 = arith.cmpi slt, %select_n3A_362, %lt3A_367 : i32
      %ne3A_369 = arith.xori %lt3A_366, %lt3A_368 : i1
      %and3A_370 = arith.andi %ne3A_369, %ne3A_365 : i1
      %add3A_371 = arith.addi %rem3A_363, %select_n3A_362 : i32
      %select_n3A_372 = arith.select %and3A_370, %add3A_371, %rem3A_363 : i32
      %mul3A_373 = arith.constant 16 : i32
      %mul3A_374 = arith.muli %select_n3A_372, %mul3A_373 : i32
      %swap3A = arith.constant 0 : i32
      %swap3A_375 = arith.index_cast %swap3A : i32 to index
      %swap3A_376 = arith.index_cast %select_n3A_357 : i32 to index
      %swap3A_377 = arith.index_cast %mul3A_374 : i32 to index
      %swap3A_378 = tpu.vector_load %arg9[%swap3A_375, %swap3A_376, %swap3A_377] {strides = array<i32>} : memref<3x120x128xf32, #tpu.memory_space<vmem>>, vector<1x1x16xf32>,
      %swap3A_379 = vector.shape_cast %swap3A_378 : vector<1x1x16xf32> to vector<16xf32>
      %swap3A_380 = vector.shape_cast %broadcast_in_dim3A_339 : vector<16xf32> to vector<1x1x16xf32>
      tpu.vector_store %arg9[%swap3A_375, %swap3A_376, %swap3A_377], %swap3A_380 {strides = array<i32>} : memref<3x120x128xf32, #tpu.memory_space<vmem>>, vector<1x1x16xf32>,
      %scan3A_381 = arith.constant 0 : i32
      scf.yield %scan3A_381 : i32
    }
    %scan3A_36 = arith.constant 960 : i32
    %scan3A_37 = arith.constant 0 : i32
    %scan3A_38 = arith.constant 0 : i32
    %scan3A_39 = arith.constant 960 : i32
    %scan3A_40 = arith.addi %scan3A_38, %scan3A_39 : i32
    %scan3A_41 = arith.constant 1 : i32
    %scan3A_42 = scf.for %scan3A_337 = %scan3A_38 to %scan3A_40 step %scan3A_41 iter_args(%scan3A_338 = %scan3A_37) -> (i32)  : i32 {
      %broadcast_in_dim3A = arith.constant 0.000000e+00 : f32
      %broadcast_in_dim3A_339 = vector.broadcast %broadcast_in_dim3A : f32 to vector<16xf32>
      %jit3A_340 = arith.constant 8 : i32
      %div3A = arith.divsi %scan3A_337, %jit3A_340 : i32
      %sign3A = arith.constant 0 : i32
      %sign3A_341 = arith.cmpi sgt, %scan3A_337, %sign3A : i32
      %sign3A_342 = arith.extui %sign3A_341 : i1 to i32
      %sign3A_343 = arith.constant 0 : i32
      %sign3A_344 = arith.cmpi slt, %scan3A_337, %sign3A_343 : i32
      %sign3A_345 = arith.extui %sign3A_344 : i1 to i32
      %sign3A_346 = arith.subi %sign3A_342, %sign3A_345 : i32
      %sign3A_347 = arith.constant 0 : i32
      %sign3A_348 = arith.cmpi sgt, %jit3A_340, %sign3A_347 : i32
      %sign3A_349 = arith.extui %sign3A_348 : i1 to i32
      %sign3A_350 = arith.constant 0 : i32
      %sign3A_351 = arith.cmpi slt, %jit3A_340, %sign3A_350 : i32
      %sign3A_352 = arith.extui %sign3A_351 : i1 to i32
      %sign3A_353 = arith.subi %sign3A_349, %sign3A_352 : i32
      %ne3A = arith.cmpi ne, %sign3A_346, %sign3A_353 : i32
      %rem3A = arith.remsi %scan3A_337, %jit3A_340 : i32
      %ne3A_354 = arith.constant 0 : i32
      %ne3A_355 = arith.cmpi ne, %rem3A, %ne3A_354 : i32
      %and3A = arith.andi %ne3A, %ne3A_355 : i1
      %sub3A = arith.constant 1 : i32
      %sub3A_356 = arith.subi %div3A, %sub3A : i32
      %select_n3A_357 = arith.select %and3A, %sub3A_356, %div3A : i32
      %jit3A_358 = arith.constant 8 : i32
      %eq3A_359 = arith.constant 0 : i32
      %eq3A_360 = arith.cmpi eq, %jit3A_358, %eq3A_359 : i32
      %jit3A_361 = arith.constant 1 : i32
      %select_n3A_362 = arith.select %eq3A_360, %jit3A_361, %jit3A_358 : i32
      %rem3A_363 = arith.remsi %scan3A_337, %select_n3A_362 : i32
      %ne3A_364 = arith.constant 0 : i32
      %ne3A_365 = arith.cmpi ne, %rem3A_363, %ne3A_364 : i32
      %lt3A = arith.constant 0 : i32
      %lt3A_366 = arith.cmpi slt, %rem3A_363, %lt3A : i32
      %lt3A_367 = arith.constant 0 : i32
      %lt3A_368 = arith.cmpi slt, %select_n3A_362, %lt3A_367 : i32
      %ne3A_369 = arith.xori %lt3A_366, %lt3A_368 : i1
      %and3A_370 = arith.andi %ne3A_369, %ne3A_365 : i1
      %add3A_371 = arith.addi %rem3A_363, %select_n3A_362 : i32
      %select_n3A_372 = arith.select %and3A_370, %add3A_371, %rem3A_363 : i32
      %mul3A_373 = arith.constant 16 : i32
      %mul3A_374 = arith.muli %select_n3A_372, %mul3A_373 : i32
      %swap3A = arith.constant 1 : i32
      %swap3A_375 = arith.index_cast %swap3A : i32 to index
      %swap3A_376 = arith.index_cast %select_n3A_357 : i32 to index
      %swap3A_377 = arith.index_cast %mul3A_374 : i32 to index
      %swap3A_378 = tpu.vector_load %arg9[%swap3A_375, %swap3A_376, %swap3A_377] {strides = array<i32>} : memref<3x120x128xf32, #tpu.memory_space<vmem>>, vector<1x1x16xf32>,
      %swap3A_379 = vector.shape_cast %swap3A_378 : vector<1x1x16xf32> to vector<16xf32>
      %swap3A_380 = vector.shape_cast %broadcast_in_dim3A_339 : vector<16xf32> to vector<1x1x16xf32>
      tpu.vector_store %arg9[%swap3A_375, %swap3A_376, %swap3A_377], %swap3A_380 {strides = array<i32>} : memref<3x120x128xf32, #tpu.memory_space<vmem>>, vector<1x1x16xf32>,
      %scan3A_381 = arith.constant 0 : i32
      scf.yield %scan3A_381 : i32
    }
    %scan3A_43 = arith.constant 960 : i32
    %add3A_44 = arith.constant 0 : i32
    %add3A_45 = arith.addi %multiple_of3A, %add3A_44 : i32
    %run_scoped3A = arith.constant 1 : i32
    "tpu.region"() ({
      %run_scoped3A_337 = tpu.sem_alloc : memref<!tpu.dma_semaphore, #tpu.memory_space<semaphore_mem>>
      %dma_start3A_338 = arith.constant 0 : i32
      %dma_start3A_339 = arith.constant 0 : i32
      %dma_start3A_340 = tpu.memref_slice %arg9[%run_scoped3A, %dma_start3A_338, %dma_start3A_339] : memref<3x120x128xf32, #tpu.memory_space<vmem>> -> memref<1x120x128xf32, #tpu.memory_space<vmem>>
      %dma_start3A_341 = tpu.memref_squeeze %dma_start3A_340 : memref<1x120x128xf32, #tpu.memory_space<vmem>> -> memref<120x128xf32, #tpu.memory_space<vmem>>
      %dma_start3A_342 = arith.constant 0 : i32
      %dma_start3A_343 = tpu.memref_slice %arg10[%add3A_45, %dma_start3A_342] : memref<10112x128xf32, #tpu.memory_space<vmem_shared>> -> memref<120x128xf32, #tpu.memory_space<vmem_shared>>
      %dma_start3A_344 = arith.constant 0 : i32
      %dma_start3A_345 = tpu.memref_slice %arg10[%add3A_45, %dma_start3A_344] : memref<10112x128xf32, #tpu.memory_space<vmem_shared>> -> memref<120x128xf32, #tpu.memory_space<vmem_shared>>
      %dma_start3A_346 = arith.constant 0 : i32
      %dma_start3A_347 = arith.constant 0 : i32
      %dma_start3A_348 = tpu.memref_slice %arg9[%run_scoped3A, %dma_start3A_346, %dma_start3A_347] : memref<3x120x128xf32, #tpu.memory_space<vmem>> -> memref<1x120x128xf32, #tpu.memory_space<vmem>>
      %dma_start3A_349 = tpu.memref_squeeze %dma_start3A_348 : memref<1x120x128xf32, #tpu.memory_space<vmem>> -> memref<120x128xf32, #tpu.memory_space<vmem>>
      tpu.enqueue_dma source(%dma_start3A_349 : memref<120x128xf32, #tpu.memory_space<vmem>>) target(%dma_start3A_345 : memref<120x128xf32, #tpu.memory_space<vmem_shared>>) target_semaphore(%run_scoped3A_337 : memref<!tpu.dma_semaphore, #tpu.memory_space<semaphore_mem>>)
      %dma_wait3A_350 = arith.constant 0 : i32
      %dma_wait3A_351 = arith.constant 0 : i32
      %dma_wait3A_352 = tpu.memref_slice %arg9[%run_scoped3A, %dma_wait3A_350, %dma_wait3A_351] : memref<3x120x128xf32, #tpu.memory_space<vmem>> -> memref<1x120x128xf32, #tpu.memory_space<vmem>>
      %dma_wait3A_353 = tpu.memref_squeeze %dma_wait3A_352 : memref<1x120x128xf32, #tpu.memory_space<vmem>> -> memref<120x128xf32, #tpu.memory_space<vmem>>
      %dma_wait3A_354 = arith.constant 0 : i32
      %dma_wait3A_355 = tpu.memref_slice %arg10[%add3A_45, %dma_wait3A_354] : memref<10112x128xf32, #tpu.memory_space<vmem_shared>> -> memref<120x128xf32, #tpu.memory_space<vmem_shared>>
      %dma_wait3A_356 = arith.constant 0 : i32
      %dma_wait3A_357 = tpu.memref_slice %arg10[%add3A_45, %dma_wait3A_356] : memref<10112x128xf32, #tpu.memory_space<vmem_shared>> -> memref<120x128xf32, #tpu.memory_space<vmem_shared>>
      %dma_wait3A_358 = arith.constant 0 : i32
      %dma_wait3A_359 = arith.constant 0 : i32
      %dma_wait3A_360 = tpu.memref_slice %arg9[%run_scoped3A, %dma_wait3A_358, %dma_wait3A_359] : memref<3x120x128xf32, #tpu.memory_space<vmem>> -> memref<1x120x128xf32, #tpu.memory_space<vmem>>
      %dma_wait3A_361 = tpu.memref_squeeze %dma_wait3A_360 : memref<1x120x128xf32, #tpu.memory_space<vmem>> -> memref<120x128xf32, #tpu.memory_space<vmem>>
      tpu.wait_dma2 semaphore(%run_scoped3A_337 : memref<!tpu.dma_semaphore, #tpu.memory_space<semaphore_mem>>) src(%dma_wait3A_361 : memref<120x128xf32, #tpu.memory_space<vmem>>) dst(%dma_wait3A_357 : memref<120x128xf32, #tpu.memory_space<vmem_shared>>)
      tpu.yield
    }) : () -> ()
    %add3A_46 = arith.constant 120 : i32
    %add3A_47 = arith.addi %multiple_of3A, %add3A_46 : i32
    %run_scoped3A_48 = arith.constant 1 : i32
    "tpu.region"() ({
      %run_scoped3A_337 = tpu.sem_alloc : memref<!tpu.dma_semaphore, #tpu.memory_space<semaphore_mem>>
      %dma_start3A_338 = arith.constant 0 : i32
      %dma_start3A_339 = arith.constant 0 : i32
      %dma_start3A_340 = tpu.memref_slice %arg9[%run_scoped3A_48, %dma_start3A_338, %dma_start3A_339] : memref<3x120x128xf32, #tpu.memory_space<vmem>> -> memref<1x120x128xf32, #tpu.memory_space<vmem>>
      %dma_start3A_341 = tpu.memref_squeeze %dma_start3A_340 : memref<1x120x128xf32, #tpu.memory_space<vmem>> -> memref<120x128xf32, #tpu.memory_space<vmem>>
      %dma_start3A_342 = arith.constant 0 : i32
      %dma_start3A_343 = tpu.memref_slice %arg10[%add3A_47, %dma_start3A_342] : memref<10112x128xf32, #tpu.memory_space<vmem_shared>> -> memref<120x128xf32, #tpu.memory_space<vmem_shared>>
      %dma_start3A_344 = arith.constant 0 : i32
      %dma_start3A_345 = tpu.memref_slice %arg10[%add3A_47, %dma_start3A_344] : memref<10112x128xf32, #tpu.memory_space<vmem_shared>> -> memref<120x128xf32, #tpu.memory_space<vmem_shared>>
      %dma_start3A_346 = arith.constant 0 : i32
      %dma_start3A_347 = arith.constant 0 : i32
      %dma_start3A_348 = tpu.memref_slice %arg9[%run_scoped3A_48, %dma_start3A_346, %dma_start3A_347] : memref<3x120x128xf32, #tpu.memory_space<vmem>> -> memref<1x120x128xf32, #tpu.memory_space<vmem>>
      %dma_start3A_349 = tpu.memref_squeeze %dma_start3A_348 : memref<1x120x128xf32, #tpu.memory_space<vmem>> -> memref<120x128xf32, #tpu.memory_space<vmem>>
      tpu.enqueue_dma source(%dma_start3A_349 : memref<120x128xf32, #tpu.memory_space<vmem>>) target(%dma_start3A_345 : memref<120x128xf32, #tpu.memory_space<vmem_shared>>) target_semaphore(%run_scoped3A_337 : memref<!tpu.dma_semaphore, #tpu.memory_space<semaphore_mem>>)
      %dma_wait3A_350 = arith.constant 0 : i32
      %dma_wait3A_351 = arith.constant 0 : i32
      %dma_wait3A_352 = tpu.memref_slice %arg9[%run_scoped3A_48, %dma_wait3A_350, %dma_wait3A_351] : memref<3x120x128xf32, #tpu.memory_space<vmem>> -> memref<1x120x128xf32, #tpu.memory_space<vmem>>
      %dma_wait3A_353 = tpu.memref_squeeze %dma_wait3A_352 : memref<1x120x128xf32, #tpu.memory_space<vmem>> -> memref<120x128xf32, #tpu.memory_space<vmem>>
      %dma_wait3A_354 = arith.constant 0 : i32
      %dma_wait3A_355 = tpu.memref_slice %arg10[%add3A_47, %dma_wait3A_354] : memref<10112x128xf32, #tpu.memory_space<vmem_shared>> -> memref<120x128xf32, #tpu.memory_space<vmem_shared>>
      %dma_wait3A_356 = arith.constant 0 : i32
      %dma_wait3A_357 = tpu.memref_slice %arg10[%add3A_47, %dma_wait3A_356] : memref<10112x128xf32, #tpu.memory_space<vmem_shared>> -> memref<120x128xf32, #tpu.memory_space<vmem_shared>>
      %dma_wait3A_358 = arith.constant 0 : i32
      %dma_wait3A_359 = arith.constant 0 : i32
      %dma_wait3A_360 = tpu.memref_slice %arg9[%run_scoped3A_48, %dma_wait3A_358, %dma_wait3A_359] : memref<3x120x128xf32, #tpu.memory_space<vmem>> -> memref<1x120x128xf32, #tpu.memory_space<vmem>>
      %dma_wait3A_361 = tpu.memref_squeeze %dma_wait3A_360 : memref<1x120x128xf32, #tpu.memory_space<vmem>> -> memref<120x128xf32, #tpu.memory_space<vmem>>
      tpu.wait_dma2 semaphore(%run_scoped3A_337 : memref<!tpu.dma_semaphore, #tpu.memory_space<semaphore_mem>>) src(%dma_wait3A_361 : memref<120x128xf32, #tpu.memory_space<vmem>>) dst(%dma_wait3A_357 : memref<120x128xf32, #tpu.memory_space<vmem_shared>>)
      tpu.yield
    }) : () -> ()
    %add3A_49 = arith.constant 240 : i32
    %add3A_50 = arith.addi %multiple_of3A, %add3A_49 : i32
    %run_scoped3A_51 = arith.constant 1 : i32
    "tpu.region"() ({
      %run_scoped3A_337 = tpu.sem_alloc : memref<!tpu.dma_semaphore, #tpu.memory_space<semaphore_mem>>
      %dma_start3A_338 = arith.constant 0 : i32
      %dma_start3A_339 = arith.constant 0 : i32
      %dma_start3A_340 = tpu.memref_slice %arg9[%run_scoped3A_51, %dma_start3A_338, %dma_start3A_339] : memref<3x120x128xf32, #tpu.memory_space<vmem>> -> memref<1x120x128xf32, #tpu.memory_space<vmem>>
      %dma_start3A_341 = tpu.memref_squeeze %dma_start3A_340 : memref<1x120x128xf32, #tpu.memory_space<vmem>> -> memref<120x128xf32, #tpu.memory_space<vmem>>
      %dma_start3A_342 = arith.constant 0 : i32
      %dma_start3A_343 = tpu.memref_slice %arg10[%add3A_50, %dma_start3A_342] : memref<10112x128xf32, #tpu.memory_space<vmem_shared>> -> memref<120x128xf32, #tpu.memory_space<vmem_shared>>
      %dma_start3A_344 = arith.constant 0 : i32
      %dma_start3A_345 = tpu.memref_slice %arg10[%add3A_50, %dma_start3A_344] : memref<10112x128xf32, #tpu.memory_space<vmem_shared>> -> memref<120x128xf32, #tpu.memory_space<vmem_shared>>
      %dma_start3A_346 = arith.constant 0 : i32
      %dma_start3A_347 = arith.constant 0 : i32
      %dma_start3A_348 = tpu.memref_slice %arg9[%run_scoped3A_51, %dma_start3A_346, %dma_start3A_347] : memref<3x120x128xf32, #tpu.memory_space<vmem>> -> memref<1x120x128xf32, #tpu.memory_space<vmem>>
      %dma_start3A_349 = tpu.memref_squeeze %dma_start3A_348 : memref<1x120x128xf32, #tpu.memory_space<vmem>> -> memref<120x128xf32, #tpu.memory_space<vmem>>
      tpu.enqueue_dma source(%dma_start3A_349 : memref<120x128xf32, #tpu.memory_space<vmem>>) target(%dma_start3A_345 : memref<120x128xf32, #tpu.memory_space<vmem_shared>>) target_semaphore(%run_scoped3A_337 : memref<!tpu.dma_semaphore, #tpu.memory_space<semaphore_mem>>)
      %dma_wait3A_350 = arith.constant 0 : i32
      %dma_wait3A_351 = arith.constant 0 : i32
      %dma_wait3A_352 = tpu.memref_slice %arg9[%run_scoped3A_51, %dma_wait3A_350, %dma_wait3A_351] : memref<3x120x128xf32, #tpu.memory_space<vmem>> -> memref<1x120x128xf32, #tpu.memory_space<vmem>>
      %dma_wait3A_353 = tpu.memref_squeeze %dma_wait3A_352 : memref<1x120x128xf32, #tpu.memory_space<vmem>> -> memref<120x128xf32, #tpu.memory_space<vmem>>
      %dma_wait3A_354 = arith.constant 0 : i32
      %dma_wait3A_355 = tpu.memref_slice %arg10[%add3A_50, %dma_wait3A_354] : memref<10112x128xf32, #tpu.memory_space<vmem_shared>> -> memref<120x128xf32, #tpu.memory_space<vmem_shared>>
      %dma_wait3A_356 = arith.constant 0 : i32
      %dma_wait3A_357 = tpu.memref_slice %arg10[%add3A_50, %dma_wait3A_356] : memref<10112x128xf32, #tpu.memory_space<vmem_shared>> -> memref<120x128xf32, #tpu.memory_space<vmem_shared>>
      %dma_wait3A_358 = arith.constant 0 : i32
      %dma_wait3A_359 = arith.constant 0 : i32
      %dma_wait3A_360 = tpu.memref_slice %arg9[%run_scoped3A_51, %dma_wait3A_358, %dma_wait3A_359] : memref<3x120x128xf32, #tpu.memory_space<vmem>> -> memref<1x120x128xf32, #tpu.memory_space<vmem>>
      %dma_wait3A_361 = tpu.memref_squeeze %dma_wait3A_360 : memref<1x120x128xf32, #tpu.memory_space<vmem>> -> memref<120x128xf32, #tpu.memory_space<vmem>>
      tpu.wait_dma2 semaphore(%run_scoped3A_337 : memref<!tpu.dma_semaphore, #tpu.memory_space<semaphore_mem>>) src(%dma_wait3A_361 : memref<120x128xf32, #tpu.memory_space<vmem>>) dst(%dma_wait3A_357 : memref<120x128xf32, #tpu.memory_space<vmem_shared>>)
      tpu.yield
    }) : () -> ()
    %add3A_52 = arith.constant 360 : i32
    %add3A_53 = arith.addi %multiple_of3A, %add3A_52 : i32
    %run_scoped3A_54 = arith.constant 1 : i32
    "tpu.region"() ({
      %run_scoped3A_337 = tpu.sem_alloc : memref<!tpu.dma_semaphore, #tpu.memory_space<semaphore_mem>>
      %dma_start3A_338 = arith.constant 0 : i32
      %dma_start3A_339 = arith.constant 0 : i32
      %dma_start3A_340 = tpu.memref_slice %arg9[%run_scoped3A_54, %dma_start3A_338, %dma_start3A_339] : memref<3x120x128xf32, #tpu.memory_space<vmem>> -> memref<1x120x128xf32, #tpu.memory_space<vmem>>
      %dma_start3A_341 = tpu.memref_squeeze %dma_start3A_340 : memref<1x120x128xf32, #tpu.memory_space<vmem>> -> memref<120x128xf32, #tpu.memory_space<vmem>>
      %dma_start3A_342 = arith.constant 0 : i32
      %dma_start3A_343 = tpu.memref_slice %arg10[%add3A_53, %dma_start3A_342] : memref<10112x128xf32, #tpu.memory_space<vmem_shared>> -> memref<120x128xf32, #tpu.memory_space<vmem_shared>>
      %dma_start3A_344 = arith.constant 0 : i32
      %dma_start3A_345 = tpu.memref_slice %arg10[%add3A_53, %dma_start3A_344] : memref<10112x128xf32, #tpu.memory_space<vmem_shared>> -> memref<120x128xf32, #tpu.memory_space<vmem_shared>>
      %dma_start3A_346 = arith.constant 0 : i32
      %dma_start3A_347 = arith.constant 0 : i32
      %dma_start3A_348 = tpu.memref_slice %arg9[%run_scoped3A_54, %dma_start3A_346, %dma_start3A_347] : memref<3x120x128xf32, #tpu.memory_space<vmem>> -> memref<1x120x128xf32, #tpu.memory_space<vmem>>
      %dma_start3A_349 = tpu.memref_squeeze %dma_start3A_348 : memref<1x120x128xf32, #tpu.memory_space<vmem>> -> memref<120x128xf32, #tpu.memory_space<vmem>>
      tpu.enqueue_dma source(%dma_start3A_349 : memref<120x128xf32, #tpu.memory_space<vmem>>) target(%dma_start3A_345 : memref<120x128xf32, #tpu.memory_space<vmem_shared>>) target_semaphore(%run_scoped3A_337 : memref<!tpu.dma_semaphore, #tpu.memory_space<semaphore_mem>>)
      %dma_wait3A_350 = arith.constant 0 : i32
      %dma_wait3A_351 = arith.constant 0 : i32
      %dma_wait3A_352 = tpu.memref_slice %arg9[%run_scoped3A_54, %dma_wait3A_350, %dma_wait3A_351] : memref<3x120x128xf32, #tpu.memory_space<vmem>> -> memref<1x120x128xf32, #tpu.memory_space<vmem>>
      %dma_wait3A_353 = tpu.memref_squeeze %dma_wait3A_352 : memref<1x120x128xf32, #tpu.memory_space<vmem>> -> memref<120x128xf32, #tpu.memory_space<vmem>>
      %dma_wait3A_354 = arith.constant 0 : i32
      %dma_wait3A_355 = tpu.memref_slice %arg10[%add3A_53, %dma_wait3A_354] : memref<10112x128xf32, #tpu.memory_space<vmem_shared>> -> memref<120x128xf32, #tpu.memory_space<vmem_shared>>
      %dma_wait3A_356 = arith.constant 0 : i32
      %dma_wait3A_357 = tpu.memref_slice %arg10[%add3A_53, %dma_wait3A_356] : memref<10112x128xf32, #tpu.memory_space<vmem_shared>> -> memref<120x128xf32, #tpu.memory_space<vmem_shared>>
      %dma_wait3A_358 = arith.constant 0 : i32
      %dma_wait3A_359 = arith.constant 0 : i32
      %dma_wait3A_360 = tpu.memref_slice %arg9[%run_scoped3A_54, %dma_wait3A_358, %dma_wait3A_359] : memref<3x120x128xf32, #tpu.memory_space<vmem>> -> memref<1x120x128xf32, #tpu.memory_space<vmem>>
      %dma_wait3A_361 = tpu.memref_squeeze %dma_wait3A_360 : memref<1x120x128xf32, #tpu.memory_space<vmem>> -> memref<120x128xf32, #tpu.memory_space<vmem>>
      tpu.wait_dma2 semaphore(%run_scoped3A_337 : memref<!tpu.dma_semaphore, #tpu.memory_space<semaphore_mem>>) src(%dma_wait3A_361 : memref<120x128xf32, #tpu.memory_space<vmem>>) dst(%dma_wait3A_357 : memref<120x128xf32, #tpu.memory_space<vmem_shared>>)
      tpu.yield
    }) : () -> ()
    %add3A_55 = arith.constant 480 : i32
    %add3A_56 = arith.addi %multiple_of3A, %add3A_55 : i32
    %run_scoped3A_57 = arith.constant 1 : i32
    "tpu.region"() ({
      %run_scoped3A_337 = tpu.sem_alloc : memref<!tpu.dma_semaphore, #tpu.memory_space<semaphore_mem>>
      %dma_start3A_338 = arith.constant 0 : i32
      %dma_start3A_339 = arith.constant 0 : i32
      %dma_start3A_340 = tpu.memref_slice %arg9[%run_scoped3A_57, %dma_start3A_338, %dma_start3A_339] : memref<3x120x128xf32, #tpu.memory_space<vmem>> -> memref<1x120x128xf32, #tpu.memory_space<vmem>>
      %dma_start3A_341 = tpu.memref_squeeze %dma_start3A_340 : memref<1x120x128xf32, #tpu.memory_space<vmem>> -> memref<120x128xf32, #tpu.memory_space<vmem>>
      %dma_start3A_342 = arith.constant 0 : i32
      %dma_start3A_343 = tpu.memref_slice %arg10[%add3A_56, %dma_start3A_342] : memref<10112x128xf32, #tpu.memory_space<vmem_shared>> -> memref<120x128xf32, #tpu.memory_space<vmem_shared>>
      %dma_start3A_344 = arith.constant 0 : i32
      %dma_start3A_345 = tpu.memref_slice %arg10[%add3A_56, %dma_start3A_344] : memref<10112x128xf32, #tpu.memory_space<vmem_shared>> -> memref<120x128xf32, #tpu.memory_space<vmem_shared>>
      %dma_start3A_346 = arith.constant 0 : i32
      %dma_start3A_347 = arith.constant 0 : i32
      %dma_start3A_348 = tpu.memref_slice %arg9[%run_scoped3A_57, %dma_start3A_346, %dma_start3A_347] : memref<3x120x128xf32, #tpu.memory_space<vmem>> -> memref<1x120x128xf32, #tpu.memory_space<vmem>>
      %dma_start3A_349 = tpu.memref_squeeze %dma_start3A_348 : memref<1x120x128xf32, #tpu.memory_space<vmem>> -> memref<120x128xf32, #tpu.memory_space<vmem>>
      tpu.enqueue_dma source(%dma_start3A_349 : memref<120x128xf32, #tpu.memory_space<vmem>>) target(%dma_start3A_345 : memref<120x128xf32, #tpu.memory_space<vmem_shared>>) target_semaphore(%run_scoped3A_337 : memref<!tpu.dma_semaphore, #tpu.memory_space<semaphore_mem>>)
      %dma_wait3A_350 = arith.constant 0 : i32
      %dma_wait3A_351 = arith.constant 0 : i32
      %dma_wait3A_352 = tpu.memref_slice %arg9[%run_scoped3A_57, %dma_wait3A_350, %dma_wait3A_351] : memref<3x120x128xf32, #tpu.memory_space<vmem>> -> memref<1x120x128xf32, #tpu.memory_space<vmem>>
      %dma_wait3A_353 = tpu.memref_squeeze %dma_wait3A_352 : memref<1x120x128xf32, #tpu.memory_space<vmem>> -> memref<120x128xf32, #tpu.memory_space<vmem>>
      %dma_wait3A_354 = arith.constant 0 : i32
      %dma_wait3A_355 = tpu.memref_slice %arg10[%add3A_56, %dma_wait3A_354] : memref<10112x128xf32, #tpu.memory_space<vmem_shared>> -> memref<120x128xf32, #tpu.memory_space<vmem_shared>>
      %dma_wait3A_356 = arith.constant 0 : i32
      %dma_wait3A_357 = tpu.memref_slice %arg10[%add3A_56, %dma_wait3A_356] : memref<10112x128xf32, #tpu.memory_space<vmem_shared>> -> memref<120x128xf32, #tpu.memory_space<vmem_shared>>
      %dma_wait3A_358 = arith.constant 0 : i32
      %dma_wait3A_359 = arith.constant 0 : i32
      %dma_wait3A_360 = tpu.memref_slice %arg9[%run_scoped3A_57, %dma_wait3A_358, %dma_wait3A_359] : memref<3x120x128xf32, #tpu.memory_space<vmem>> -> memref<1x120x128xf32, #tpu.memory_space<vmem>>
      %dma_wait3A_361 = tpu.memref_squeeze %dma_wait3A_360 : memref<1x120x128xf32, #tpu.memory_space<vmem>> -> memref<120x128xf32, #tpu.memory_space<vmem>>
      tpu.wait_dma2 semaphore(%run_scoped3A_337 : memref<!tpu.dma_semaphore, #tpu.memory_space<semaphore_mem>>) src(%dma_wait3A_361 : memref<120x128xf32, #tpu.memory_space<vmem>>) dst(%dma_wait3A_357 : memref<120x128xf32, #tpu.memory_space<vmem_shared>>)
      tpu.yield
    }) : () -> ()
    %add3A_58 = arith.constant 600 : i32
    %add3A_59 = arith.addi %multiple_of3A, %add3A_58 : i32
    %run_scoped3A_60 = arith.constant 1 : i32
    "tpu.region"() ({
      %run_scoped3A_337 = tpu.sem_alloc : memref<!tpu.dma_semaphore, #tpu.memory_space<semaphore_mem>>
      %dma_start3A_338 = arith.constant 0 : i32
      %dma_start3A_339 = arith.constant 0 : i32
      %dma_start3A_340 = tpu.memref_slice %arg9[%run_scoped3A_60, %dma_start3A_338, %dma_start3A_339] : memref<3x120x128xf32, #tpu.memory_space<vmem>> -> memref<1x32x128xf32, #tpu.memory_space<vmem>>
      %dma_start3A_341 = tpu.memref_squeeze %dma_start3A_340 : memref<1x32x128xf32, #tpu.memory_space<vmem>> -> memref<32x128xf32, #tpu.memory_space<vmem>>
      %dma_start3A_342 = arith.constant 0 : i32
      %dma_start3A_343 = tpu.memref_slice %arg10[%add3A_59, %dma_start3A_342] : memref<10112x128xf32, #tpu.memory_space<vmem_shared>> -> memref<32x128xf32, #tpu.memory_space<vmem_shared>>
      %dma_start3A_344 = arith.constant 0 : i32
      %dma_start3A_345 = tpu.memref_slice %arg10[%add3A_59, %dma_start3A_344] : memref<10112x128xf32, #tpu.memory_space<vmem_shared>> -> memref<32x128xf32, #tpu.memory_space<vmem_shared>>
      %dma_start3A_346 = arith.constant 0 : i32
      %dma_start3A_347 = arith.constant 0 : i32
      %dma_start3A_348 = tpu.memref_slice %arg9[%run_scoped3A_60, %dma_start3A_346, %dma_start3A_347] : memref<3x120x128xf32, #tpu.memory_space<vmem>> -> memref<1x32x128xf32, #tpu.memory_space<vmem>>
      %dma_start3A_349 = tpu.memref_squeeze %dma_start3A_348 : memref<1x32x128xf32, #tpu.memory_space<vmem>> -> memref<32x128xf32, #tpu.memory_space<vmem>>
      tpu.enqueue_dma source(%dma_start3A_349 : memref<32x128xf32, #tpu.memory_space<vmem>>) target(%dma_start3A_345 : memref<32x128xf32, #tpu.memory_space<vmem_shared>>) target_semaphore(%run_scoped3A_337 : memref<!tpu.dma_semaphore, #tpu.memory_space<semaphore_mem>>)
      %dma_wait3A_350 = arith.constant 0 : i32
      %dma_wait3A_351 = arith.constant 0 : i32
      %dma_wait3A_352 = tpu.memref_slice %arg9[%run_scoped3A_60, %dma_wait3A_350, %dma_wait3A_351] : memref<3x120x128xf32, #tpu.memory_space<vmem>> -> memref<1x32x128xf32, #tpu.memory_space<vmem>>
      %dma_wait3A_353 = tpu.memref_squeeze %dma_wait3A_352 : memref<1x32x128xf32, #tpu.memory_space<vmem>> -> memref<32x128xf32, #tpu.memory_space<vmem>>
      %dma_wait3A_354 = arith.constant 0 : i32
      %dma_wait3A_355 = tpu.memref_slice %arg10[%add3A_59, %dma_wait3A_354] : memref<10112x128xf32, #tpu.memory_space<vmem_shared>> -> memref<32x128xf32, #tpu.memory_space<vmem_shared>>
      %dma_wait3A_356 = arith.constant 0 : i32
      %dma_wait3A_357 = tpu.memref_slice %arg10[%add3A_59, %dma_wait3A_356] : memref<10112x128xf32, #tpu.memory_space<vmem_shared>> -> memref<32x128xf32, #tpu.memory_space<vmem_shared>>
      %dma_wait3A_358 = arith.constant 0 : i32
      %dma_wait3A_359 = arith.constant 0 : i32
      %dma_wait3A_360 = tpu.memref_slice %arg9[%run_scoped3A_60, %dma_wait3A_358, %dma_wait3A_359] : memref<3x120x128xf32, #tpu.memory_space<vmem>> -> memref<1x32x128xf32, #tpu.memory_space<vmem>>
      %dma_wait3A_361 = tpu.memref_squeeze %dma_wait3A_360 : memref<1x32x128xf32, #tpu.memory_space<vmem>> -> memref<32x128xf32, #tpu.memory_space<vmem>>
      tpu.wait_dma2 semaphore(%run_scoped3A_337 : memref<!tpu.dma_semaphore, #tpu.memory_space<semaphore_mem>>) src(%dma_wait3A_361 : memref<32x128xf32, #tpu.memory_space<vmem>>) dst(%dma_wait3A_357 : memref<32x128xf32, #tpu.memory_space<vmem_shared>>)
      tpu.yield
    }) : () -> ()
    %barrier3A = arith.constant 0 : index
    tpu.barrier barrier_id(%barrier3A)
    %add3A_61 = arith.constant 0 : i32
    %add3A_62 = arith.addi %select_n3A_22, %add3A_61 : i32
    %dma_start3A = arith.constant 0 : i32
    %dma_start3A_63 = arith.constant 0 : i32
    %dma_start3A_64 = tpu.memref_slice %arg8[%dma_start3A, %dma_start3A_63] : memref<4x120xi32, #tpu.memory_space<vmem>> -> memref<1x120xi32, #tpu.memory_space<vmem>>
    %dma_start3A_65 = tpu.memref_squeeze %dma_start3A_64 : memref<1x120xi32, #tpu.memory_space<vmem>> -> memref<120xi32, #tpu.memory_space<vmem>>
    %dma_start3A_66 = arith.constant 0 : i32
    %dma_start3A_67 = tpu.memref_slice %arg4[%add3A_62, %dma_start3A_66] : memref<2672x120xi32, #tpu.memory_space<hbm>> -> memref<1x120xi32, #tpu.memory_space<hbm>>
    %dma_start3A_68 = tpu.memref_squeeze %dma_start3A_67 : memref<1x120xi32, #tpu.memory_space<hbm>> -> memref<120xi32, #tpu.memory_space<hbm>>
    %dma_start3A_69 = arith.constant 0 : i32
    %dma_start3A_70 = tpu.memref_slice %arg8[%dma_start3A, %dma_start3A_69] : memref<4x120xi32, #tpu.memory_space<vmem>> -> memref<1x120xi32, #tpu.memory_space<vmem>>
    %dma_start3A_71 = tpu.memref_squeeze %dma_start3A_70 : memref<1x120xi32, #tpu.memory_space<vmem>> -> memref<120xi32, #tpu.memory_space<vmem>>
    %dma_start3A_72 = arith.constant 0 : i32
    %dma_start3A_73 = tpu.memref_slice %arg4[%add3A_62, %dma_start3A_72] : memref<2672x120xi32, #tpu.memory_space<hbm>> -> memref<1x120xi32, #tpu.memory_space<hbm>>
    %dma_start3A_74 = tpu.memref_squeeze %dma_start3A_73 : memref<1x120xi32, #tpu.memory_space<hbm>> -> memref<120xi32, #tpu.memory_space<hbm>>
    tpu.enqueue_dma source(%dma_start3A_74 : memref<120xi32, #tpu.memory_space<hbm>>) target(%dma_start3A_71 : memref<120xi32, #tpu.memory_space<vmem>>) target_semaphore(%arg14 : memref<!tpu.dma_semaphore, #tpu.memory_space<semaphore_mem>>)
    %add3A_75 = arith.constant 1 : i32
    %add3A_76 = arith.addi %select_n3A_22, %add3A_75 : i32
    %dma_start3A_77 = arith.constant 1 : i32
    %dma_start3A_78 = arith.constant 0 : i32
    %dma_start3A_79 = tpu.memref_slice %arg8[%dma_start3A_77, %dma_start3A_78] : memref<4x120xi32, #tpu.memory_space<vmem>> -> memref<1x120xi32, #tpu.memory_space<vmem>>
    %dma_start3A_80 = tpu.memref_squeeze %dma_start3A_79 : memref<1x120xi32, #tpu.memory_space<vmem>> -> memref<120xi32, #tpu.memory_space<vmem>>
    %dma_start3A_81 = arith.constant 0 : i32
    %dma_start3A_82 = tpu.memref_slice %arg4[%add3A_76, %dma_start3A_81] : memref<2672x120xi32, #tpu.memory_space<hbm>> -> memref<1x120xi32, #tpu.memory_space<hbm>>
    %dma_start3A_83 = tpu.memref_squeeze %dma_start3A_82 : memref<1x120xi32, #tpu.memory_space<hbm>> -> memref<120xi32, #tpu.memory_space<hbm>>
    %dma_start3A_84 = arith.constant 0 : i32
    %dma_start3A_85 = tpu.memref_slice %arg8[%dma_start3A_77, %dma_start3A_84] : memref<4x120xi32, #tpu.memory_space<vmem>> -> memref<1x120xi32, #tpu.memory_space<vmem>>
    %dma_start3A_86 = tpu.memref_squeeze %dma_start3A_85 : memref<1x120xi32, #tpu.memory_space<vmem>> -> memref<120xi32, #tpu.memory_space<vmem>>
    %dma_start3A_87 = arith.constant 0 : i32
    %dma_start3A_88 = tpu.memref_slice %arg4[%add3A_76, %dma_start3A_87] : memref<2672x120xi32, #tpu.memory_space<hbm>> -> memref<1x120xi32, #tpu.memory_space<hbm>>
    %dma_start3A_89 = tpu.memref_squeeze %dma_start3A_88 : memref<1x120xi32, #tpu.memory_space<hbm>> -> memref<120xi32, #tpu.memory_space<hbm>>
    tpu.enqueue_dma source(%dma_start3A_89 : memref<120xi32, #tpu.memory_space<hbm>>) target(%dma_start3A_86 : memref<120xi32, #tpu.memory_space<vmem>>) target_semaphore(%arg14 : memref<!tpu.dma_semaphore, #tpu.memory_space<semaphore_mem>>)
    %add3A_90 = arith.constant 2 : i32
    %add3A_91 = arith.addi %select_n3A_22, %add3A_90 : i32
    %dma_start3A_92 = arith.constant 2 : i32
    %dma_start3A_93 = arith.constant 0 : i32
    %dma_start3A_94 = tpu.memref_slice %arg8[%dma_start3A_92, %dma_start3A_93] : memref<4x120xi32, #tpu.memory_space<vmem>> -> memref<1x120xi32, #tpu.memory_space<vmem>>
    %dma_start3A_95 = tpu.memref_squeeze %dma_start3A_94 : memref<1x120xi32, #tpu.memory_space<vmem>> -> memref<120xi32, #tpu.memory_space<vmem>>
    %dma_start3A_96 = arith.constant 0 : i32
    %dma_start3A_97 = tpu.memref_slice %arg4[%add3A_91, %dma_start3A_96] : memref<2672x120xi32, #tpu.memory_space<hbm>> -> memref<1x120xi32, #tpu.memory_space<hbm>>
    %dma_start3A_98 = tpu.memref_squeeze %dma_start3A_97 : memref<1x120xi32, #tpu.memory_space<hbm>> -> memref<120xi32, #tpu.memory_space<hbm>>
    %dma_start3A_99 = arith.constant 0 : i32
    %dma_start3A_100 = tpu.memref_slice %arg8[%dma_start3A_92, %dma_start3A_99] : memref<4x120xi32, #tpu.memory_space<vmem>> -> memref<1x120xi32, #tpu.memory_space<vmem>>
    %dma_start3A_101 = tpu.memref_squeeze %dma_start3A_100 : memref<1x120xi32, #tpu.memory_space<vmem>> -> memref<120xi32, #tpu.memory_space<vmem>>
    %dma_start3A_102 = arith.constant 0 : i32
    %dma_start3A_103 = tpu.memref_slice %arg4[%add3A_91, %dma_start3A_102] : memref<2672x120xi32, #tpu.memory_space<hbm>> -> memref<1x120xi32, #tpu.memory_space<hbm>>
    %dma_start3A_104 = tpu.memref_squeeze %dma_start3A_103 : memref<1x120xi32, #tpu.memory_space<hbm>> -> memref<120xi32, #tpu.memory_space<hbm>>
    tpu.enqueue_dma source(%dma_start3A_104 : memref<120xi32, #tpu.memory_space<hbm>>) target(%dma_start3A_101 : memref<120xi32, #tpu.memory_space<vmem>>) target_semaphore(%arg14 : memref<!tpu.dma_semaphore, #tpu.memory_space<semaphore_mem>>)
    %add3A_105 = arith.constant 3 : i32
    %add3A_106 = arith.addi %select_n3A_22, %add3A_105 : i32
    %dma_start3A_107 = arith.constant 3 : i32
    %dma_start3A_108 = arith.constant 0 : i32
    %dma_start3A_109 = tpu.memref_slice %arg8[%dma_start3A_107, %dma_start3A_108] : memref<4x120xi32, #tpu.memory_space<vmem>> -> memref<1x120xi32, #tpu.memory_space<vmem>>
    %dma_start3A_110 = tpu.memref_squeeze %dma_start3A_109 : memref<1x120xi32, #tpu.memory_space<vmem>> -> memref<120xi32, #tpu.memory_space<vmem>>
    %dma_start3A_111 = arith.constant 0 : i32
    %dma_start3A_112 = tpu.memref_slice %arg4[%add3A_106, %dma_start3A_111] : memref<2672x120xi32, #tpu.memory_space<hbm>> -> memref<1x120xi32, #tpu.memory_space<hbm>>
    %dma_start3A_113 = tpu.memref_squeeze %dma_start3A_112 : memref<1x120xi32, #tpu.memory_space<hbm>> -> memref<120xi32, #tpu.memory_space<hbm>>
    %dma_start3A_114 = arith.constant 0 : i32
    %dma_start3A_115 = tpu.memref_slice %arg8[%dma_start3A_107, %dma_start3A_114] : memref<4x120xi32, #tpu.memory_space<vmem>> -> memref<1x120xi32, #tpu.memory_space<vmem>>
    %dma_start3A_116 = tpu.memref_squeeze %dma_start3A_115 : memref<1x120xi32, #tpu.memory_space<vmem>> -> memref<120xi32, #tpu.memory_space<vmem>>
    %dma_start3A_117 = arith.constant 0 : i32
    %dma_start3A_118 = tpu.memref_slice %arg4[%add3A_106, %dma_start3A_117] : memref<2672x120xi32, #tpu.memory_space<hbm>> -> memref<1x120xi32, #tpu.memory_space<hbm>>
    %dma_start3A_119 = tpu.memref_squeeze %dma_start3A_118 : memref<1x120xi32, #tpu.memory_space<hbm>> -> memref<120xi32, #tpu.memory_space<hbm>>
    tpu.enqueue_dma source(%dma_start3A_119 : memref<120xi32, #tpu.memory_space<hbm>>) target(%dma_start3A_116 : memref<120xi32, #tpu.memory_space<vmem>>) target_semaphore(%arg14 : memref<!tpu.dma_semaphore, #tpu.memory_space<semaphore_mem>>)
    %while3A = arith.constant 0 : i32
    %while3A_120 = arith.constant 0 : i32
    %while3A_121 = arith.subi %select_n3A_13, %while3A : i32
    %while3A_122 = arith.addi %while3A, %while3A_121 : i32
    %while3A_123 = arith.constant 1 : i32
    %while3A_124 = arith.divsi %while3A_121, %while3A_123 : i32
    %while3A_125 = arith.muli %while3A_124, %while3A_123 : i32
    %while3A_126 = arith.addi %while3A, %while3A_125 : i32
    %while3A_127 = arith.constant 1 : i32
    %while3A_128 = scf.for %while3A_337 = %while3A to %while3A_126 step %while3A_127 iter_args(%while3A_338 = %while3A_120) -> (i32)  : i32 {
      %ge3A = arith.constant 2 : i32
      %ge3A_339 = arith.cmpi sge, %while3A_337, %ge3A : i32
      %convert_element_type3A = arith.extui %ge3A_339 : i1 to i32
      %cond3A = arith.constant 0 : i32
      %cond3A_340 = arith.cmpi ne, %convert_element_type3A, %cond3A : i32
      scf.if %cond3A_340 {
        %dma_wait3A_368 = arith.constant 0 : i32
        %dma_wait3A_369 = arith.constant 0 : i32
        %dma_wait3A_370 = arith.constant 0 : i32
        %dma_wait3A_371 = tpu.memref_slice %arg9[%dma_wait3A_368, %dma_wait3A_369, %dma_wait3A_370] : memref<3x120x128xf32, #tpu.memory_space<vmem>> -> memref<1x120x128xf32, #tpu.memory_space<vmem>>
        %dma_wait3A_372 = tpu.memref_squeeze %dma_wait3A_371 : memref<1x120x128xf32, #tpu.memory_space<vmem>> -> memref<120x128xf32, #tpu.memory_space<vmem>>
        %dma_wait3A_373 = arith.constant 0 : i32
        %dma_wait3A_374 = arith.constant 0 : i32
        %dma_wait3A_375 = tpu.memref_slice %arg10[%dma_wait3A_373, %dma_wait3A_374] : memref<10112x128xf32, #tpu.memory_space<vmem_shared>> -> memref<120x128xf32, #tpu.memory_space<vmem_shared>>
        %dma_wait3A_376 = arith.constant 0 : i32
        %dma_wait3A_377 = arith.constant 0 : i32
        %dma_wait3A_378 = tpu.memref_slice %arg10[%dma_wait3A_376, %dma_wait3A_377] : memref<10112x128xf32, #tpu.memory_space<vmem_shared>> -> memref<120x128xf32, #tpu.memory_space<vmem_shared>>
        %dma_wait3A_379 = arith.constant 0 : i32
        %dma_wait3A_380 = arith.constant 0 : i32
        %dma_wait3A_381 = tpu.memref_slice %arg9[%dma_wait3A_368, %dma_wait3A_379, %dma_wait3A_380] : memref<3x120x128xf32, #tpu.memory_space<vmem>> -> memref<1x120x128xf32, #tpu.memory_space<vmem>>
        %dma_wait3A_382 = tpu.memref_squeeze %dma_wait3A_381 : memref<1x120x128xf32, #tpu.memory_space<vmem>> -> memref<120x128xf32, #tpu.memory_space<vmem>>
        tpu.wait_dma2 semaphore(%arg12 : memref<!tpu.dma_semaphore, #tpu.memory_space<semaphore_mem>>) src(%dma_wait3A_382 : memref<120x128xf32, #tpu.memory_space<vmem>>) dst(%dma_wait3A_378 : memref<120x128xf32, #tpu.memory_space<vmem_shared>>)
        %add3A_383 = arith.constant 2 : i32
        %add3A_384 = arith.addi %while3A_337, %add3A_383 : i32
        %lt3A = arith.cmpi slt, %add3A_384, %select_n3A_13 : i32
        %convert_element_type3A_385 = arith.extui %lt3A : i1 to i32
        %cond3A_386 = arith.constant 0 : i32
        %cond3A_387 = arith.cmpi ne, %convert_element_type3A_385, %cond3A_386 : i32
        scf.if %cond3A_387 {
          %add3A_388 = arith.constant 2 : i32
          %add3A_389 = arith.addi %while3A_337, %add3A_388 : i32
          %add3A_390 = arith.constant 2 : i32
          %add3A_391 = arith.addi %while3A_337, %add3A_390 : i32
          %rem3A_392 = arith.constant 4 : i32
          %rem3A_393 = arith.remsi %add3A_391, %rem3A_392 : i32
          %add3A_394 = arith.addi %select_n3A_22, %add3A_389 : i32
          %dma_start3A_395 = arith.constant 0 : i32
          %dma_start3A_396 = tpu.memref_slice %arg8[%rem3A_393, %dma_start3A_395] : memref<4x120xi32, #tpu.memory_space<vmem>> -> memref<1x120xi32, #tpu.memory_space<vmem>>
          %dma_start3A_397 = tpu.memref_squeeze %dma_start3A_396 : memref<1x120xi32, #tpu.memory_space<vmem>> -> memref<120xi32, #tpu.memory_space<vmem>>
          %dma_start3A_398 = arith.constant 0 : i32
          %dma_start3A_399 = tpu.memref_slice %arg4[%add3A_394, %dma_start3A_398] : memref<2672x120xi32, #tpu.memory_space<hbm>> -> memref<1x120xi32, #tpu.memory_space<hbm>>
          %dma_start3A_400 = tpu.memref_squeeze %dma_start3A_399 : memref<1x120xi32, #tpu.memory_space<hbm>> -> memref<120xi32, #tpu.memory_space<hbm>>
          %dma_start3A_401 = arith.constant 0 : i32
          %dma_start3A_402 = tpu.memref_slice %arg8[%rem3A_393, %dma_start3A_401] : memref<4x120xi32, #tpu.memory_space<vmem>> -> memref<1x120xi32, #tpu.memory_space<vmem>>
          %dma_start3A_403 = tpu.memref_squeeze %dma_start3A_402 : memref<1x120xi32, #tpu.memory_space<vmem>> -> memref<120xi32, #tpu.memory_space<vmem>>
          %dma_start3A_404 = arith.constant 0 : i32
          %dma_start3A_405 = tpu.memref_slice %arg4[%add3A_394, %dma_start3A_404] : memref<2672x120xi32, #tpu.memory_space<hbm>> -> memref<1x120xi32, #tpu.memory_space<hbm>>
          %dma_start3A_406 = tpu.memref_squeeze %dma_start3A_405 : memref<1x120xi32, #tpu.memory_space<hbm>> -> memref<120xi32, #tpu.memory_space<hbm>>
          tpu.enqueue_dma source(%dma_start3A_406 : memref<120xi32, #tpu.memory_space<hbm>>) target(%dma_start3A_403 : memref<120xi32, #tpu.memory_space<vmem>>) target_semaphore(%arg14 : memref<!tpu.dma_semaphore, #tpu.memory_space<semaphore_mem>>)
        } else {
        }
      } else {
      }
      %dma_wait3A_341 = arith.constant 0 : i32
      %dma_wait3A_342 = arith.constant 0 : i32
      %dma_wait3A_343 = arith.constant 0 : i32
      %dma_wait3A_344 = tpu.memref_slice %arg8[%dma_wait3A_342, %dma_wait3A_343] : memref<4x120xi32, #tpu.memory_space<vmem>> -> memref<1x120xi32, #tpu.memory_space<vmem>>
      %dma_wait3A_345 = tpu.memref_squeeze %dma_wait3A_344 : memref<1x120xi32, #tpu.memory_space<vmem>> -> memref<120xi32, #tpu.memory_space<vmem>>
      %dma_wait3A_346 = arith.constant 0 : i32
      %dma_wait3A_347 = tpu.memref_slice %arg4[%dma_wait3A_341, %dma_wait3A_346] : memref<2672x120xi32, #tpu.memory_space<hbm>> -> memref<1x120xi32, #tpu.memory_space<hbm>>
      %dma_wait3A_348 = tpu.memref_squeeze %dma_wait3A_347 : memref<1x120xi32, #tpu.memory_space<hbm>> -> memref<120xi32, #tpu.memory_space<hbm>>
      %dma_wait3A_349 = arith.constant 0 : i32
      %dma_wait3A_350 = tpu.memref_slice %arg8[%dma_wait3A_342, %dma_wait3A_349] : memref<4x120xi32, #tpu.memory_space<vmem>> -> memref<1x120xi32, #tpu.memory_space<vmem>>
      %dma_wait3A_351 = tpu.memref_squeeze %dma_wait3A_350 : memref<1x120xi32, #tpu.memory_space<vmem>> -> memref<120xi32, #tpu.memory_space<vmem>>
      %dma_wait3A_352 = arith.constant 0 : i32
      %dma_wait3A_353 = tpu.memref_slice %arg4[%dma_wait3A_341, %dma_wait3A_352] : memref<2672x120xi32, #tpu.memory_space<hbm>> -> memref<1x120xi32, #tpu.memory_space<hbm>>
      %dma_wait3A_354 = tpu.memref_squeeze %dma_wait3A_353 : memref<1x120xi32, #tpu.memory_space<hbm>> -> memref<120xi32, #tpu.memory_space<hbm>>
      tpu.wait_dma2 semaphore(%arg14 : memref<!tpu.dma_semaphore, #tpu.memory_space<semaphore_mem>>) src(%dma_wait3A_354 : memref<120xi32, #tpu.memory_space<hbm>>) dst(%dma_wait3A_351 : memref<120xi32, #tpu.memory_space<vmem>>)
      %rem3A = arith.constant 4 : i32
      %rem3A_355 = arith.remsi %while3A_337, %rem3A : i32
      %dma_start3A_356 = arith.constant 0 : i32
      %dma_start3A_357 = arith.constant 0 : i32
      %dma_start3A_358 = arith.constant 0 : i32
      %dma_start3A_359 = tpu.memref_slice %arg9[%dma_start3A_356, %dma_start3A_357, %dma_start3A_358] : memref<3x120x128xf32, #tpu.memory_space<vmem>> -> memref<1x120x128xf32, #tpu.memory_space<vmem>>
      %dma_start3A_360 = tpu.memref_squeeze %dma_start3A_359 : memref<1x120x128xf32, #tpu.memory_space<vmem>> -> memref<120x128xf32, #tpu.memory_space<vmem>>
      %dma_start3A_361 = arith.constant 0 : i32
      %dma_start3A_362 = tpu.memref_slice %arg8[%rem3A_355, %dma_start3A_361] : memref<4x120xi32, #tpu.memory_space<vmem>> -> memref<1x120xi32, #tpu.memory_space<vmem>>
      %dma_start3A_363 = tpu.memref_squeeze %dma_start3A_362 : memref<1x120xi32, #tpu.memory_space<vmem>> -> memref<120xi32, #tpu.memory_space<vmem>>
      %dma_start3A_364 = arith.constant 0 : i32
      %dma_start3A_365 = arith.constant 0 : i32
      %dma_start3A_366 = tpu.memref_slice %arg10[%dma_start3A_364, %dma_start3A_365] : memref<10112x128xf32, #tpu.memory_space<vmem_shared>> -> memref<10112x128xf32, #tpu.memory_space<vmem_shared>>
      tpu.enqueue_indirect_dma source(%dma_start3A_360 : memref<120x128xf32, #tpu.memory_space<vmem>>) target(%dma_start3A_366 : memref<10112x128xf32, #tpu.memory_space<vmem_shared>>) offsets(%dma_start3A_363 : memref<120xi32, #tpu.memory_space<vmem>>) semaphore(%arg12 : memref<!tpu.dma_semaphore, #tpu.memory_space<semaphore_mem>>) {add = true}
      %while3A_367 = arith.constant 0 : i32
      scf.yield %while3A_367 : i32
    }
    %while3A_129 = arith.constant 1 : i32
    %while3A_130 = scf.for %while3A_337 = %while3A_126 to %while3A_122 step %while3A_129 iter_args(%while3A_338 = %while3A_128) -> (i32)  : i32 {
      %ge3A = arith.constant 2 : i32
      %ge3A_339 = arith.cmpi sge, %while3A_337, %ge3A : i32
      %convert_element_type3A = arith.extui %ge3A_339 : i1 to i32
      %cond3A = arith.constant 0 : i32
      %cond3A_340 = arith.cmpi ne, %convert_element_type3A, %cond3A : i32
      scf.if %cond3A_340 {
        %dma_wait3A_368 = arith.constant 0 : i32
        %dma_wait3A_369 = arith.constant 0 : i32
        %dma_wait3A_370 = arith.constant 0 : i32
        %dma_wait3A_371 = tpu.memref_slice %arg9[%dma_wait3A_368, %dma_wait3A_369, %dma_wait3A_370] : memref<3x120x128xf32, #tpu.memory_space<vmem>> -> memref<1x120x128xf32, #tpu.memory_space<vmem>>
        %dma_wait3A_372 = tpu.memref_squeeze %dma_wait3A_371 : memref<1x120x128xf32, #tpu.memory_space<vmem>> -> memref<120x128xf32, #tpu.memory_space<vmem>>
        %dma_wait3A_373 = arith.constant 0 : i32
        %dma_wait3A_374 = arith.constant 0 : i32
        %dma_wait3A_375 = tpu.memref_slice %arg10[%dma_wait3A_373, %dma_wait3A_374] : memref<10112x128xf32, #tpu.memory_space<vmem_shared>> -> memref<120x128xf32, #tpu.memory_space<vmem_shared>>
        %dma_wait3A_376 = arith.constant 0 : i32
        %dma_wait3A_377 = arith.constant 0 : i32
        %dma_wait3A_378 = tpu.memref_slice %arg10[%dma_wait3A_376, %dma_wait3A_377] : memref<10112x128xf32, #tpu.memory_space<vmem_shared>> -> memref<120x128xf32, #tpu.memory_space<vmem_shared>>
        %dma_wait3A_379 = arith.constant 0 : i32
        %dma_wait3A_380 = arith.constant 0 : i32
        %dma_wait3A_381 = tpu.memref_slice %arg9[%dma_wait3A_368, %dma_wait3A_379, %dma_wait3A_380] : memref<3x120x128xf32, #tpu.memory_space<vmem>> -> memref<1x120x128xf32, #tpu.memory_space<vmem>>
        %dma_wait3A_382 = tpu.memref_squeeze %dma_wait3A_381 : memref<1x120x128xf32, #tpu.memory_space<vmem>> -> memref<120x128xf32, #tpu.memory_space<vmem>>
        tpu.wait_dma2 semaphore(%arg12 : memref<!tpu.dma_semaphore, #tpu.memory_space<semaphore_mem>>) src(%dma_wait3A_382 : memref<120x128xf32, #tpu.memory_space<vmem>>) dst(%dma_wait3A_378 : memref<120x128xf32, #tpu.memory_space<vmem_shared>>)
        %add3A_383 = arith.constant 2 : i32
        %add3A_384 = arith.addi %while3A_337, %add3A_383 : i32
        %lt3A = arith.cmpi slt, %add3A_384, %select_n3A_13 : i32
        %convert_element_type3A_385 = arith.extui %lt3A : i1 to i32
        %cond3A_386 = arith.constant 0 : i32
        %cond3A_387 = arith.cmpi ne, %convert_element_type3A_385, %cond3A_386 : i32
        scf.if %cond3A_387 {
          %add3A_388 = arith.constant 2 : i32
          %add3A_389 = arith.addi %while3A_337, %add3A_388 : i32
          %add3A_390 = arith.constant 2 : i32
          %add3A_391 = arith.addi %while3A_337, %add3A_390 : i32
          %rem3A_392 = arith.constant 4 : i32
          %rem3A_393 = arith.remsi %add3A_391, %rem3A_392 : i32
          %add3A_394 = arith.addi %select_n3A_22, %add3A_389 : i32
          %dma_start3A_395 = arith.constant 0 : i32
          %dma_start3A_396 = tpu.memref_slice %arg8[%rem3A_393, %dma_start3A_395] : memref<4x120xi32, #tpu.memory_space<vmem>> -> memref<1x120xi32, #tpu.memory_space<vmem>>
          %dma_start3A_397 = tpu.memref_squeeze %dma_start3A_396 : memref<1x120xi32, #tpu.memory_space<vmem>> -> memref<120xi32, #tpu.memory_space<vmem>>
          %dma_start3A_398 = arith.constant 0 : i32
          %dma_start3A_399 = tpu.memref_slice %arg4[%add3A_394, %dma_start3A_398] : memref<2672x120xi32, #tpu.memory_space<hbm>> -> memref<1x120xi32, #tpu.memory_space<hbm>>
          %dma_start3A_400 = tpu.memref_squeeze %dma_start3A_399 : memref<1x120xi32, #tpu.memory_space<hbm>> -> memref<120xi32, #tpu.memory_space<hbm>>
          %dma_start3A_401 = arith.constant 0 : i32
          %dma_start3A_402 = tpu.memref_slice %arg8[%rem3A_393, %dma_start3A_401] : memref<4x120xi32, #tpu.memory_space<vmem>> -> memref<1x120xi32, #tpu.memory_space<vmem>>
          %dma_start3A_403 = tpu.memref_squeeze %dma_start3A_402 : memref<1x120xi32, #tpu.memory_space<vmem>> -> memref<120xi32, #tpu.memory_space<vmem>>
          %dma_start3A_404 = arith.constant 0 : i32
          %dma_start3A_405 = tpu.memref_slice %arg4[%add3A_394, %dma_start3A_404] : memref<2672x120xi32, #tpu.memory_space<hbm>> -> memref<1x120xi32, #tpu.memory_space<hbm>>
          %dma_start3A_406 = tpu.memref_squeeze %dma_start3A_405 : memref<1x120xi32, #tpu.memory_space<hbm>> -> memref<120xi32, #tpu.memory_space<hbm>>
          tpu.enqueue_dma source(%dma_start3A_406 : memref<120xi32, #tpu.memory_space<hbm>>) target(%dma_start3A_403 : memref<120xi32, #tpu.memory_space<vmem>>) target_semaphore(%arg14 : memref<!tpu.dma_semaphore, #tpu.memory_space<semaphore_mem>>)
        } else {
        }
      } else {
      }
      %dma_wait3A_341 = arith.constant 0 : i32
      %dma_wait3A_342 = arith.constant 0 : i32
      %dma_wait3A_343 = arith.constant 0 : i32
      %dma_wait3A_344 = tpu.memref_slice %arg8[%dma_wait3A_342, %dma_wait3A_343] : memref<4x120xi32, #tpu.memory_space<vmem>> -> memref<1x120xi32, #tpu.memory_space<vmem>>
      %dma_wait3A_345 = tpu.memref_squeeze %dma_wait3A_344 : memref<1x120xi32, #tpu.memory_space<vmem>> -> memref<120xi32, #tpu.memory_space<vmem>>
      %dma_wait3A_346 = arith.constant 0 : i32
      %dma_wait3A_347 = tpu.memref_slice %arg4[%dma_wait3A_341, %dma_wait3A_346] : memref<2672x120xi32, #tpu.memory_space<hbm>> -> memref<1x120xi32, #tpu.memory_space<hbm>>
      %dma_wait3A_348 = tpu.memref_squeeze %dma_wait3A_347 : memref<1x120xi32, #tpu.memory_space<hbm>> -> memref<120xi32, #tpu.memory_space<hbm>>
      %dma_wait3A_349 = arith.constant 0 : i32
      %dma_wait3A_350 = tpu.memref_slice %arg8[%dma_wait3A_342, %dma_wait3A_349] : memref<4x120xi32, #tpu.memory_space<vmem>> -> memref<1x120xi32, #tpu.memory_space<vmem>>
      %dma_wait3A_351 = tpu.memref_squeeze %dma_wait3A_350 : memref<1x120xi32, #tpu.memory_space<vmem>> -> memref<120xi32, #tpu.memory_space<vmem>>
      %dma_wait3A_352 = arith.constant 0 : i32
      %dma_wait3A_353 = tpu.memref_slice %arg4[%dma_wait3A_341, %dma_wait3A_352] : memref<2672x120xi32, #tpu.memory_space<hbm>> -> memref<1x120xi32, #tpu.memory_space<hbm>>
      %dma_wait3A_354 = tpu.memref_squeeze %dma_wait3A_353 : memref<1x120xi32, #tpu.memory_space<hbm>> -> memref<120xi32, #tpu.memory_space<hbm>>
      tpu.wait_dma2 semaphore(%arg14 : memref<!tpu.dma_semaphore, #tpu.memory_space<semaphore_mem>>) src(%dma_wait3A_354 : memref<120xi32, #tpu.memory_space<hbm>>) dst(%dma_wait3A_351 : memref<120xi32, #tpu.memory_space<vmem>>)
      %rem3A = arith.constant 4 : i32
      %rem3A_355 = arith.remsi %while3A_337, %rem3A : i32
      %dma_start3A_356 = arith.constant 0 : i32
      %dma_start3A_357 = arith.constant 0 : i32
      %dma_start3A_358 = arith.constant 0 : i32
      %dma_start3A_359 = tpu.memref_slice %arg9[%dma_start3A_356, %dma_start3A_357, %dma_start3A_358] : memref<3x120x128xf32, #tpu.memory_space<vmem>> -> memref<1x120x128xf32, #tpu.memory_space<vmem>>
      %dma_start3A_360 = tpu.memref_squeeze %dma_start3A_359 : memref<1x120x128xf32, #tpu.memory_space<vmem>> -> memref<120x128xf32, #tpu.memory_space<vmem>>
      %dma_start3A_361 = arith.constant 0 : i32
      %dma_start3A_362 = tpu.memref_slice %arg8[%rem3A_355, %dma_start3A_361] : memref<4x120xi32, #tpu.memory_space<vmem>> -> memref<1x120xi32, #tpu.memory_space<vmem>>
      %dma_start3A_363 = tpu.memref_squeeze %dma_start3A_362 : memref<1x120xi32, #tpu.memory_space<vmem>> -> memref<120xi32, #tpu.memory_space<vmem>>
      %dma_start3A_364 = arith.constant 0 : i32
      %dma_start3A_365 = arith.constant 0 : i32
      %dma_start3A_366 = tpu.memref_slice %arg10[%dma_start3A_364, %dma_start3A_365] : memref<10112x128xf32, #tpu.memory_space<vmem_shared>> -> memref<10112x128xf32, #tpu.memory_space<vmem_shared>>
      tpu.enqueue_indirect_dma source(%dma_start3A_360 : memref<120x128xf32, #tpu.memory_space<vmem>>) target(%dma_start3A_366 : memref<10112x128xf32, #tpu.memory_space<vmem_shared>>) offsets(%dma_start3A_363 : memref<120xi32, #tpu.memory_space<vmem>>) semaphore(%arg12 : memref<!tpu.dma_semaphore, #tpu.memory_space<semaphore_mem>>) {add = true}
      %while3A_367 = arith.constant 0 : i32
      scf.yield %while3A_367 : i32
    }
    %dma_wait3A = arith.constant 0 : i32
    %dma_wait3A_131 = arith.constant 0 : i32
    %dma_wait3A_132 = arith.constant 0 : i32
    %dma_wait3A_133 = tpu.memref_slice %arg9[%dma_wait3A, %dma_wait3A_131, %dma_wait3A_132] : memref<3x120x128xf32, #tpu.memory_space<vmem>> -> memref<1x120x128xf32, #tpu.memory_space<vmem>>
    %dma_wait3A_134 = tpu.memref_squeeze %dma_wait3A_133 : memref<1x120x128xf32, #tpu.memory_space<vmem>> -> memref<120x128xf32, #tpu.memory_space<vmem>>
    %dma_wait3A_135 = arith.constant 0 : i32
    %dma_wait3A_136 = arith.constant 0 : i32
    %dma_wait3A_137 = tpu.memref_slice %arg10[%dma_wait3A_135, %dma_wait3A_136] : memref<10112x128xf32, #tpu.memory_space<vmem_shared>> -> memref<120x128xf32, #tpu.memory_space<vmem_shared>>
    %dma_wait3A_138 = arith.constant 0 : i32
    %dma_wait3A_139 = arith.constant 0 : i32
    %dma_wait3A_140 = tpu.memref_slice %arg10[%dma_wait3A_138, %dma_wait3A_139] : memref<10112x128xf32, #tpu.memory_space<vmem_shared>> -> memref<120x128xf32, #tpu.memory_space<vmem_shared>>
    %dma_wait3A_141 = arith.constant 0 : i32
    %dma_wait3A_142 = arith.constant 0 : i32
    %dma_wait3A_143 = tpu.memref_slice %arg9[%dma_wait3A, %dma_wait3A_141, %dma_wait3A_142] : memref<3x120x128xf32, #tpu.memory_space<vmem>> -> memref<1x120x128xf32, #tpu.memory_space<vmem>>
    %dma_wait3A_144 = tpu.memref_squeeze %dma_wait3A_143 : memref<1x120x128xf32, #tpu.memory_space<vmem>> -> memref<120x128xf32, #tpu.memory_space<vmem>>
    tpu.wait_dma2 semaphore(%arg12 : memref<!tpu.dma_semaphore, #tpu.memory_space<semaphore_mem>>) src(%dma_wait3A_144 : memref<120x128xf32, #tpu.memory_space<vmem>>) dst(%dma_wait3A_140 : memref<120x128xf32, #tpu.memory_space<vmem_shared>>)
    %dma_wait3A_145 = arith.constant 0 : i32
    %dma_wait3A_146 = arith.constant 0 : i32
    %dma_wait3A_147 = arith.constant 0 : i32
    %dma_wait3A_148 = tpu.memref_slice %arg9[%dma_wait3A_145, %dma_wait3A_146, %dma_wait3A_147] : memref<3x120x128xf32, #tpu.memory_space<vmem>> -> memref<1x120x128xf32, #tpu.memory_space<vmem>>
    %dma_wait3A_149 = tpu.memref_squeeze %dma_wait3A_148 : memref<1x120x128xf32, #tpu.memory_space<vmem>> -> memref<120x128xf32, #tpu.memory_space<vmem>>
    %dma_wait3A_150 = arith.constant 0 : i32
    %dma_wait3A_151 = arith.constant 0 : i32
    %dma_wait3A_152 = tpu.memref_slice %arg10[%dma_wait3A_150, %dma_wait3A_151] : memref<10112x128xf32, #tpu.memory_space<vmem_shared>> -> memref<120x128xf32, #tpu.memory_space<vmem_shared>>
    %dma_wait3A_153 = arith.constant 0 : i32
    %dma_wait3A_154 = arith.constant 0 : i32
    %dma_wait3A_155 = tpu.memref_slice %arg10[%dma_wait3A_153, %dma_wait3A_154] : memref<10112x128xf32, #tpu.memory_space<vmem_shared>> -> memref<120x128xf32, #tpu.memory_space<vmem_shared>>
    %dma_wait3A_156 = arith.constant 0 : i32
    %dma_wait3A_157 = arith.constant 0 : i32
    %dma_wait3A_158 = tpu.memref_slice %arg9[%dma_wait3A_145, %dma_wait3A_156, %dma_wait3A_157] : memref<3x120x128xf32, #tpu.memory_space<vmem>> -> memref<1x120x128xf32, #tpu.memory_space<vmem>>
    %dma_wait3A_159 = tpu.memref_squeeze %dma_wait3A_158 : memref<1x120x128xf32, #tpu.memory_space<vmem>> -> memref<120x128xf32, #tpu.memory_space<vmem>>
    tpu.wait_dma2 semaphore(%arg12 : memref<!tpu.dma_semaphore, #tpu.memory_space<semaphore_mem>>) src(%dma_wait3A_159 : memref<120x128xf32, #tpu.memory_space<vmem>>) dst(%dma_wait3A_155 : memref<120x128xf32, #tpu.memory_space<vmem_shared>>)
    %barrier3A_160 = arith.constant 0 : index
    tpu.barrier barrier_id(%barrier3A_160)
    "tpu.region"() ({
      %run_scoped3A_337 = tpu.sem_alloc : memref<!tpu.dma_semaphore, #tpu.memory_space<semaphore_mem>>
      %dma_start3A_338 = arith.constant 0 : i32
      %dma_start3A_339 = tpu.memref_slice %arg6[%multiple_of3A_30, %dma_start3A_338] : memref<20224x128xf32, #tpu.memory_space<hbm>> -> memref<632x128xf32, #tpu.memory_space<hbm>>
      %dma_start3A_340 = arith.constant 0 : i32
      %dma_start3A_341 = tpu.memref_slice %arg10[%multiple_of3A, %dma_start3A_340] : memref<10112x128xf32, #tpu.memory_space<vmem_shared>> -> memref<632x128xf32, #tpu.memory_space<vmem_shared>>
      tpu.enqueue_dma source(%dma_start3A_341 : memref<632x128xf32, #tpu.memory_space<vmem_shared>>) target(%dma_start3A_339 : memref<632x128xf32, #tpu.memory_space<hbm>>) target_semaphore(%run_scoped3A_337 : memref<!tpu.dma_semaphore, #tpu.memory_space<semaphore_mem>>)
      %dma_wait3A_342 = arith.constant 0 : i32
      %dma_wait3A_343 = tpu.memref_slice %arg6[%multiple_of3A_30, %dma_wait3A_342] : memref<20224x128xf32, #tpu.memory_space<hbm>> -> memref<632x128xf32, #tpu.memory_space<hbm>>
      %dma_wait3A_344 = arith.constant 0 : i32
      %dma_wait3A_345 = tpu.memref_slice %arg10[%multiple_of3A, %dma_wait3A_344] : memref<10112x128xf32, #tpu.memory_space<vmem_shared>> -> memref<632x128xf32, #tpu.memory_space<vmem_shared>>
      tpu.wait_dma2 semaphore(%run_scoped3A_337 : memref<!tpu.dma_semaphore, #tpu.memory_space<semaphore_mem>>) src(%dma_wait3A_345 : memref<632x128xf32, #tpu.memory_space<vmem_shared>>) dst(%dma_wait3A_343 : memref<632x128xf32, #tpu.memory_space<hbm>>)
      tpu.yield
    }) : () -> ()
    %add3A_161 = arith.constant 0 : i32
    %add3A_162 = arith.addi %multiple_of3A, %add3A_161 : i32
    %run_scoped3A_163 = arith.constant 1 : i32
    "tpu.region"() ({
      %run_scoped3A_337 = tpu.sem_alloc : memref<!tpu.dma_semaphore, #tpu.memory_space<semaphore_mem>>
      %dma_start3A_338 = arith.constant 0 : i32
      %dma_start3A_339 = arith.constant 0 : i32
      %dma_start3A_340 = tpu.memref_slice %arg9[%run_scoped3A_163, %dma_start3A_338, %dma_start3A_339] : memref<3x120x128xf32, #tpu.memory_space<vmem>> -> memref<1x120x128xf32, #tpu.memory_space<vmem>>
      %dma_start3A_341 = tpu.memref_squeeze %dma_start3A_340 : memref<1x120x128xf32, #tpu.memory_space<vmem>> -> memref<120x128xf32, #tpu.memory_space<vmem>>
      %dma_start3A_342 = arith.constant 0 : i32
      %dma_start3A_343 = tpu.memref_slice %arg10[%add3A_162, %dma_start3A_342] : memref<10112x128xf32, #tpu.memory_space<vmem_shared>> -> memref<120x128xf32, #tpu.memory_space<vmem_shared>>
      %dma_start3A_344 = arith.constant 0 : i32
      %dma_start3A_345 = tpu.memref_slice %arg10[%add3A_162, %dma_start3A_344] : memref<10112x128xf32, #tpu.memory_space<vmem_shared>> -> memref<120x128xf32, #tpu.memory_space<vmem_shared>>
      %dma_start3A_346 = arith.constant 0 : i32
      %dma_start3A_347 = arith.constant 0 : i32
      %dma_start3A_348 = tpu.memref_slice %arg9[%run_scoped3A_163, %dma_start3A_346, %dma_start3A_347] : memref<3x120x128xf32, #tpu.memory_space<vmem>> -> memref<1x120x128xf32, #tpu.memory_space<vmem>>
      %dma_start3A_349 = tpu.memref_squeeze %dma_start3A_348 : memref<1x120x128xf32, #tpu.memory_space<vmem>> -> memref<120x128xf32, #tpu.memory_space<vmem>>
      tpu.enqueue_dma source(%dma_start3A_349 : memref<120x128xf32, #tpu.memory_space<vmem>>) target(%dma_start3A_345 : memref<120x128xf32, #tpu.memory_space<vmem_shared>>) target_semaphore(%run_scoped3A_337 : memref<!tpu.dma_semaphore, #tpu.memory_space<semaphore_mem>>)
      %dma_wait3A_350 = arith.constant 0 : i32
      %dma_wait3A_351 = arith.constant 0 : i32
      %dma_wait3A_352 = tpu.memref_slice %arg9[%run_scoped3A_163, %dma_wait3A_350, %dma_wait3A_351] : memref<3x120x128xf32, #tpu.memory_space<vmem>> -> memref<1x120x128xf32, #tpu.memory_space<vmem>>
      %dma_wait3A_353 = tpu.memref_squeeze %dma_wait3A_352 : memref<1x120x128xf32, #tpu.memory_space<vmem>> -> memref<120x128xf32, #tpu.memory_space<vmem>>
      %dma_wait3A_354 = arith.constant 0 : i32
      %dma_wait3A_355 = tpu.memref_slice %arg10[%add3A_162, %dma_wait3A_354] : memref<10112x128xf32, #tpu.memory_space<vmem_shared>> -> memref<120x128xf32, #tpu.memory_space<vmem_shared>>
      %dma_wait3A_356 = arith.constant 0 : i32
      %dma_wait3A_357 = tpu.memref_slice %arg10[%add3A_162, %dma_wait3A_356] : memref<10112x128xf32, #tpu.memory_space<vmem_shared>> -> memref<120x128xf32, #tpu.memory_space<vmem_shared>>
      %dma_wait3A_358 = arith.constant 0 : i32
      %dma_wait3A_359 = arith.constant 0 : i32
      %dma_wait3A_360 = tpu.memref_slice %arg9[%run_scoped3A_163, %dma_wait3A_358, %dma_wait3A_359] : memref<3x120x128xf32, #tpu.memory_space<vmem>> -> memref<1x120x128xf32, #tpu.memory_space<vmem>>
      %dma_wait3A_361 = tpu.memref_squeeze %dma_wait3A_360 : memref<1x120x128xf32, #tpu.memory_space<vmem>> -> memref<120x128xf32, #tpu.memory_space<vmem>>
      tpu.wait_dma2 semaphore(%run_scoped3A_337 : memref<!tpu.dma_semaphore, #tpu.memory_space<semaphore_mem>>) src(%dma_wait3A_361 : memref<120x128xf32, #tpu.memory_space<vmem>>) dst(%dma_wait3A_357 : memref<120x128xf32, #tpu.memory_space<vmem_shared>>)
      tpu.yield
    }) : () -> ()
    %add3A_164 = arith.constant 120 : i32
    %add3A_165 = arith.addi %multiple_of3A, %add3A_164 : i32
    %run_scoped3A_166 = arith.constant 1 : i32
    "tpu.region"() ({
      %run_scoped3A_337 = tpu.sem_alloc : memref<!tpu.dma_semaphore, #tpu.memory_space<semaphore_mem>>
      %dma_start3A_338 = arith.constant 0 : i32
      %dma_start3A_339 = arith.constant 0 : i32
      %dma_start3A_340 = tpu.memref_slice %arg9[%run_scoped3A_166, %dma_start3A_338, %dma_start3A_339] : memref<3x120x128xf32, #tpu.memory_space<vmem>> -> memref<1x120x128xf32, #tpu.memory_space<vmem>>
      %dma_start3A_341 = tpu.memref_squeeze %dma_start3A_340 : memref<1x120x128xf32, #tpu.memory_space<vmem>> -> memref<120x128xf32, #tpu.memory_space<vmem>>
      %dma_start3A_342 = arith.constant 0 : i32
      %dma_start3A_343 = tpu.memref_slice %arg10[%add3A_165, %dma_start3A_342] : memref<10112x128xf32, #tpu.memory_space<vmem_shared>> -> memref<120x128xf32, #tpu.memory_space<vmem_shared>>
      %dma_start3A_344 = arith.constant 0 : i32
      %dma_start3A_345 = tpu.memref_slice %arg10[%add3A_165, %dma_start3A_344] : memref<10112x128xf32, #tpu.memory_space<vmem_shared>> -> memref<120x128xf32, #tpu.memory_space<vmem_shared>>
      %dma_start3A_346 = arith.constant 0 : i32
      %dma_start3A_347 = arith.constant 0 : i32
      %dma_start3A_348 = tpu.memref_slice %arg9[%run_scoped3A_166, %dma_start3A_346, %dma_start3A_347] : memref<3x120x128xf32, #tpu.memory_space<vmem>> -> memref<1x120x128xf32, #tpu.memory_space<vmem>>
      %dma_start3A_349 = tpu.memref_squeeze %dma_start3A_348 : memref<1x120x128xf32, #tpu.memory_space<vmem>> -> memref<120x128xf32, #tpu.memory_space<vmem>>
      tpu.enqueue_dma source(%dma_start3A_349 : memref<120x128xf32, #tpu.memory_space<vmem>>) target(%dma_start3A_345 : memref<120x128xf32, #tpu.memory_space<vmem_shared>>) target_semaphore(%run_scoped3A_337 : memref<!tpu.dma_semaphore, #tpu.memory_space<semaphore_mem>>)
      %dma_wait3A_350 = arith.constant 0 : i32
      %dma_wait3A_351 = arith.constant 0 : i32
      %dma_wait3A_352 = tpu.memref_slice %arg9[%run_scoped3A_166, %dma_wait3A_350, %dma_wait3A_351] : memref<3x120x128xf32, #tpu.memory_space<vmem>> -> memref<1x120x128xf32, #tpu.memory_space<vmem>>
      %dma_wait3A_353 = tpu.memref_squeeze %dma_wait3A_352 : memref<1x120x128xf32, #tpu.memory_space<vmem>> -> memref<120x128xf32, #tpu.memory_space<vmem>>
      %dma_wait3A_354 = arith.constant 0 : i32
      %dma_wait3A_355 = tpu.memref_slice %arg10[%add3A_165, %dma_wait3A_354] : memref<10112x128xf32, #tpu.memory_space<vmem_shared>> -> memref<120x128xf32, #tpu.memory_space<vmem_shared>>
      %dma_wait3A_356 = arith.constant 0 : i32
      %dma_wait3A_357 = tpu.memref_slice %arg10[%add3A_165, %dma_wait3A_356] : memref<10112x128xf32, #tpu.memory_space<vmem_shared>> -> memref<120x128xf32, #tpu.memory_space<vmem_shared>>
      %dma_wait3A_358 = arith.constant 0 : i32
      %dma_wait3A_359 = arith.constant 0 : i32
      %dma_wait3A_360 = tpu.memref_slice %arg9[%run_scoped3A_166, %dma_wait3A_358, %dma_wait3A_359] : memref<3x120x128xf32, #tpu.memory_space<vmem>> -> memref<1x120x128xf32, #tpu.memory_space<vmem>>
      %dma_wait3A_361 = tpu.memref_squeeze %dma_wait3A_360 : memref<1x120x128xf32, #tpu.memory_space<vmem>> -> memref<120x128xf32, #tpu.memory_space<vmem>>
      tpu.wait_dma2 semaphore(%run_scoped3A_337 : memref<!tpu.dma_semaphore, #tpu.memory_space<semaphore_mem>>) src(%dma_wait3A_361 : memref<120x128xf32, #tpu.memory_space<vmem>>) dst(%dma_wait3A_357 : memref<120x128xf32, #tpu.memory_space<vmem_shared>>)
      tpu.yield
    }) : () -> ()
    %add3A_167 = arith.constant 240 : i32
    %add3A_168 = arith.addi %multiple_of3A, %add3A_167 : i32
    %run_scoped3A_169 = arith.constant 1 : i32
    "tpu.region"() ({
      %run_scoped3A_337 = tpu.sem_alloc : memref<!tpu.dma_semaphore, #tpu.memory_space<semaphore_mem>>
      %dma_start3A_338 = arith.constant 0 : i32
      %dma_start3A_339 = arith.constant 0 : i32
      %dma_start3A_340 = tpu.memref_slice %arg9[%run_scoped3A_169, %dma_start3A_338, %dma_start3A_339] : memref<3x120x128xf32, #tpu.memory_space<vmem>> -> memref<1x120x128xf32, #tpu.memory_space<vmem>>
      %dma_start3A_341 = tpu.memref_squeeze %dma_start3A_340 : memref<1x120x128xf32, #tpu.memory_space<vmem>> -> memref<120x128xf32, #tpu.memory_space<vmem>>
      %dma_start3A_342 = arith.constant 0 : i32
      %dma_start3A_343 = tpu.memref_slice %arg10[%add3A_168, %dma_start3A_342] : memref<10112x128xf32, #tpu.memory_space<vmem_shared>> -> memref<120x128xf32, #tpu.memory_space<vmem_shared>>
      %dma_start3A_344 = arith.constant 0 : i32
      %dma_start3A_345 = tpu.memref_slice %arg10[%add3A_168, %dma_start3A_344] : memref<10112x128xf32, #tpu.memory_space<vmem_shared>> -> memref<120x128xf32, #tpu.memory_space<vmem_shared>>
      %dma_start3A_346 = arith.constant 0 : i32
      %dma_start3A_347 = arith.constant 0 : i32
      %dma_start3A_348 = tpu.memref_slice %arg9[%run_scoped3A_169, %dma_start3A_346, %dma_start3A_347] : memref<3x120x128xf32, #tpu.memory_space<vmem>> -> memref<1x120x128xf32, #tpu.memory_space<vmem>>
      %dma_start3A_349 = tpu.memref_squeeze %dma_start3A_348 : memref<1x120x128xf32, #tpu.memory_space<vmem>> -> memref<120x128xf32, #tpu.memory_space<vmem>>
      tpu.enqueue_dma source(%dma_start3A_349 : memref<120x128xf32, #tpu.memory_space<vmem>>) target(%dma_start3A_345 : memref<120x128xf32, #tpu.memory_space<vmem_shared>>) target_semaphore(%run_scoped3A_337 : memref<!tpu.dma_semaphore, #tpu.memory_space<semaphore_mem>>)
      %dma_wait3A_350 = arith.constant 0 : i32
      %dma_wait3A_351 = arith.constant 0 : i32
      %dma_wait3A_352 = tpu.memref_slice %arg9[%run_scoped3A_169, %dma_wait3A_350, %dma_wait3A_351] : memref<3x120x128xf32, #tpu.memory_space<vmem>> -> memref<1x120x128xf32, #tpu.memory_space<vmem>>
      %dma_wait3A_353 = tpu.memref_squeeze %dma_wait3A_352 : memref<1x120x128xf32, #tpu.memory_space<vmem>> -> memref<120x128xf32, #tpu.memory_space<vmem>>
      %dma_wait3A_354 = arith.constant 0 : i32
      %dma_wait3A_355 = tpu.memref_slice %arg10[%add3A_168, %dma_wait3A_354] : memref<10112x128xf32, #tpu.memory_space<vmem_shared>> -> memref<120x128xf32, #tpu.memory_space<vmem_shared>>
      %dma_wait3A_356 = arith.constant 0 : i32
      %dma_wait3A_357 = tpu.memref_slice %arg10[%add3A_168, %dma_wait3A_356] : memref<10112x128xf32, #tpu.memory_space<vmem_shared>> -> memref<120x128xf32, #tpu.memory_space<vmem_shared>>
      %dma_wait3A_358 = arith.constant 0 : i32
      %dma_wait3A_359 = arith.constant 0 : i32
      %dma_wait3A_360 = tpu.memref_slice %arg9[%run_scoped3A_169, %dma_wait3A_358, %dma_wait3A_359] : memref<3x120x128xf32, #tpu.memory_space<vmem>> -> memref<1x120x128xf32, #tpu.memory_space<vmem>>
      %dma_wait3A_361 = tpu.memref_squeeze %dma_wait3A_360 : memref<1x120x128xf32, #tpu.memory_space<vmem>> -> memref<120x128xf32, #tpu.memory_space<vmem>>
      tpu.wait_dma2 semaphore(%run_scoped3A_337 : memref<!tpu.dma_semaphore, #tpu.memory_space<semaphore_mem>>) src(%dma_wait3A_361 : memref<120x128xf32, #tpu.memory_space<vmem>>) dst(%dma_wait3A_357 : memref<120x128xf32, #tpu.memory_space<vmem_shared>>)
      tpu.yield
    }) : () -> ()
    %add3A_170 = arith.constant 360 : i32
    %add3A_171 = arith.addi %multiple_of3A, %add3A_170 : i32
    %run_scoped3A_172 = arith.constant 1 : i32
    "tpu.region"() ({
      %run_scoped3A_337 = tpu.sem_alloc : memref<!tpu.dma_semaphore, #tpu.memory_space<semaphore_mem>>
      %dma_start3A_338 = arith.constant 0 : i32
      %dma_start3A_339 = arith.constant 0 : i32
      %dma_start3A_340 = tpu.memref_slice %arg9[%run_scoped3A_172, %dma_start3A_338, %dma_start3A_339] : memref<3x120x128xf32, #tpu.memory_space<vmem>> -> memref<1x120x128xf32, #tpu.memory_space<vmem>>
      %dma_start3A_341 = tpu.memref_squeeze %dma_start3A_340 : memref<1x120x128xf32, #tpu.memory_space<vmem>> -> memref<120x128xf32, #tpu.memory_space<vmem>>
      %dma_start3A_342 = arith.constant 0 : i32
      %dma_start3A_343 = tpu.memref_slice %arg10[%add3A_171, %dma_start3A_342] : memref<10112x128xf32, #tpu.memory_space<vmem_shared>> -> memref<120x128xf32, #tpu.memory_space<vmem_shared>>
      %dma_start3A_344 = arith.constant 0 : i32
      %dma_start3A_345 = tpu.memref_slice %arg10[%add3A_171, %dma_start3A_344] : memref<10112x128xf32, #tpu.memory_space<vmem_shared>> -> memref<120x128xf32, #tpu.memory_space<vmem_shared>>
      %dma_start3A_346 = arith.constant 0 : i32
      %dma_start3A_347 = arith.constant 0 : i32
      %dma_start3A_348 = tpu.memref_slice %arg9[%run_scoped3A_172, %dma_start3A_346, %dma_start3A_347] : memref<3x120x128xf32, #tpu.memory_space<vmem>> -> memref<1x120x128xf32, #tpu.memory_space<vmem>>
      %dma_start3A_349 = tpu.memref_squeeze %dma_start3A_348 : memref<1x120x128xf32, #tpu.memory_space<vmem>> -> memref<120x128xf32, #tpu.memory_space<vmem>>
      tpu.enqueue_dma source(%dma_start3A_349 : memref<120x128xf32, #tpu.memory_space<vmem>>) target(%dma_start3A_345 : memref<120x128xf32, #tpu.memory_space<vmem_shared>>) target_semaphore(%run_scoped3A_337 : memref<!tpu.dma_semaphore, #tpu.memory_space<semaphore_mem>>)
      %dma_wait3A_350 = arith.constant 0 : i32
      %dma_wait3A_351 = arith.constant 0 : i32
      %dma_wait3A_352 = tpu.memref_slice %arg9[%run_scoped3A_172, %dma_wait3A_350, %dma_wait3A_351] : memref<3x120x128xf32, #tpu.memory_space<vmem>> -> memref<1x120x128xf32, #tpu.memory_space<vmem>>
      %dma_wait3A_353 = tpu.memref_squeeze %dma_wait3A_352 : memref<1x120x128xf32, #tpu.memory_space<vmem>> -> memref<120x128xf32, #tpu.memory_space<vmem>>
      %dma_wait3A_354 = arith.constant 0 : i32
      %dma_wait3A_355 = tpu.memref_slice %arg10[%add3A_171, %dma_wait3A_354] : memref<10112x128xf32, #tpu.memory_space<vmem_shared>> -> memref<120x128xf32, #tpu.memory_space<vmem_shared>>
      %dma_wait3A_356 = arith.constant 0 : i32
      %dma_wait3A_357 = tpu.memref_slice %arg10[%add3A_171, %dma_wait3A_356] : memref<10112x128xf32, #tpu.memory_space<vmem_shared>> -> memref<120x128xf32, #tpu.memory_space<vmem_shared>>
      %dma_wait3A_358 = arith.constant 0 : i32
      %dma_wait3A_359 = arith.constant 0 : i32
      %dma_wait3A_360 = tpu.memref_slice %arg9[%run_scoped3A_172, %dma_wait3A_358, %dma_wait3A_359] : memref<3x120x128xf32, #tpu.memory_space<vmem>> -> memref<1x120x128xf32, #tpu.memory_space<vmem>>
      %dma_wait3A_361 = tpu.memref_squeeze %dma_wait3A_360 : memref<1x120x128xf32, #tpu.memory_space<vmem>> -> memref<120x128xf32, #tpu.memory_space<vmem>>
      tpu.wait_dma2 semaphore(%run_scoped3A_337 : memref<!tpu.dma_semaphore, #tpu.memory_space<semaphore_mem>>) src(%dma_wait3A_361 : memref<120x128xf32, #tpu.memory_space<vmem>>) dst(%dma_wait3A_357 : memref<120x128xf32, #tpu.memory_space<vmem_shared>>)
      tpu.yield
    }) : () -> ()
    %add3A_173 = arith.constant 480 : i32
    %add3A_174 = arith.addi %multiple_of3A, %add3A_173 : i32
    %run_scoped3A_175 = arith.constant 1 : i32
    "tpu.region"() ({
      %run_scoped3A_337 = tpu.sem_alloc : memref<!tpu.dma_semaphore, #tpu.memory_space<semaphore_mem>>
      %dma_start3A_338 = arith.constant 0 : i32
      %dma_start3A_339 = arith.constant 0 : i32
      %dma_start3A_340 = tpu.memref_slice %arg9[%run_scoped3A_175, %dma_start3A_338, %dma_start3A_339] : memref<3x120x128xf32, #tpu.memory_space<vmem>> -> memref<1x120x128xf32, #tpu.memory_space<vmem>>
      %dma_start3A_341 = tpu.memref_squeeze %dma_start3A_340 : memref<1x120x128xf32, #tpu.memory_space<vmem>> -> memref<120x128xf32, #tpu.memory_space<vmem>>
      %dma_start3A_342 = arith.constant 0 : i32
      %dma_start3A_343 = tpu.memref_slice %arg10[%add3A_174, %dma_start3A_342] : memref<10112x128xf32, #tpu.memory_space<vmem_shared>> -> memref<120x128xf32, #tpu.memory_space<vmem_shared>>
      %dma_start3A_344 = arith.constant 0 : i32
      %dma_start3A_345 = tpu.memref_slice %arg10[%add3A_174, %dma_start3A_344] : memref<10112x128xf32, #tpu.memory_space<vmem_shared>> -> memref<120x128xf32, #tpu.memory_space<vmem_shared>>
      %dma_start3A_346 = arith.constant 0 : i32
      %dma_start3A_347 = arith.constant 0 : i32
      %dma_start3A_348 = tpu.memref_slice %arg9[%run_scoped3A_175, %dma_start3A_346, %dma_start3A_347] : memref<3x120x128xf32, #tpu.memory_space<vmem>> -> memref<1x120x128xf32, #tpu.memory_space<vmem>>
      %dma_start3A_349 = tpu.memref_squeeze %dma_start3A_348 : memref<1x120x128xf32, #tpu.memory_space<vmem>> -> memref<120x128xf32, #tpu.memory_space<vmem>>
      tpu.enqueue_dma source(%dma_start3A_349 : memref<120x128xf32, #tpu.memory_space<vmem>>) target(%dma_start3A_345 : memref<120x128xf32, #tpu.memory_space<vmem_shared>>) target_semaphore(%run_scoped3A_337 : memref<!tpu.dma_semaphore, #tpu.memory_space<semaphore_mem>>)
      %dma_wait3A_350 = arith.constant 0 : i32
      %dma_wait3A_351 = arith.constant 0 : i32
      %dma_wait3A_352 = tpu.memref_slice %arg9[%run_scoped3A_175, %dma_wait3A_350, %dma_wait3A_351] : memref<3x120x128xf32, #tpu.memory_space<vmem>> -> memref<1x120x128xf32, #tpu.memory_space<vmem>>
      %dma_wait3A_353 = tpu.memref_squeeze %dma_wait3A_352 : memref<1x120x128xf32, #tpu.memory_space<vmem>> -> memref<120x128xf32, #tpu.memory_space<vmem>>
      %dma_wait3A_354 = arith.constant 0 : i32
      %dma_wait3A_355 = tpu.memref_slice %arg10[%add3A_174, %dma_wait3A_354] : memref<10112x128xf32, #tpu.memory_space<vmem_shared>> -> memref<120x128xf32, #tpu.memory_space<vmem_shared>>
      %dma_wait3A_356 = arith.constant 0 : i32
      %dma_wait3A_357 = tpu.memref_slice %arg10[%add3A_174, %dma_wait3A_356] : memref<10112x128xf32, #tpu.memory_space<vmem_shared>> -> memref<120x128xf32, #tpu.memory_space<vmem_shared>>
      %dma_wait3A_358 = arith.constant 0 : i32
      %dma_wait3A_359 = arith.constant 0 : i32
      %dma_wait3A_360 = tpu.memref_slice %arg9[%run_scoped3A_175, %dma_wait3A_358, %dma_wait3A_359] : memref<3x120x128xf32, #tpu.memory_space<vmem>> -> memref<1x120x128xf32, #tpu.memory_space<vmem>>
      %dma_wait3A_361 = tpu.memref_squeeze %dma_wait3A_360 : memref<1x120x128xf32, #tpu.memory_space<vmem>> -> memref<120x128xf32, #tpu.memory_space<vmem>>
      tpu.wait_dma2 semaphore(%run_scoped3A_337 : memref<!tpu.dma_semaphore, #tpu.memory_space<semaphore_mem>>) src(%dma_wait3A_361 : memref<120x128xf32, #tpu.memory_space<vmem>>) dst(%dma_wait3A_357 : memref<120x128xf32, #tpu.memory_space<vmem_shared>>)
      tpu.yield
    }) : () -> ()
    %add3A_176 = arith.constant 600 : i32
    %add3A_177 = arith.addi %multiple_of3A, %add3A_176 : i32
    %run_scoped3A_178 = arith.constant 1 : i32
    "tpu.region"() ({
      %run_scoped3A_337 = tpu.sem_alloc : memref<!tpu.dma_semaphore, #tpu.memory_space<semaphore_mem>>
      %dma_start3A_338 = arith.constant 0 : i32
      %dma_start3A_339 = arith.constant 0 : i32
      %dma_start3A_340 = tpu.memref_slice %arg9[%run_scoped3A_178, %dma_start3A_338, %dma_start3A_339] : memref<3x120x128xf32, #tpu.memory_space<vmem>> -> memref<1x32x128xf32, #tpu.memory_space<vmem>>
      %dma_start3A_341 = tpu.memref_squeeze %dma_start3A_340 : memref<1x32x128xf32, #tpu.memory_space<vmem>> -> memref<32x128xf32, #tpu.memory_space<vmem>>
      %dma_start3A_342 = arith.constant 0 : i32
      %dma_start3A_343 = tpu.memref_slice %arg10[%add3A_177, %dma_start3A_342] : memref<10112x128xf32, #tpu.memory_space<vmem_shared>> -> memref<32x128xf32, #tpu.memory_space<vmem_shared>>
      %dma_start3A_344 = arith.constant 0 : i32
      %dma_start3A_345 = tpu.memref_slice %arg10[%add3A_177, %dma_start3A_344] : memref<10112x128xf32, #tpu.memory_space<vmem_shared>> -> memref<32x128xf32, #tpu.memory_space<vmem_shared>>
      %dma_start3A_346 = arith.constant 0 : i32
      %dma_start3A_347 = arith.constant 0 : i32
      %dma_start3A_348 = tpu.memref_slice %arg9[%run_scoped3A_178, %dma_start3A_346, %dma_start3A_347] : memref<3x120x128xf32, #tpu.memory_space<vmem>> -> memref<1x32x128xf32, #tpu.memory_space<vmem>>
      %dma_start3A_349 = tpu.memref_squeeze %dma_start3A_348 : memref<1x32x128xf32, #tpu.memory_space<vmem>> -> memref<32x128xf32, #tpu.memory_space<vmem>>
      tpu.enqueue_dma source(%dma_start3A_349 : memref<32x128xf32, #tpu.memory_space<vmem>>) target(%dma_start3A_345 : memref<32x128xf32, #tpu.memory_space<vmem_shared>>) target_semaphore(%run_scoped3A_337 : memref<!tpu.dma_semaphore, #tpu.memory_space<semaphore_mem>>)
      %dma_wait3A_350 = arith.constant 0 : i32
      %dma_wait3A_351 = arith.constant 0 : i32
      %dma_wait3A_352 = tpu.memref_slice %arg9[%run_scoped3A_178, %dma_wait3A_350, %dma_wait3A_351] : memref<3x120x128xf32, #tpu.memory_space<vmem>> -> memref<1x32x128xf32, #tpu.memory_space<vmem>>
      %dma_wait3A_353 = tpu.memref_squeeze %dma_wait3A_352 : memref<1x32x128xf32, #tpu.memory_space<vmem>> -> memref<32x128xf32, #tpu.memory_space<vmem>>
      %dma_wait3A_354 = arith.constant 0 : i32
      %dma_wait3A_355 = tpu.memref_slice %arg10[%add3A_177, %dma_wait3A_354] : memref<10112x128xf32, #tpu.memory_space<vmem_shared>> -> memref<32x128xf32, #tpu.memory_space<vmem_shared>>
      %dma_wait3A_356 = arith.constant 0 : i32
      %dma_wait3A_357 = tpu.memref_slice %arg10[%add3A_177, %dma_wait3A_356] : memref<10112x128xf32, #tpu.memory_space<vmem_shared>> -> memref<32x128xf32, #tpu.memory_space<vmem_shared>>
      %dma_wait3A_358 = arith.constant 0 : i32
      %dma_wait3A_359 = arith.constant 0 : i32
      %dma_wait3A_360 = tpu.memref_slice %arg9[%run_scoped3A_178, %dma_wait3A_358, %dma_wait3A_359] : memref<3x120x128xf32, #tpu.memory_space<vmem>> -> memref<1x32x128xf32, #tpu.memory_space<vmem>>
      %dma_wait3A_361 = tpu.memref_squeeze %dma_wait3A_360 : memref<1x32x128xf32, #tpu.memory_space<vmem>> -> memref<32x128xf32, #tpu.memory_space<vmem>>
      tpu.wait_dma2 semaphore(%run_scoped3A_337 : memref<!tpu.dma_semaphore, #tpu.memory_space<semaphore_mem>>) src(%dma_wait3A_361 : memref<32x128xf32, #tpu.memory_space<vmem>>) dst(%dma_wait3A_357 : memref<32x128xf32, #tpu.memory_space<vmem_shared>>)
      tpu.yield
    }) : () -> ()
    %barrier3A_179 = arith.constant 0 : index
    tpu.barrier barrier_id(%barrier3A_179)
    %run_scoped3A_180 = arith.constant 0 : i32
    "tpu.region"() ({
      %run_scoped3A_337 = tpu.sem_alloc : memref<!tpu.dma_semaphore, #tpu.memory_space<semaphore_mem>>
      %dma_start3A_338 = arith.constant 0 : i32
      %dma_start3A_339 = tpu.memref_slice %arg7[%run_scoped3A_180, %dma_start3A_338] : memref<3x120xi32, #tpu.memory_space<vmem>> -> memref<1x120xi32, #tpu.memory_space<vmem>>
      %dma_start3A_340 = tpu.memref_squeeze %dma_start3A_339 : memref<1x120xi32, #tpu.memory_space<vmem>> -> memref<120xi32, #tpu.memory_space<vmem>>
      %dma_start3A_341 = arith.constant 0 : i32
      %dma_start3A_342 = tpu.memref_slice %arg3[%select_n3A_8, %dma_start3A_341] : memref<2672x120xi32, #tpu.memory_space<hbm>> -> memref<1x120xi32, #tpu.memory_space<hbm>>
      %dma_start3A_343 = tpu.memref_squeeze %dma_start3A_342 : memref<1x120xi32, #tpu.memory_space<hbm>> -> memref<120xi32, #tpu.memory_space<hbm>>
      %dma_start3A_344 = arith.constant 0 : i32
      %dma_start3A_345 = tpu.memref_slice %arg7[%run_scoped3A_180, %dma_start3A_344] : memref<3x120xi32, #tpu.memory_space<vmem>> -> memref<1x120xi32, #tpu.memory_space<vmem>>
      %dma_start3A_346 = tpu.memref_squeeze %dma_start3A_345 : memref<1x120xi32, #tpu.memory_space<vmem>> -> memref<120xi32, #tpu.memory_space<vmem>>
      %dma_start3A_347 = arith.constant 0 : i32
      %dma_start3A_348 = tpu.memref_slice %arg3[%select_n3A_8, %dma_start3A_347] : memref<2672x120xi32, #tpu.memory_space<hbm>> -> memref<1x120xi32, #tpu.memory_space<hbm>>
      %dma_start3A_349 = tpu.memref_squeeze %dma_start3A_348 : memref<1x120xi32, #tpu.memory_space<hbm>> -> memref<120xi32, #tpu.memory_space<hbm>>
      tpu.enqueue_dma source(%dma_start3A_349 : memref<120xi32, #tpu.memory_space<hbm>>) target(%dma_start3A_346 : memref<120xi32, #tpu.memory_space<vmem>>) target_semaphore(%run_scoped3A_337 : memref<!tpu.dma_semaphore, #tpu.memory_space<semaphore_mem>>)
      %dma_wait3A_350 = arith.constant 0 : i32
      %dma_wait3A_351 = tpu.memref_slice %arg7[%run_scoped3A_180, %dma_wait3A_350] : memref<3x120xi32, #tpu.memory_space<vmem>> -> memref<1x120xi32, #tpu.memory_space<vmem>>
      %dma_wait3A_352 = tpu.memref_squeeze %dma_wait3A_351 : memref<1x120xi32, #tpu.memory_space<vmem>> -> memref<120xi32, #tpu.memory_space<vmem>>
      %dma_wait3A_353 = arith.constant 0 : i32
      %dma_wait3A_354 = tpu.memref_slice %arg3[%select_n3A_8, %dma_wait3A_353] : memref<2672x120xi32, #tpu.memory_space<hbm>> -> memref<1x120xi32, #tpu.memory_space<hbm>>
      %dma_wait3A_355 = tpu.memref_squeeze %dma_wait3A_354 : memref<1x120xi32, #tpu.memory_space<hbm>> -> memref<120xi32, #tpu.memory_space<hbm>>
      %dma_wait3A_356 = arith.constant 0 : i32
      %dma_wait3A_357 = tpu.memref_slice %arg7[%run_scoped3A_180, %dma_wait3A_356] : memref<3x120xi32, #tpu.memory_space<vmem>> -> memref<1x120xi32, #tpu.memory_space<vmem>>
      %dma_wait3A_358 = tpu.memref_squeeze %dma_wait3A_357 : memref<1x120xi32, #tpu.memory_space<vmem>> -> memref<120xi32, #tpu.memory_space<vmem>>
      %dma_wait3A_359 = arith.constant 0 : i32
      %dma_wait3A_360 = tpu.memref_slice %arg3[%select_n3A_8, %dma_wait3A_359] : memref<2672x120xi32, #tpu.memory_space<hbm>> -> memref<1x120xi32, #tpu.memory_space<hbm>>
      %dma_wait3A_361 = tpu.memref_squeeze %dma_wait3A_360 : memref<1x120xi32, #tpu.memory_space<hbm>> -> memref<120xi32, #tpu.memory_space<hbm>>
      tpu.wait_dma2 semaphore(%run_scoped3A_337 : memref<!tpu.dma_semaphore, #tpu.memory_space<semaphore_mem>>) src(%dma_wait3A_361 : memref<120xi32, #tpu.memory_space<hbm>>) dst(%dma_wait3A_358 : memref<120xi32, #tpu.memory_space<vmem>>)
      tpu.yield
    }) : () -> ()
    %dma_start3A_181 = arith.constant 0 : i32
    %dma_start3A_182 = arith.constant 0 : i32
    %dma_start3A_183 = arith.constant 0 : i32
    %dma_start3A_184 = arith.constant 0 : i32
    %dma_start3A_185 = tpu.memref_slice %arg9[%dma_start3A_182, %dma_start3A_183, %dma_start3A_184] : memref<3x120x128xf32, #tpu.memory_space<vmem>> -> memref<1x120x128xf32, #tpu.memory_space<vmem>>
    %dma_start3A_186 = tpu.memref_squeeze %dma_start3A_185 : memref<1x120x128xf32, #tpu.memory_space<vmem>> -> memref<120x128xf32, #tpu.memory_space<vmem>>
    %dma_start3A_187 = arith.constant 0 : i32
    %dma_start3A_188 = tpu.memref_slice %arg7[%dma_start3A_181, %dma_start3A_187] : memref<3x120xi32, #tpu.memory_space<vmem>> -> memref<1x120xi32, #tpu.memory_space<vmem>>
    %dma_start3A_189 = tpu.memref_squeeze %dma_start3A_188 : memref<1x120xi32, #tpu.memory_space<vmem>> -> memref<120xi32, #tpu.memory_space<vmem>>
    %dma_start3A_190 = arith.constant 0 : i32
    %dma_start3A_191 = arith.constant 0 : i32
    %dma_start3A_192 = tpu.memref_slice %arg2[%dma_start3A_190, %dma_start3A_191] : memref<10000x128xf32, #tpu.memory_space<hbm>> -> memref<10000x128xf32, #tpu.memory_space<hbm>>
    tpu.enqueue_indirect_dma source(%dma_start3A_192 : memref<10000x128xf32, #tpu.memory_space<hbm>>) target(%dma_start3A_186 : memref<120x128xf32, #tpu.memory_space<vmem>>) offsets(%dma_start3A_189 : memref<120xi32, #tpu.memory_space<vmem>>) semaphore(%arg11 : memref<!tpu.dma_semaphore, #tpu.memory_space<semaphore_mem>>)
    %add3A_193 = arith.constant 1 : i32
    %add3A_194 = arith.addi %select_n3A_8, %add3A_193 : i32
    %dma_start3A_195 = arith.constant 1 : i32
    %dma_start3A_196 = arith.constant 0 : i32
    %dma_start3A_197 = tpu.memref_slice %arg7[%dma_start3A_195, %dma_start3A_196] : memref<3x120xi32, #tpu.memory_space<vmem>> -> memref<1x120xi32, #tpu.memory_space<vmem>>
    %dma_start3A_198 = tpu.memref_squeeze %dma_start3A_197 : memref<1x120xi32, #tpu.memory_space<vmem>> -> memref<120xi32, #tpu.memory_space<vmem>>
    %dma_start3A_199 = arith.constant 0 : i32
    %dma_start3A_200 = tpu.memref_slice %arg3[%add3A_194, %dma_start3A_199] : memref<2672x120xi32, #tpu.memory_space<hbm>> -> memref<1x120xi32, #tpu.memory_space<hbm>>
    %dma_start3A_201 = tpu.memref_squeeze %dma_start3A_200 : memref<1x120xi32, #tpu.memory_space<hbm>> -> memref<120xi32, #tpu.memory_space<hbm>>
    %dma_start3A_202 = arith.constant 0 : i32
    %dma_start3A_203 = tpu.memref_slice %arg7[%dma_start3A_195, %dma_start3A_202] : memref<3x120xi32, #tpu.memory_space<vmem>> -> memref<1x120xi32, #tpu.memory_space<vmem>>
    %dma_start3A_204 = tpu.memref_squeeze %dma_start3A_203 : memref<1x120xi32, #tpu.memory_space<vmem>> -> memref<120xi32, #tpu.memory_space<vmem>>
    %dma_start3A_205 = arith.constant 0 : i32
    %dma_start3A_206 = tpu.memref_slice %arg3[%add3A_194, %dma_start3A_205] : memref<2672x120xi32, #tpu.memory_space<hbm>> -> memref<1x120xi32, #tpu.memory_space<hbm>>
    %dma_start3A_207 = tpu.memref_squeeze %dma_start3A_206 : memref<1x120xi32, #tpu.memory_space<hbm>> -> memref<120xi32, #tpu.memory_space<hbm>>
    tpu.enqueue_dma source(%dma_start3A_207 : memref<120xi32, #tpu.memory_space<hbm>>) target(%dma_start3A_204 : memref<120xi32, #tpu.memory_space<vmem>>) target_semaphore(%arg13 : memref<!tpu.dma_semaphore, #tpu.memory_space<semaphore_mem>>)
    %add3A_208 = arith.constant 0 : i32
    %add3A_209 = arith.addi %select_n3A_8, %add3A_208 : i32
    %dma_start3A_210 = arith.constant 0 : i32
    %dma_start3A_211 = arith.constant 0 : i32
    %dma_start3A_212 = tpu.memref_slice %arg8[%dma_start3A_210, %dma_start3A_211] : memref<4x120xi32, #tpu.memory_space<vmem>> -> memref<1x120xi32, #tpu.memory_space<vmem>>
    %dma_start3A_213 = tpu.memref_squeeze %dma_start3A_212 : memref<1x120xi32, #tpu.memory_space<vmem>> -> memref<120xi32, #tpu.memory_space<vmem>>
    %dma_start3A_214 = arith.constant 0 : i32
    %dma_start3A_215 = tpu.memref_slice %arg4[%add3A_209, %dma_start3A_214] : memref<2672x120xi32, #tpu.memory_space<hbm>> -> memref<1x120xi32, #tpu.memory_space<hbm>>
    %dma_start3A_216 = tpu.memref_squeeze %dma_start3A_215 : memref<1x120xi32, #tpu.memory_space<hbm>> -> memref<120xi32, #tpu.memory_space<hbm>>
    %dma_start3A_217 = arith.constant 0 : i32
    %dma_start3A_218 = tpu.memref_slice %arg8[%dma_start3A_210, %dma_start3A_217] : memref<4x120xi32, #tpu.memory_space<vmem>> -> memref<1x120xi32, #tpu.memory_space<vmem>>
    %dma_start3A_219 = tpu.memref_squeeze %dma_start3A_218 : memref<1x120xi32, #tpu.memory_space<vmem>> -> memref<120xi32, #tpu.memory_space<vmem>>
    %dma_start3A_220 = arith.constant 0 : i32
    %dma_start3A_221 = tpu.memref_slice %arg4[%add3A_209, %dma_start3A_220] : memref<2672x120xi32, #tpu.memory_space<hbm>> -> memref<1x120xi32, #tpu.memory_space<hbm>>
    %dma_start3A_222 = tpu.memref_squeeze %dma_start3A_221 : memref<1x120xi32, #tpu.memory_space<hbm>> -> memref<120xi32, #tpu.memory_space<hbm>>
    tpu.enqueue_dma source(%dma_start3A_222 : memref<120xi32, #tpu.memory_space<hbm>>) target(%dma_start3A_219 : memref<120xi32, #tpu.memory_space<vmem>>) target_semaphore(%arg14 : memref<!tpu.dma_semaphore, #tpu.memory_space<semaphore_mem>>)
    %add3A_223 = arith.constant 1 : i32
    %add3A_224 = arith.addi %select_n3A_8, %add3A_223 : i32
    %dma_start3A_225 = arith.constant 1 : i32
    %dma_start3A_226 = arith.constant 0 : i32
    %dma_start3A_227 = tpu.memref_slice %arg8[%dma_start3A_225, %dma_start3A_226] : memref<4x120xi32, #tpu.memory_space<vmem>> -> memref<1x120xi32, #tpu.memory_space<vmem>>
    %dma_start3A_228 = tpu.memref_squeeze %dma_start3A_227 : memref<1x120xi32, #tpu.memory_space<vmem>> -> memref<120xi32, #tpu.memory_space<vmem>>
    %dma_start3A_229 = arith.constant 0 : i32
    %dma_start3A_230 = tpu.memref_slice %arg4[%add3A_224, %dma_start3A_229] : memref<2672x120xi32, #tpu.memory_space<hbm>> -> memref<1x120xi32, #tpu.memory_space<hbm>>
    %dma_start3A_231 = tpu.memref_squeeze %dma_start3A_230 : memref<1x120xi32, #tpu.memory_space<hbm>> -> memref<120xi32, #tpu.memory_space<hbm>>
    %dma_start3A_232 = arith.constant 0 : i32
    %dma_start3A_233 = tpu.memref_slice %arg8[%dma_start3A_225, %dma_start3A_232] : memref<4x120xi32, #tpu.memory_space<vmem>> -> memref<1x120xi32, #tpu.memory_space<vmem>>
    %dma_start3A_234 = tpu.memref_squeeze %dma_start3A_233 : memref<1x120xi32, #tpu.memory_space<vmem>> -> memref<120xi32, #tpu.memory_space<vmem>>
    %dma_start3A_235 = arith.constant 0 : i32
    %dma_start3A_236 = tpu.memref_slice %arg4[%add3A_224, %dma_start3A_235] : memref<2672x120xi32, #tpu.memory_space<hbm>> -> memref<1x120xi32, #tpu.memory_space<hbm>>
    %dma_start3A_237 = tpu.memref_squeeze %dma_start3A_236 : memref<1x120xi32, #tpu.memory_space<hbm>> -> memref<120xi32, #tpu.memory_space<hbm>>
    tpu.enqueue_dma source(%dma_start3A_237 : memref<120xi32, #tpu.memory_space<hbm>>) target(%dma_start3A_234 : memref<120xi32, #tpu.memory_space<vmem>>) target_semaphore(%arg14 : memref<!tpu.dma_semaphore, #tpu.memory_space<semaphore_mem>>)
    %add3A_238 = arith.constant 2 : i32
    %add3A_239 = arith.addi %select_n3A_8, %add3A_238 : i32
    %dma_start3A_240 = arith.constant 2 : i32
    %dma_start3A_241 = arith.constant 0 : i32
    %dma_start3A_242 = tpu.memref_slice %arg8[%dma_start3A_240, %dma_start3A_241] : memref<4x120xi32, #tpu.memory_space<vmem>> -> memref<1x120xi32, #tpu.memory_space<vmem>>
    %dma_start3A_243 = tpu.memref_squeeze %dma_start3A_242 : memref<1x120xi32, #tpu.memory_space<vmem>> -> memref<120xi32, #tpu.memory_space<vmem>>
    %dma_start3A_244 = arith.constant 0 : i32
    %dma_start3A_245 = tpu.memref_slice %arg4[%add3A_239, %dma_start3A_244] : memref<2672x120xi32, #tpu.memory_space<hbm>> -> memref<1x120xi32, #tpu.memory_space<hbm>>
    %dma_start3A_246 = tpu.memref_squeeze %dma_start3A_245 : memref<1x120xi32, #tpu.memory_space<hbm>> -> memref<120xi32, #tpu.memory_space<hbm>>
    %dma_start3A_247 = arith.constant 0 : i32
    %dma_start3A_248 = tpu.memref_slice %arg8[%dma_start3A_240, %dma_start3A_247] : memref<4x120xi32, #tpu.memory_space<vmem>> -> memref<1x120xi32, #tpu.memory_space<vmem>>
    %dma_start3A_249 = tpu.memref_squeeze %dma_start3A_248 : memref<1x120xi32, #tpu.memory_space<vmem>> -> memref<120xi32, #tpu.memory_space<vmem>>
    %dma_start3A_250 = arith.constant 0 : i32
    %dma_start3A_251 = tpu.memref_slice %arg4[%add3A_239, %dma_start3A_250] : memref<2672x120xi32, #tpu.memory_space<hbm>> -> memref<1x120xi32, #tpu.memory_space<hbm>>
    %dma_start3A_252 = tpu.memref_squeeze %dma_start3A_251 : memref<1x120xi32, #tpu.memory_space<hbm>> -> memref<120xi32, #tpu.memory_space<hbm>>
    tpu.enqueue_dma source(%dma_start3A_252 : memref<120xi32, #tpu.memory_space<hbm>>) target(%dma_start3A_249 : memref<120xi32, #tpu.memory_space<vmem>>) target_semaphore(%arg14 : memref<!tpu.dma_semaphore, #tpu.memory_space<semaphore_mem>>)
    %add3A_253 = arith.constant 3 : i32
    %add3A_254 = arith.addi %select_n3A_8, %add3A_253 : i32
    %dma_start3A_255 = arith.constant 3 : i32
    %dma_start3A_256 = arith.constant 0 : i32
    %dma_start3A_257 = tpu.memref_slice %arg8[%dma_start3A_255, %dma_start3A_256] : memref<4x120xi32, #tpu.memory_space<vmem>> -> memref<1x120xi32, #tpu.memory_space<vmem>>
    %dma_start3A_258 = tpu.memref_squeeze %dma_start3A_257 : memref<1x120xi32, #tpu.memory_space<vmem>> -> memref<120xi32, #tpu.memory_space<vmem>>
    %dma_start3A_259 = arith.constant 0 : i32
    %dma_start3A_260 = tpu.memref_slice %arg4[%add3A_254, %dma_start3A_259] : memref<2672x120xi32, #tpu.memory_space<hbm>> -> memref<1x120xi32, #tpu.memory_space<hbm>>
    %dma_start3A_261 = tpu.memref_squeeze %dma_start3A_260 : memref<1x120xi32, #tpu.memory_space<hbm>> -> memref<120xi32, #tpu.memory_space<hbm>>
    %dma_start3A_262 = arith.constant 0 : i32
    %dma_start3A_263 = tpu.memref_slice %arg8[%dma_start3A_255, %dma_start3A_262] : memref<4x120xi32, #tpu.memory_space<vmem>> -> memref<1x120xi32, #tpu.memory_space<vmem>>
    %dma_start3A_264 = tpu.memref_squeeze %dma_start3A_263 : memref<1x120xi32, #tpu.memory_space<vmem>> -> memref<120xi32, #tpu.memory_space<vmem>>
    %dma_start3A_265 = arith.constant 0 : i32
    %dma_start3A_266 = tpu.memref_slice %arg4[%add3A_254, %dma_start3A_265] : memref<2672x120xi32, #tpu.memory_space<hbm>> -> memref<1x120xi32, #tpu.memory_space<hbm>>
    %dma_start3A_267 = tpu.memref_squeeze %dma_start3A_266 : memref<1x120xi32, #tpu.memory_space<hbm>> -> memref<120xi32, #tpu.memory_space<hbm>>
    tpu.enqueue_dma source(%dma_start3A_267 : memref<120xi32, #tpu.memory_space<hbm>>) target(%dma_start3A_264 : memref<120xi32, #tpu.memory_space<vmem>>) target_semaphore(%arg14 : memref<!tpu.dma_semaphore, #tpu.memory_space<semaphore_mem>>)
    %dma_wait3A_268 = arith.constant 0 : i32
    %dma_wait3A_269 = arith.constant 0 : i32
    %dma_wait3A_270 = arith.constant 0 : i32
    %dma_wait3A_271 = tpu.memref_slice %arg7[%dma_wait3A_269, %dma_wait3A_270] : memref<3x120xi32, #tpu.memory_space<vmem>> -> memref<1x120xi32, #tpu.memory_space<vmem>>
    %dma_wait3A_272 = tpu.memref_squeeze %dma_wait3A_271 : memref<1x120xi32, #tpu.memory_space<vmem>> -> memref<120xi32, #tpu.memory_space<vmem>>
    %dma_wait3A_273 = arith.constant 0 : i32
    %dma_wait3A_274 = tpu.memref_slice %arg3[%dma_wait3A_268, %dma_wait3A_273] : memref<2672x120xi32, #tpu.memory_space<hbm>> -> memref<1x120xi32, #tpu.memory_space<hbm>>
    %dma_wait3A_275 = tpu.memref_squeeze %dma_wait3A_274 : memref<1x120xi32, #tpu.memory_space<hbm>> -> memref<120xi32, #tpu.memory_space<hbm>>
    %dma_wait3A_276 = arith.constant 0 : i32
    %dma_wait3A_277 = tpu.memref_slice %arg7[%dma_wait3A_269, %dma_wait3A_276] : memref<3x120xi32, #tpu.memory_space<vmem>> -> memref<1x120xi32, #tpu.memory_space<vmem>>
    %dma_wait3A_278 = tpu.memref_squeeze %dma_wait3A_277 : memref<1x120xi32, #tpu.memory_space<vmem>> -> memref<120xi32, #tpu.memory_space<vmem>>
    %dma_wait3A_279 = arith.constant 0 : i32
    %dma_wait3A_280 = tpu.memref_slice %arg3[%dma_wait3A_268, %dma_wait3A_279] : memref<2672x120xi32, #tpu.memory_space<hbm>> -> memref<1x120xi32, #tpu.memory_space<hbm>>
    %dma_wait3A_281 = tpu.memref_squeeze %dma_wait3A_280 : memref<1x120xi32, #tpu.memory_space<hbm>> -> memref<120xi32, #tpu.memory_space<hbm>>
    tpu.wait_dma2 semaphore(%arg13 : memref<!tpu.dma_semaphore, #tpu.memory_space<semaphore_mem>>) src(%dma_wait3A_281 : memref<120xi32, #tpu.memory_space<hbm>>) dst(%dma_wait3A_278 : memref<120xi32, #tpu.memory_space<vmem>>)
    %dma_start3A_282 = arith.constant 1 : i32
    %dma_start3A_283 = arith.constant 1 : i32
    %dma_start3A_284 = arith.constant 0 : i32
    %dma_start3A_285 = arith.constant 0 : i32
    %dma_start3A_286 = tpu.memref_slice %arg9[%dma_start3A_283, %dma_start3A_284, %dma_start3A_285] : memref<3x120x128xf32, #tpu.memory_space<vmem>> -> memref<1x120x128xf32, #tpu.memory_space<vmem>>
    %dma_start3A_287 = tpu.memref_squeeze %dma_start3A_286 : memref<1x120x128xf32, #tpu.memory_space<vmem>> -> memref<120x128xf32, #tpu.memory_space<vmem>>
    %dma_start3A_288 = arith.constant 0 : i32
    %dma_start3A_289 = tpu.memref_slice %arg7[%dma_start3A_282, %dma_start3A_288] : memref<3x120xi32, #tpu.memory_space<vmem>> -> memref<1x120xi32, #tpu.memory_space<vmem>>
    %dma_start3A_290 = tpu.memref_squeeze %dma_start3A_289 : memref<1x120xi32, #tpu.memory_space<vmem>> -> memref<120xi32, #tpu.memory_space<vmem>>
    %dma_start3A_291 = arith.constant 0 : i32
    %dma_start3A_292 = arith.constant 0 : i32
    %dma_start3A_293 = tpu.memref_slice %arg2[%dma_start3A_291, %dma_start3A_292] : memref<10000x128xf32, #tpu.memory_space<hbm>> -> memref<10000x128xf32, #tpu.memory_space<hbm>>
    tpu.enqueue_indirect_dma source(%dma_start3A_293 : memref<10000x128xf32, #tpu.memory_space<hbm>>) target(%dma_start3A_287 : memref<120x128xf32, #tpu.memory_space<vmem>>) offsets(%dma_start3A_290 : memref<120xi32, #tpu.memory_space<vmem>>) semaphore(%arg11 : memref<!tpu.dma_semaphore, #tpu.memory_space<semaphore_mem>>)
    %add3A_294 = arith.constant 2 : i32
    %add3A_295 = arith.addi %select_n3A_8, %add3A_294 : i32
    %dma_start3A_296 = arith.constant 2 : i32
    %dma_start3A_297 = arith.constant 0 : i32
    %dma_start3A_298 = tpu.memref_slice %arg7[%dma_start3A_296, %dma_start3A_297] : memref<3x120xi32, #tpu.memory_space<vmem>> -> memref<1x120xi32, #tpu.memory_space<vmem>>
    %dma_start3A_299 = tpu.memref_squeeze %dma_start3A_298 : memref<1x120xi32, #tpu.memory_space<vmem>> -> memref<120xi32, #tpu.memory_space<vmem>>
    %dma_start3A_300 = arith.constant 0 : i32
    %dma_start3A_301 = tpu.memref_slice %arg3[%add3A_295, %dma_start3A_300] : memref<2672x120xi32, #tpu.memory_space<hbm>> -> memref<1x120xi32, #tpu.memory_space<hbm>>
    %dma_start3A_302 = tpu.memref_squeeze %dma_start3A_301 : memref<1x120xi32, #tpu.memory_space<hbm>> -> memref<120xi32, #tpu.memory_space<hbm>>
    %dma_start3A_303 = arith.constant 0 : i32
    %dma_start3A_304 = tpu.memref_slice %arg7[%dma_start3A_296, %dma_start3A_303] : memref<3x120xi32, #tpu.memory_space<vmem>> -> memref<1x120xi32, #tpu.memory_space<vmem>>
    %dma_start3A_305 = tpu.memref_squeeze %dma_start3A_304 : memref<1x120xi32, #tpu.memory_space<vmem>> -> memref<120xi32, #tpu.memory_space<vmem>>
    %dma_start3A_306 = arith.constant 0 : i32
    %dma_start3A_307 = tpu.memref_slice %arg3[%add3A_295, %dma_start3A_306] : memref<2672x120xi32, #tpu.memory_space<hbm>> -> memref<1x120xi32, #tpu.memory_space<hbm>>
    %dma_start3A_308 = tpu.memref_squeeze %dma_start3A_307 : memref<1x120xi32, #tpu.memory_space<hbm>> -> memref<120xi32, #tpu.memory_space<hbm>>
    tpu.enqueue_dma source(%dma_start3A_308 : memref<120xi32, #tpu.memory_space<hbm>>) target(%dma_start3A_305 : memref<120xi32, #tpu.memory_space<vmem>>) target_semaphore(%arg13 : memref<!tpu.dma_semaphore, #tpu.memory_space<semaphore_mem>>)
    %while3A_309 = arith.constant 0 : i32
    %while3A_310 = arith.constant 0 : i32
    %while3A_311 = arith.subi %select_n3A, %while3A_309 : i32
    %while3A_312 = arith.addi %while3A_309, %while3A_311 : i32
    %while3A_313 = arith.constant 1 : i32
    %while3A_314 = arith.divsi %while3A_311, %while3A_313 : i32
    %while3A_315 = arith.muli %while3A_314, %while3A_313 : i32
    %while3A_316 = arith.addi %while3A_309, %while3A_315 : i32
    %while3A_317 = arith.constant 1 : i32
    %while3A_318 = scf.for %while3A_337 = %while3A_309 to %while3A_316 step %while3A_317 iter_args(%while3A_338 = %while3A_310) -> (i32)  : i32 {
      %dma_wait3A_339 = arith.constant 0 : i32
      %dma_wait3A_340 = arith.constant 0 : i32
      %dma_wait3A_341 = arith.constant 0 : i32
      %dma_wait3A_342 = tpu.memref_slice %arg9[%dma_wait3A_339, %dma_wait3A_340, %dma_wait3A_341] : memref<3x120x128xf32, #tpu.memory_space<vmem>> -> memref<1x120x128xf32, #tpu.memory_space<vmem>>
      %dma_wait3A_343 = tpu.memref_squeeze %dma_wait3A_342 : memref<1x120x128xf32, #tpu.memory_space<vmem>> -> memref<120x128xf32, #tpu.memory_space<vmem>>
      %dma_wait3A_344 = arith.constant 0 : i32
      %dma_wait3A_345 = arith.constant 0 : i32
      %dma_wait3A_346 = tpu.memref_slice %arg2[%dma_wait3A_344, %dma_wait3A_345] : memref<10000x128xf32, #tpu.memory_space<hbm>> -> memref<120x128xf32, #tpu.memory_space<hbm>>
      %dma_wait3A_347 = arith.constant 0 : i32
      %dma_wait3A_348 = arith.constant 0 : i32
      %dma_wait3A_349 = tpu.memref_slice %arg9[%dma_wait3A_339, %dma_wait3A_347, %dma_wait3A_348] : memref<3x120x128xf32, #tpu.memory_space<vmem>> -> memref<1x120x128xf32, #tpu.memory_space<vmem>>
      %dma_wait3A_350 = tpu.memref_squeeze %dma_wait3A_349 : memref<1x120x128xf32, #tpu.memory_space<vmem>> -> memref<120x128xf32, #tpu.memory_space<vmem>>
      %dma_wait3A_351 = arith.constant 0 : i32
      %dma_wait3A_352 = arith.constant 0 : i32
      %dma_wait3A_353 = tpu.memref_slice %arg2[%dma_wait3A_351, %dma_wait3A_352] : memref<10000x128xf32, #tpu.memory_space<hbm>> -> memref<120x128xf32, #tpu.memory_space<hbm>>
      tpu.wait_dma2 semaphore(%arg11 : memref<!tpu.dma_semaphore, #tpu.memory_space<semaphore_mem>>) src(%dma_wait3A_353 : memref<120x128xf32, #tpu.memory_space<hbm>>) dst(%dma_wait3A_350 : memref<120x128xf32, #tpu.memory_space<vmem>>)
      %add3A_354 = arith.constant 3 : i32
      %add3A_355 = arith.addi %while3A_337, %add3A_354 : i32
      %lt3A = arith.cmpi slt, %add3A_355, %select_n3A : i32
      %convert_element_type3A = arith.extui %lt3A : i1 to i32
      %cond3A = arith.constant 0 : i32
      %cond3A_356 = arith.cmpi ne, %convert_element_type3A, %cond3A : i32
      scf.if %cond3A_356 {
        %add3A_395 = arith.constant 3 : i32
        %add3A_396 = arith.addi %while3A_337, %add3A_395 : i32
        %add3A_397 = arith.constant 3 : i32
        %add3A_398 = arith.addi %while3A_337, %add3A_397 : i32
        %rem3A_399 = arith.constant 3 : i32
        %rem3A_400 = arith.remsi %add3A_398, %rem3A_399 : i32
        %add3A_401 = arith.addi %select_n3A_8, %add3A_396 : i32
        %dma_start3A_402 = arith.constant 0 : i32
        %dma_start3A_403 = tpu.memref_slice %arg7[%rem3A_400, %dma_start3A_402] : memref<3x120xi32, #tpu.memory_space<vmem>> -> memref<1x120xi32, #tpu.memory_space<vmem>>
        %dma_start3A_404 = tpu.memref_squeeze %dma_start3A_403 : memref<1x120xi32, #tpu.memory_space<vmem>> -> memref<120xi32, #tpu.memory_space<vmem>>
        %dma_start3A_405 = arith.constant 0 : i32
        %dma_start3A_406 = tpu.memref_slice %arg3[%add3A_401, %dma_start3A_405] : memref<2672x120xi32, #tpu.memory_space<hbm>> -> memref<1x120xi32, #tpu.memory_space<hbm>>
        %dma_start3A_407 = tpu.memref_squeeze %dma_start3A_406 : memref<1x120xi32, #tpu.memory_space<hbm>> -> memref<120xi32, #tpu.memory_space<hbm>>
        %dma_start3A_408 = arith.constant 0 : i32
        %dma_start3A_409 = tpu.memref_slice %arg7[%rem3A_400, %dma_start3A_408] : memref<3x120xi32, #tpu.memory_space<vmem>> -> memref<1x120xi32, #tpu.memory_space<vmem>>
        %dma_start3A_410 = tpu.memref_squeeze %dma_start3A_409 : memref<1x120xi32, #tpu.memory_space<vmem>> -> memref<120xi32, #tpu.memory_space<vmem>>
        %dma_start3A_411 = arith.constant 0 : i32
        %dma_start3A_412 = tpu.memref_slice %arg3[%add3A_401, %dma_start3A_411] : memref<2672x120xi32, #tpu.memory_space<hbm>> -> memref<1x120xi32, #tpu.memory_space<hbm>>
        %dma_start3A_413 = tpu.memref_squeeze %dma_start3A_412 : memref<1x120xi32, #tpu.memory_space<hbm>> -> memref<120xi32, #tpu.memory_space<hbm>>
        tpu.enqueue_dma source(%dma_start3A_413 : memref<120xi32, #tpu.memory_space<hbm>>) target(%dma_start3A_410 : memref<120xi32, #tpu.memory_space<vmem>>) target_semaphore(%arg13 : memref<!tpu.dma_semaphore, #tpu.memory_space<semaphore_mem>>)
      } else {
      }
      %ge3A = arith.constant 1 : i32
      %ge3A_357 = arith.cmpi sge, %while3A_337, %ge3A : i32
      %convert_element_type3A_358 = arith.extui %ge3A_357 : i1 to i32
      %cond3A_359 = arith.constant 0 : i32
      %cond3A_360 = arith.cmpi ne, %convert_element_type3A_358, %cond3A_359 : i32
      scf.if %cond3A_360 {
        %dma_wait3A_395 = arith.constant 0 : i32
        %dma_wait3A_396 = arith.constant 0 : i32
        %dma_wait3A_397 = arith.constant 0 : i32
        %dma_wait3A_398 = tpu.memref_slice %arg9[%dma_wait3A_395, %dma_wait3A_396, %dma_wait3A_397] : memref<3x120x128xf32, #tpu.memory_space<vmem>> -> memref<1x120x128xf32, #tpu.memory_space<vmem>>
        %dma_wait3A_399 = tpu.memref_squeeze %dma_wait3A_398 : memref<1x120x128xf32, #tpu.memory_space<vmem>> -> memref<120x128xf32, #tpu.memory_space<vmem>>
        %dma_wait3A_400 = arith.constant 0 : i32
        %dma_wait3A_401 = arith.constant 0 : i32
        %dma_wait3A_402 = tpu.memref_slice %arg10[%dma_wait3A_400, %dma_wait3A_401] : memref<10112x128xf32, #tpu.memory_space<vmem_shared>> -> memref<120x128xf32, #tpu.memory_space<vmem_shared>>
        %dma_wait3A_403 = arith.constant 0 : i32
        %dma_wait3A_404 = arith.constant 0 : i32
        %dma_wait3A_405 = tpu.memref_slice %arg10[%dma_wait3A_403, %dma_wait3A_404] : memref<10112x128xf32, #tpu.memory_space<vmem_shared>> -> memref<120x128xf32, #tpu.memory_space<vmem_shared>>
        %dma_wait3A_406 = arith.constant 0 : i32
        %dma_wait3A_407 = arith.constant 0 : i32
        %dma_wait3A_408 = tpu.memref_slice %arg9[%dma_wait3A_395, %dma_wait3A_406, %dma_wait3A_407] : memref<3x120x128xf32, #tpu.memory_space<vmem>> -> memref<1x120x128xf32, #tpu.memory_space<vmem>>
        %dma_wait3A_409 = tpu.memref_squeeze %dma_wait3A_408 : memref<1x120x128xf32, #tpu.memory_space<vmem>> -> memref<120x128xf32, #tpu.memory_space<vmem>>
        tpu.wait_dma2 semaphore(%arg12 : memref<!tpu.dma_semaphore, #tpu.memory_space<semaphore_mem>>) src(%dma_wait3A_409 : memref<120x128xf32, #tpu.memory_space<vmem>>) dst(%dma_wait3A_405 : memref<120x128xf32, #tpu.memory_space<vmem_shared>>)
        %add3A_410 = arith.constant 3 : i32
        %add3A_411 = arith.addi %while3A_337, %add3A_410 : i32
        %lt3A_412 = arith.cmpi slt, %add3A_411, %select_n3A : i32
        %convert_element_type3A_413 = arith.extui %lt3A_412 : i1 to i32
        %cond3A_414 = arith.constant 0 : i32
        %cond3A_415 = arith.cmpi ne, %convert_element_type3A_413, %cond3A_414 : i32
        scf.if %cond3A_415 {
          %add3A_416 = arith.constant 3 : i32
          %add3A_417 = arith.addi %while3A_337, %add3A_416 : i32
          %add3A_418 = arith.constant 3 : i32
          %add3A_419 = arith.addi %while3A_337, %add3A_418 : i32
          %rem3A_420 = arith.constant 4 : i32
          %rem3A_421 = arith.remsi %add3A_419, %rem3A_420 : i32
          %add3A_422 = arith.addi %select_n3A_8, %add3A_417 : i32
          %dma_start3A_423 = arith.constant 0 : i32
          %dma_start3A_424 = tpu.memref_slice %arg8[%rem3A_421, %dma_start3A_423] : memref<4x120xi32, #tpu.memory_space<vmem>> -> memref<1x120xi32, #tpu.memory_space<vmem>>
          %dma_start3A_425 = tpu.memref_squeeze %dma_start3A_424 : memref<1x120xi32, #tpu.memory_space<vmem>> -> memref<120xi32, #tpu.memory_space<vmem>>
          %dma_start3A_426 = arith.constant 0 : i32
          %dma_start3A_427 = tpu.memref_slice %arg4[%add3A_422, %dma_start3A_426] : memref<2672x120xi32, #tpu.memory_space<hbm>> -> memref<1x120xi32, #tpu.memory_space<hbm>>
          %dma_start3A_428 = tpu.memref_squeeze %dma_start3A_427 : memref<1x120xi32, #tpu.memory_space<hbm>> -> memref<120xi32, #tpu.memory_space<hbm>>
          %dma_start3A_429 = arith.constant 0 : i32
          %dma_start3A_430 = tpu.memref_slice %arg8[%rem3A_421, %dma_start3A_429] : memref<4x120xi32, #tpu.memory_space<vmem>> -> memref<1x120xi32, #tpu.memory_space<vmem>>
          %dma_start3A_431 = tpu.memref_squeeze %dma_start3A_430 : memref<1x120xi32, #tpu.memory_space<vmem>> -> memref<120xi32, #tpu.memory_space<vmem>>
          %dma_start3A_432 = arith.constant 0 : i32
          %dma_start3A_433 = tpu.memref_slice %arg4[%add3A_422, %dma_start3A_432] : memref<2672x120xi32, #tpu.memory_space<hbm>> -> memref<1x120xi32, #tpu.memory_space<hbm>>
          %dma_start3A_434 = tpu.memref_squeeze %dma_start3A_433 : memref<1x120xi32, #tpu.memory_space<hbm>> -> memref<120xi32, #tpu.memory_space<hbm>>
          tpu.enqueue_dma source(%dma_start3A_434 : memref<120xi32, #tpu.memory_space<hbm>>) target(%dma_start3A_431 : memref<120xi32, #tpu.memory_space<vmem>>) target_semaphore(%arg14 : memref<!tpu.dma_semaphore, #tpu.memory_space<semaphore_mem>>)
        } else {
        }
      } else {
      }
      %add3A_361 = arith.constant 2 : i32
      %add3A_362 = arith.addi %while3A_337, %add3A_361 : i32
      %lt3A_363 = arith.cmpi slt, %add3A_362, %select_n3A : i32
      %convert_element_type3A_364 = arith.extui %lt3A_363 : i1 to i32
      %cond3A_365 = arith.constant 0 : i32
      %cond3A_366 = arith.cmpi ne, %convert_element_type3A_364, %cond3A_365 : i32
      scf.if %cond3A_366 {
        %dma_wait3A_395 = arith.constant 0 : i32
        %dma_wait3A_396 = arith.constant 0 : i32
        %dma_wait3A_397 = arith.constant 0 : i32
        %dma_wait3A_398 = tpu.memref_slice %arg7[%dma_wait3A_396, %dma_wait3A_397] : memref<3x120xi32, #tpu.memory_space<vmem>> -> memref<1x120xi32, #tpu.memory_space<vmem>>
        %dma_wait3A_399 = tpu.memref_squeeze %dma_wait3A_398 : memref<1x120xi32, #tpu.memory_space<vmem>> -> memref<120xi32, #tpu.memory_space<vmem>>
        %dma_wait3A_400 = arith.constant 0 : i32
        %dma_wait3A_401 = tpu.memref_slice %arg3[%dma_wait3A_395, %dma_wait3A_400] : memref<2672x120xi32, #tpu.memory_space<hbm>> -> memref<1x120xi32, #tpu.memory_space<hbm>>
        %dma_wait3A_402 = tpu.memref_squeeze %dma_wait3A_401 : memref<1x120xi32, #tpu.memory_space<hbm>> -> memref<120xi32, #tpu.memory_space<hbm>>
        %dma_wait3A_403 = arith.constant 0 : i32
        %dma_wait3A_404 = tpu.memref_slice %arg7[%dma_wait3A_396, %dma_wait3A_403] : memref<3x120xi32, #tpu.memory_space<vmem>> -> memref<1x120xi32, #tpu.memory_space<vmem>>
        %dma_wait3A_405 = tpu.memref_squeeze %dma_wait3A_404 : memref<1x120xi32, #tpu.memory_space<vmem>> -> memref<120xi32, #tpu.memory_space<vmem>>
        %dma_wait3A_406 = arith.constant 0 : i32
        %dma_wait3A_407 = tpu.memref_slice %arg3[%dma_wait3A_395, %dma_wait3A_406] : memref<2672x120xi32, #tpu.memory_space<hbm>> -> memref<1x120xi32, #tpu.memory_space<hbm>>
        %dma_wait3A_408 = tpu.memref_squeeze %dma_wait3A_407 : memref<1x120xi32, #tpu.memory_space<hbm>> -> memref<120xi32, #tpu.memory_space<hbm>>
        tpu.wait_dma2 semaphore(%arg13 : memref<!tpu.dma_semaphore, #tpu.memory_space<semaphore_mem>>) src(%dma_wait3A_408 : memref<120xi32, #tpu.memory_space<hbm>>) dst(%dma_wait3A_405 : memref<120xi32, #tpu.memory_space<vmem>>)
        %add3A_409 = arith.constant 2 : i32
        %add3A_410 = arith.addi %while3A_337, %add3A_409 : i32
        %rem3A_411 = arith.constant 3 : i32
        %rem3A_412 = arith.remsi %add3A_410, %rem3A_411 : i32
        %add3A_413 = arith.constant 2 : i32
        %add3A_414 = arith.addi %while3A_337, %add3A_413 : i32
        %rem3A_415 = arith.constant 3 : i32
        %rem3A_416 = arith.remsi %add3A_414, %rem3A_415 : i32
        %dma_start3A_417 = arith.constant 0 : i32
        %dma_start3A_418 = arith.constant 0 : i32
        %dma_start3A_419 = tpu.memref_slice %arg9[%rem3A_416, %dma_start3A_417, %dma_start3A_418] : memref<3x120x128xf32, #tpu.memory_space<vmem>> -> memref<1x120x128xf32, #tpu.memory_space<vmem>>
        %dma_start3A_420 = tpu.memref_squeeze %dma_start3A_419 : memref<1x120x128xf32, #tpu.memory_space<vmem>> -> memref<120x128xf32, #tpu.memory_space<vmem>>
        %dma_start3A_421 = arith.constant 0 : i32
        %dma_start3A_422 = tpu.memref_slice %arg7[%rem3A_412, %dma_start3A_421] : memref<3x120xi32, #tpu.memory_space<vmem>> -> memref<1x120xi32, #tpu.memory_space<vmem>>
        %dma_start3A_423 = tpu.memref_squeeze %dma_start3A_422 : memref<1x120xi32, #tpu.memory_space<vmem>> -> memref<120xi32, #tpu.memory_space<vmem>>
        %dma_start3A_424 = arith.constant 0 : i32
        %dma_start3A_425 = arith.constant 0 : i32
        %dma_start3A_426 = tpu.memref_slice %arg2[%dma_start3A_424, %dma_start3A_425] : memref<10000x128xf32, #tpu.memory_space<hbm>> -> memref<10000x128xf32, #tpu.memory_space<hbm>>
        tpu.enqueue_indirect_dma source(%dma_start3A_426 : memref<10000x128xf32, #tpu.memory_space<hbm>>) target(%dma_start3A_420 : memref<120x128xf32, #tpu.memory_space<vmem>>) offsets(%dma_start3A_423 : memref<120xi32, #tpu.memory_space<vmem>>) semaphore(%arg11 : memref<!tpu.dma_semaphore, #tpu.memory_space<semaphore_mem>>)
      } else {
      }
      %dma_wait3A_367 = arith.constant 0 : i32
      %dma_wait3A_368 = arith.constant 0 : i32
      %dma_wait3A_369 = arith.constant 0 : i32
      %dma_wait3A_370 = tpu.memref_slice %arg8[%dma_wait3A_368, %dma_wait3A_369] : memref<4x120xi32, #tpu.memory_space<vmem>> -> memref<1x120xi32, #tpu.memory_space<vmem>>
      %dma_wait3A_371 = tpu.memref_squeeze %dma_wait3A_370 : memref<1x120xi32, #tpu.memory_space<vmem>> -> memref<120xi32, #tpu.memory_space<vmem>>
      %dma_wait3A_372 = arith.constant 0 : i32
      %dma_wait3A_373 = tpu.memref_slice %arg4[%dma_wait3A_367, %dma_wait3A_372] : memref<2672x120xi32, #tpu.memory_space<hbm>> -> memref<1x120xi32, #tpu.memory_space<hbm>>
      %dma_wait3A_374 = tpu.memref_squeeze %dma_wait3A_373 : memref<1x120xi32, #tpu.memory_space<hbm>> -> memref<120xi32, #tpu.memory_space<hbm>>
      %dma_wait3A_375 = arith.constant 0 : i32
      %dma_wait3A_376 = tpu.memref_slice %arg8[%dma_wait3A_368, %dma_wait3A_375] : memref<4x120xi32, #tpu.memory_space<vmem>> -> memref<1x120xi32, #tpu.memory_space<vmem>>
      %dma_wait3A_377 = tpu.memref_squeeze %dma_wait3A_376 : memref<1x120xi32, #tpu.memory_space<vmem>> -> memref<120xi32, #tpu.memory_space<vmem>>
      %dma_wait3A_378 = arith.constant 0 : i32
      %dma_wait3A_379 = tpu.memref_slice %arg4[%dma_wait3A_367, %dma_wait3A_378] : memref<2672x120xi32, #tpu.memory_space<hbm>> -> memref<1x120xi32, #tpu.memory_space<hbm>>
      %dma_wait3A_380 = tpu.memref_squeeze %dma_wait3A_379 : memref<1x120xi32, #tpu.memory_space<hbm>> -> memref<120xi32, #tpu.memory_space<hbm>>
      tpu.wait_dma2 semaphore(%arg14 : memref<!tpu.dma_semaphore, #tpu.memory_space<semaphore_mem>>) src(%dma_wait3A_380 : memref<120xi32, #tpu.memory_space<hbm>>) dst(%dma_wait3A_377 : memref<120xi32, #tpu.memory_space<vmem>>)
      %rem3A = arith.constant 4 : i32
      %rem3A_381 = arith.remsi %while3A_337, %rem3A : i32
      %rem3A_382 = arith.constant 3 : i32
      %rem3A_383 = arith.remsi %while3A_337, %rem3A_382 : i32
      %dma_start3A_384 = arith.constant 0 : i32
      %dma_start3A_385 = arith.constant 0 : i32
      %dma_start3A_386 = tpu.memref_slice %arg9[%rem3A_383, %dma_start3A_384, %dma_start3A_385] : memref<3x120x128xf32, #tpu.memory_space<vmem>> -> memref<1x120x128xf32, #tpu.memory_space<vmem>>
      %dma_start3A_387 = tpu.memref_squeeze %dma_start3A_386 : memref<1x120x128xf32, #tpu.memory_space<vmem>> -> memref<120x128xf32, #tpu.memory_space<vmem>>
      %dma_start3A_388 = arith.constant 0 : i32
      %dma_start3A_389 = tpu.memref_slice %arg8[%rem3A_381, %dma_start3A_388] : memref<4x120xi32, #tpu.memory_space<vmem>> -> memref<1x120xi32, #tpu.memory_space<vmem>>
      %dma_start3A_390 = tpu.memref_squeeze %dma_start3A_389 : memref<1x120xi32, #tpu.memory_space<vmem>> -> memref<120xi32, #tpu.memory_space<vmem>>
      %dma_start3A_391 = arith.constant 0 : i32
      %dma_start3A_392 = arith.constant 0 : i32
      %dma_start3A_393 = tpu.memref_slice %arg10[%dma_start3A_391, %dma_start3A_392] : memref<10112x128xf32, #tpu.memory_space<vmem_shared>> -> memref<10112x128xf32, #tpu.memory_space<vmem_shared>>
      tpu.enqueue_indirect_dma source(%dma_start3A_387 : memref<120x128xf32, #tpu.memory_space<vmem>>) target(%dma_start3A_393 : memref<10112x128xf32, #tpu.memory_space<vmem_shared>>) offsets(%dma_start3A_390 : memref<120xi32, #tpu.memory_space<vmem>>) semaphore(%arg12 : memref<!tpu.dma_semaphore, #tpu.memory_space<semaphore_mem>>) {add = true}
      %while3A_394 = arith.constant 0 : i32
      scf.yield %while3A_394 : i32
    }
    %while3A_319 = arith.constant 1 : i32
    %while3A_320 = scf.for %while3A_337 = %while3A_316 to %while3A_312 step %while3A_319 iter_args(%while3A_338 = %while3A_318) -> (i32)  : i32 {
      %dma_wait3A_339 = arith.constant 0 : i32
      %dma_wait3A_340 = arith.constant 0 : i32
      %dma_wait3A_341 = arith.constant 0 : i32
      %dma_wait3A_342 = tpu.memref_slice %arg9[%dma_wait3A_339, %dma_wait3A_340, %dma_wait3A_341] : memref<3x120x128xf32, #tpu.memory_space<vmem>> -> memref<1x120x128xf32, #tpu.memory_space<vmem>>
      %dma_wait3A_343 = tpu.memref_squeeze %dma_wait3A_342 : memref<1x120x128xf32, #tpu.memory_space<vmem>> -> memref<120x128xf32, #tpu.memory_space<vmem>>
      %dma_wait3A_344 = arith.constant 0 : i32
      %dma_wait3A_345 = arith.constant 0 : i32
      %dma_wait3A_346 = tpu.memref_slice %arg2[%dma_wait3A_344, %dma_wait3A_345] : memref<10000x128xf32, #tpu.memory_space<hbm>> -> memref<120x128xf32, #tpu.memory_space<hbm>>
      %dma_wait3A_347 = arith.constant 0 : i32
      %dma_wait3A_348 = arith.constant 0 : i32
      %dma_wait3A_349 = tpu.memref_slice %arg9[%dma_wait3A_339, %dma_wait3A_347, %dma_wait3A_348] : memref<3x120x128xf32, #tpu.memory_space<vmem>> -> memref<1x120x128xf32, #tpu.memory_space<vmem>>
      %dma_wait3A_350 = tpu.memref_squeeze %dma_wait3A_349 : memref<1x120x128xf32, #tpu.memory_space<vmem>> -> memref<120x128xf32, #tpu.memory_space<vmem>>
      %dma_wait3A_351 = arith.constant 0 : i32
      %dma_wait3A_352 = arith.constant 0 : i32
      %dma_wait3A_353 = tpu.memref_slice %arg2[%dma_wait3A_351, %dma_wait3A_352] : memref<10000x128xf32, #tpu.memory_space<hbm>> -> memref<120x128xf32, #tpu.memory_space<hbm>>
      tpu.wait_dma2 semaphore(%arg11 : memref<!tpu.dma_semaphore, #tpu.memory_space<semaphore_mem>>) src(%dma_wait3A_353 : memref<120x128xf32, #tpu.memory_space<hbm>>) dst(%dma_wait3A_350 : memref<120x128xf32, #tpu.memory_space<vmem>>)
      %add3A_354 = arith.constant 3 : i32
      %add3A_355 = arith.addi %while3A_337, %add3A_354 : i32
      %lt3A = arith.cmpi slt, %add3A_355, %select_n3A : i32
      %convert_element_type3A = arith.extui %lt3A : i1 to i32
      %cond3A = arith.constant 0 : i32
      %cond3A_356 = arith.cmpi ne, %convert_element_type3A, %cond3A : i32
      scf.if %cond3A_356 {
        %add3A_395 = arith.constant 3 : i32
        %add3A_396 = arith.addi %while3A_337, %add3A_395 : i32
        %add3A_397 = arith.constant 3 : i32
        %add3A_398 = arith.addi %while3A_337, %add3A_397 : i32
        %rem3A_399 = arith.constant 3 : i32
        %rem3A_400 = arith.remsi %add3A_398, %rem3A_399 : i32
        %add3A_401 = arith.addi %select_n3A_8, %add3A_396 : i32
        %dma_start3A_402 = arith.constant 0 : i32
        %dma_start3A_403 = tpu.memref_slice %arg7[%rem3A_400, %dma_start3A_402] : memref<3x120xi32, #tpu.memory_space<vmem>> -> memref<1x120xi32, #tpu.memory_space<vmem>>
        %dma_start3A_404 = tpu.memref_squeeze %dma_start3A_403 : memref<1x120xi32, #tpu.memory_space<vmem>> -> memref<120xi32, #tpu.memory_space<vmem>>
        %dma_start3A_405 = arith.constant 0 : i32
        %dma_start3A_406 = tpu.memref_slice %arg3[%add3A_401, %dma_start3A_405] : memref<2672x120xi32, #tpu.memory_space<hbm>> -> memref<1x120xi32, #tpu.memory_space<hbm>>
        %dma_start3A_407 = tpu.memref_squeeze %dma_start3A_406 : memref<1x120xi32, #tpu.memory_space<hbm>> -> memref<120xi32, #tpu.memory_space<hbm>>
        %dma_start3A_408 = arith.constant 0 : i32
        %dma_start3A_409 = tpu.memref_slice %arg7[%rem3A_400, %dma_start3A_408] : memref<3x120xi32, #tpu.memory_space<vmem>> -> memref<1x120xi32, #tpu.memory_space<vmem>>
        %dma_start3A_410 = tpu.memref_squeeze %dma_start3A_409 : memref<1x120xi32, #tpu.memory_space<vmem>> -> memref<120xi32, #tpu.memory_space<vmem>>
        %dma_start3A_411 = arith.constant 0 : i32
        %dma_start3A_412 = tpu.memref_slice %arg3[%add3A_401, %dma_start3A_411] : memref<2672x120xi32, #tpu.memory_space<hbm>> -> memref<1x120xi32, #tpu.memory_space<hbm>>
        %dma_start3A_413 = tpu.memref_squeeze %dma_start3A_412 : memref<1x120xi32, #tpu.memory_space<hbm>> -> memref<120xi32, #tpu.memory_space<hbm>>
        tpu.enqueue_dma source(%dma_start3A_413 : memref<120xi32, #tpu.memory_space<hbm>>) target(%dma_start3A_410 : memref<120xi32, #tpu.memory_space<vmem>>) target_semaphore(%arg13 : memref<!tpu.dma_semaphore, #tpu.memory_space<semaphore_mem>>)
      } else {
      }
      %ge3A = arith.constant 1 : i32
      %ge3A_357 = arith.cmpi sge, %while3A_337, %ge3A : i32
      %convert_element_type3A_358 = arith.extui %ge3A_357 : i1 to i32
      %cond3A_359 = arith.constant 0 : i32
      %cond3A_360 = arith.cmpi ne, %convert_element_type3A_358, %cond3A_359 : i32
      scf.if %cond3A_360 {
        %dma_wait3A_395 = arith.constant 0 : i32
        %dma_wait3A_396 = arith.constant 0 : i32
        %dma_wait3A_397 = arith.constant 0 : i32
        %dma_wait3A_398 = tpu.memref_slice %arg9[%dma_wait3A_395, %dma_wait3A_396, %dma_wait3A_397] : memref<3x120x128xf32, #tpu.memory_space<vmem>> -> memref<1x120x128xf32, #tpu.memory_space<vmem>>
        %dma_wait3A_399 = tpu.memref_squeeze %dma_wait3A_398 : memref<1x120x128xf32, #tpu.memory_space<vmem>> -> memref<120x128xf32, #tpu.memory_space<vmem>>
        %dma_wait3A_400 = arith.constant 0 : i32
        %dma_wait3A_401 = arith.constant 0 : i32
        %dma_wait3A_402 = tpu.memref_slice %arg10[%dma_wait3A_400, %dma_wait3A_401] : memref<10112x128xf32, #tpu.memory_space<vmem_shared>> -> memref<120x128xf32, #tpu.memory_space<vmem_shared>>
        %dma_wait3A_403 = arith.constant 0 : i32
        %dma_wait3A_404 = arith.constant 0 : i32
        %dma_wait3A_405 = tpu.memref_slice %arg10[%dma_wait3A_403, %dma_wait3A_404] : memref<10112x128xf32, #tpu.memory_space<vmem_shared>> -> memref<120x128xf32, #tpu.memory_space<vmem_shared>>
        %dma_wait3A_406 = arith.constant 0 : i32
        %dma_wait3A_407 = arith.constant 0 : i32
        %dma_wait3A_408 = tpu.memref_slice %arg9[%dma_wait3A_395, %dma_wait3A_406, %dma_wait3A_407] : memref<3x120x128xf32, #tpu.memory_space<vmem>> -> memref<1x120x128xf32, #tpu.memory_space<vmem>>
        %dma_wait3A_409 = tpu.memref_squeeze %dma_wait3A_408 : memref<1x120x128xf32, #tpu.memory_space<vmem>> -> memref<120x128xf32, #tpu.memory_space<vmem>>
        tpu.wait_dma2 semaphore(%arg12 : memref<!tpu.dma_semaphore, #tpu.memory_space<semaphore_mem>>) src(%dma_wait3A_409 : memref<120x128xf32, #tpu.memory_space<vmem>>) dst(%dma_wait3A_405 : memref<120x128xf32, #tpu.memory_space<vmem_shared>>)
        %add3A_410 = arith.constant 3 : i32
        %add3A_411 = arith.addi %while3A_337, %add3A_410 : i32
        %lt3A_412 = arith.cmpi slt, %add3A_411, %select_n3A : i32
        %convert_element_type3A_413 = arith.extui %lt3A_412 : i1 to i32
        %cond3A_414 = arith.constant 0 : i32
        %cond3A_415 = arith.cmpi ne, %convert_element_type3A_413, %cond3A_414 : i32
        scf.if %cond3A_415 {
          %add3A_416 = arith.constant 3 : i32
          %add3A_417 = arith.addi %while3A_337, %add3A_416 : i32
          %add3A_418 = arith.constant 3 : i32
          %add3A_419 = arith.addi %while3A_337, %add3A_418 : i32
          %rem3A_420 = arith.constant 4 : i32
          %rem3A_421 = arith.remsi %add3A_419, %rem3A_420 : i32
          %add3A_422 = arith.addi %select_n3A_8, %add3A_417 : i32
          %dma_start3A_423 = arith.constant 0 : i32
          %dma_start3A_424 = tpu.memref_slice %arg8[%rem3A_421, %dma_start3A_423] : memref<4x120xi32, #tpu.memory_space<vmem>> -> memref<1x120xi32, #tpu.memory_space<vmem>>
          %dma_start3A_425 = tpu.memref_squeeze %dma_start3A_424 : memref<1x120xi32, #tpu.memory_space<vmem>> -> memref<120xi32, #tpu.memory_space<vmem>>
          %dma_start3A_426 = arith.constant 0 : i32
          %dma_start3A_427 = tpu.memref_slice %arg4[%add3A_422, %dma_start3A_426] : memref<2672x120xi32, #tpu.memory_space<hbm>> -> memref<1x120xi32, #tpu.memory_space<hbm>>
          %dma_start3A_428 = tpu.memref_squeeze %dma_start3A_427 : memref<1x120xi32, #tpu.memory_space<hbm>> -> memref<120xi32, #tpu.memory_space<hbm>>
          %dma_start3A_429 = arith.constant 0 : i32
          %dma_start3A_430 = tpu.memref_slice %arg8[%rem3A_421, %dma_start3A_429] : memref<4x120xi32, #tpu.memory_space<vmem>> -> memref<1x120xi32, #tpu.memory_space<vmem>>
          %dma_start3A_431 = tpu.memref_squeeze %dma_start3A_430 : memref<1x120xi32, #tpu.memory_space<vmem>> -> memref<120xi32, #tpu.memory_space<vmem>>
          %dma_start3A_432 = arith.constant 0 : i32
          %dma_start3A_433 = tpu.memref_slice %arg4[%add3A_422, %dma_start3A_432] : memref<2672x120xi32, #tpu.memory_space<hbm>> -> memref<1x120xi32, #tpu.memory_space<hbm>>
          %dma_start3A_434 = tpu.memref_squeeze %dma_start3A_433 : memref<1x120xi32, #tpu.memory_space<hbm>> -> memref<120xi32, #tpu.memory_space<hbm>>
          tpu.enqueue_dma source(%dma_start3A_434 : memref<120xi32, #tpu.memory_space<hbm>>) target(%dma_start3A_431 : memref<120xi32, #tpu.memory_space<vmem>>) target_semaphore(%arg14 : memref<!tpu.dma_semaphore, #tpu.memory_space<semaphore_mem>>)
        } else {
        }
      } else {
      }
      %add3A_361 = arith.constant 2 : i32
      %add3A_362 = arith.addi %while3A_337, %add3A_361 : i32
      %lt3A_363 = arith.cmpi slt, %add3A_362, %select_n3A : i32
      %convert_element_type3A_364 = arith.extui %lt3A_363 : i1 to i32
      %cond3A_365 = arith.constant 0 : i32
      %cond3A_366 = arith.cmpi ne, %convert_element_type3A_364, %cond3A_365 : i32
      scf.if %cond3A_366 {
        %dma_wait3A_395 = arith.constant 0 : i32
        %dma_wait3A_396 = arith.constant 0 : i32
        %dma_wait3A_397 = arith.constant 0 : i32
        %dma_wait3A_398 = tpu.memref_slice %arg7[%dma_wait3A_396, %dma_wait3A_397] : memref<3x120xi32, #tpu.memory_space<vmem>> -> memref<1x120xi32, #tpu.memory_space<vmem>>
        %dma_wait3A_399 = tpu.memref_squeeze %dma_wait3A_398 : memref<1x120xi32, #tpu.memory_space<vmem>> -> memref<120xi32, #tpu.memory_space<vmem>>
        %dma_wait3A_400 = arith.constant 0 : i32
        %dma_wait3A_401 = tpu.memref_slice %arg3[%dma_wait3A_395, %dma_wait3A_400] : memref<2672x120xi32, #tpu.memory_space<hbm>> -> memref<1x120xi32, #tpu.memory_space<hbm>>
        %dma_wait3A_402 = tpu.memref_squeeze %dma_wait3A_401 : memref<1x120xi32, #tpu.memory_space<hbm>> -> memref<120xi32, #tpu.memory_space<hbm>>
        %dma_wait3A_403 = arith.constant 0 : i32
        %dma_wait3A_404 = tpu.memref_slice %arg7[%dma_wait3A_396, %dma_wait3A_403] : memref<3x120xi32, #tpu.memory_space<vmem>> -> memref<1x120xi32, #tpu.memory_space<vmem>>
        %dma_wait3A_405 = tpu.memref_squeeze %dma_wait3A_404 : memref<1x120xi32, #tpu.memory_space<vmem>> -> memref<120xi32, #tpu.memory_space<vmem>>
        %dma_wait3A_406 = arith.constant 0 : i32
        %dma_wait3A_407 = tpu.memref_slice %arg3[%dma_wait3A_395, %dma_wait3A_406] : memref<2672x120xi32, #tpu.memory_space<hbm>> -> memref<1x120xi32, #tpu.memory_space<hbm>>
        %dma_wait3A_408 = tpu.memref_squeeze %dma_wait3A_407 : memref<1x120xi32, #tpu.memory_space<hbm>> -> memref<120xi32, #tpu.memory_space<hbm>>
        tpu.wait_dma2 semaphore(%arg13 : memref<!tpu.dma_semaphore, #tpu.memory_space<semaphore_mem>>) src(%dma_wait3A_408 : memref<120xi32, #tpu.memory_space<hbm>>) dst(%dma_wait3A_405 : memref<120xi32, #tpu.memory_space<vmem>>)
        %add3A_409 = arith.constant 2 : i32
        %add3A_410 = arith.addi %while3A_337, %add3A_409 : i32
        %rem3A_411 = arith.constant 3 : i32
        %rem3A_412 = arith.remsi %add3A_410, %rem3A_411 : i32
        %add3A_413 = arith.constant 2 : i32
        %add3A_414 = arith.addi %while3A_337, %add3A_413 : i32
        %rem3A_415 = arith.constant 3 : i32
        %rem3A_416 = arith.remsi %add3A_414, %rem3A_415 : i32
        %dma_start3A_417 = arith.constant 0 : i32
        %dma_start3A_418 = arith.constant 0 : i32
        %dma_start3A_419 = tpu.memref_slice %arg9[%rem3A_416, %dma_start3A_417, %dma_start3A_418] : memref<3x120x128xf32, #tpu.memory_space<vmem>> -> memref<1x120x128xf32, #tpu.memory_space<vmem>>
        %dma_start3A_420 = tpu.memref_squeeze %dma_start3A_419 : memref<1x120x128xf32, #tpu.memory_space<vmem>> -> memref<120x128xf32, #tpu.memory_space<vmem>>
        %dma_start3A_421 = arith.constant 0 : i32
        %dma_start3A_422 = tpu.memref_slice %arg7[%rem3A_412, %dma_start3A_421] : memref<3x120xi32, #tpu.memory_space<vmem>> -> memref<1x120xi32, #tpu.memory_space<vmem>>
        %dma_start3A_423 = tpu.memref_squeeze %dma_start3A_422 : memref<1x120xi32, #tpu.memory_space<vmem>> -> memref<120xi32, #tpu.memory_space<vmem>>
        %dma_start3A_424 = arith.constant 0 : i32
        %dma_start3A_425 = arith.constant 0 : i32
        %dma_start3A_426 = tpu.memref_slice %arg2[%dma_start3A_424, %dma_start3A_425] : memref<10000x128xf32, #tpu.memory_space<hbm>> -> memref<10000x128xf32, #tpu.memory_space<hbm>>
        tpu.enqueue_indirect_dma source(%dma_start3A_426 : memref<10000x128xf32, #tpu.memory_space<hbm>>) target(%dma_start3A_420 : memref<120x128xf32, #tpu.memory_space<vmem>>) offsets(%dma_start3A_423 : memref<120xi32, #tpu.memory_space<vmem>>) semaphore(%arg11 : memref<!tpu.dma_semaphore, #tpu.memory_space<semaphore_mem>>)
      } else {
      }
      %dma_wait3A_367 = arith.constant 0 : i32
      %dma_wait3A_368 = arith.constant 0 : i32
      %dma_wait3A_369 = arith.constant 0 : i32
      %dma_wait3A_370 = tpu.memref_slice %arg8[%dma_wait3A_368, %dma_wait3A_369] : memref<4x120xi32, #tpu.memory_space<vmem>> -> memref<1x120xi32, #tpu.memory_space<vmem>>
      %dma_wait3A_371 = tpu.memref_squeeze %dma_wait3A_370 : memref<1x120xi32, #tpu.memory_space<vmem>> -> memref<120xi32, #tpu.memory_space<vmem>>
      %dma_wait3A_372 = arith.constant 0 : i32
      %dma_wait3A_373 = tpu.memref_slice %arg4[%dma_wait3A_367, %dma_wait3A_372] : memref<2672x120xi32, #tpu.memory_space<hbm>> -> memref<1x120xi32, #tpu.memory_space<hbm>>
      %dma_wait3A_374 = tpu.memref_squeeze %dma_wait3A_373 : memref<1x120xi32, #tpu.memory_space<hbm>> -> memref<120xi32, #tpu.memory_space<hbm>>
      %dma_wait3A_375 = arith.constant 0 : i32
      %dma_wait3A_376 = tpu.memref_slice %arg8[%dma_wait3A_368, %dma_wait3A_375] : memref<4x120xi32, #tpu.memory_space<vmem>> -> memref<1x120xi32, #tpu.memory_space<vmem>>
      %dma_wait3A_377 = tpu.memref_squeeze %dma_wait3A_376 : memref<1x120xi32, #tpu.memory_space<vmem>> -> memref<120xi32, #tpu.memory_space<vmem>>
      %dma_wait3A_378 = arith.constant 0 : i32
      %dma_wait3A_379 = tpu.memref_slice %arg4[%dma_wait3A_367, %dma_wait3A_378] : memref<2672x120xi32, #tpu.memory_space<hbm>> -> memref<1x120xi32, #tpu.memory_space<hbm>>
      %dma_wait3A_380 = tpu.memref_squeeze %dma_wait3A_379 : memref<1x120xi32, #tpu.memory_space<hbm>> -> memref<120xi32, #tpu.memory_space<hbm>>
      tpu.wait_dma2 semaphore(%arg14 : memref<!tpu.dma_semaphore, #tpu.memory_space<semaphore_mem>>) src(%dma_wait3A_380 : memref<120xi32, #tpu.memory_space<hbm>>) dst(%dma_wait3A_377 : memref<120xi32, #tpu.memory_space<vmem>>)
      %rem3A = arith.constant 4 : i32
      %rem3A_381 = arith.remsi %while3A_337, %rem3A : i32
      %rem3A_382 = arith.constant 3 : i32
      %rem3A_383 = arith.remsi %while3A_337, %rem3A_382 : i32
      %dma_start3A_384 = arith.constant 0 : i32
      %dma_start3A_385 = arith.constant 0 : i32
      %dma_start3A_386 = tpu.memref_slice %arg9[%rem3A_383, %dma_start3A_384, %dma_start3A_385] : memref<3x120x128xf32, #tpu.memory_space<vmem>> -> memref<1x120x128xf32, #tpu.memory_space<vmem>>
      %dma_start3A_387 = tpu.memref_squeeze %dma_start3A_386 : memref<1x120x128xf32, #tpu.memory_space<vmem>> -> memref<120x128xf32, #tpu.memory_space<vmem>>
      %dma_start3A_388 = arith.constant 0 : i32
      %dma_start3A_389 = tpu.memref_slice %arg8[%rem3A_381, %dma_start3A_388] : memref<4x120xi32, #tpu.memory_space<vmem>> -> memref<1x120xi32, #tpu.memory_space<vmem>>
      %dma_start3A_390 = tpu.memref_squeeze %dma_start3A_389 : memref<1x120xi32, #tpu.memory_space<vmem>> -> memref<120xi32, #tpu.memory_space<vmem>>
      %dma_start3A_391 = arith.constant 0 : i32
      %dma_start3A_392 = arith.constant 0 : i32
      %dma_start3A_393 = tpu.memref_slice %arg10[%dma_start3A_391, %dma_start3A_392] : memref<10112x128xf32, #tpu.memory_space<vmem_shared>> -> memref<10112x128xf32, #tpu.memory_space<vmem_shared>>
      tpu.enqueue_indirect_dma source(%dma_start3A_387 : memref<120x128xf32, #tpu.memory_space<vmem>>) target(%dma_start3A_393 : memref<10112x128xf32, #tpu.memory_space<vmem_shared>>) offsets(%dma_start3A_390 : memref<120xi32, #tpu.memory_space<vmem>>) semaphore(%arg12 : memref<!tpu.dma_semaphore, #tpu.memory_space<semaphore_mem>>) {add = true}
      %while3A_394 = arith.constant 0 : i32
      scf.yield %while3A_394 : i32
    }
    %dma_wait3A_321 = arith.constant 0 : i32
    %dma_wait3A_322 = arith.constant 0 : i32
    %dma_wait3A_323 = arith.constant 0 : i32
    %dma_wait3A_324 = tpu.memref_slice %arg9[%dma_wait3A_321, %dma_wait3A_322, %dma_wait3A_323] : memref<3x120x128xf32, #tpu.memory_space<vmem>> -> memref<1x120x128xf32, #tpu.memory_space<vmem>>
    %dma_wait3A_325 = tpu.memref_squeeze %dma_wait3A_324 : memref<1x120x128xf32, #tpu.memory_space<vmem>> -> memref<120x128xf32, #tpu.memory_space<vmem>>
    %dma_wait3A_326 = arith.constant 0 : i32
    %dma_wait3A_327 = arith.constant 0 : i32
    %dma_wait3A_328 = tpu.memref_slice %arg10[%dma_wait3A_326, %dma_wait3A_327] : memref<10112x128xf32, #tpu.memory_space<vmem_shared>> -> memref<120x128xf32, #tpu.memory_space<vmem_shared>>
    %dma_wait3A_329 = arith.constant 0 : i32
    %dma_wait3A_330 = arith.constant 0 : i32
    %dma_wait3A_331 = tpu.memref_slice %arg10[%dma_wait3A_329, %dma_wait3A_330] : memref<10112x128xf32, #tpu.memory_space<vmem_shared>> -> memref<120x128xf32, #tpu.memory_space<vmem_shared>>
    %dma_wait3A_332 = arith.constant 0 : i32
    %dma_wait3A_333 = arith.constant 0 : i32
    %dma_wait3A_334 = tpu.memref_slice %arg9[%dma_wait3A_321, %dma_wait3A_332, %dma_wait3A_333] : memref<3x120x128xf32, #tpu.memory_space<vmem>> -> memref<1x120x128xf32, #tpu.memory_space<vmem>>
    %dma_wait3A_335 = tpu.memref_squeeze %dma_wait3A_334 : memref<1x120x128xf32, #tpu.memory_space<vmem>> -> memref<120x128xf32, #tpu.memory_space<vmem>>
    tpu.wait_dma2 semaphore(%arg12 : memref<!tpu.dma_semaphore, #tpu.memory_space<semaphore_mem>>) src(%dma_wait3A_335 : memref<120x128xf32, #tpu.memory_space<vmem>>) dst(%dma_wait3A_331 : memref<120x128xf32, #tpu.memory_space<vmem_shared>>)
    %barrier3A_336 = arith.constant 0 : index
    tpu.barrier barrier_id(%barrier3A_336)
    "tpu.region"() ({
      %run_scoped3A_337 = tpu.sem_alloc : memref<!tpu.dma_semaphore, #tpu.memory_space<semaphore_mem>>
      %dma_start3A_338 = arith.constant 0 : i32
      %dma_start3A_339 = tpu.memref_slice %arg5[%multiple_of3A_30, %dma_start3A_338] : memref<20224x128xf32, #tpu.memory_space<hbm>> -> memref<632x128xf32, #tpu.memory_space<hbm>>
      %dma_start3A_340 = arith.constant 0 : i32
      %dma_start3A_341 = tpu.memref_slice %arg10[%multiple_of3A, %dma_start3A_340] : memref<10112x128xf32, #tpu.memory_space<vmem_shared>> -> memref<632x128xf32, #tpu.memory_space<vmem_shared>>
      tpu.enqueue_dma source(%dma_start3A_341 : memref<632x128xf32, #tpu.memory_space<vmem_shared>>) target(%dma_start3A_339 : memref<632x128xf32, #tpu.memory_space<hbm>>) target_semaphore(%run_scoped3A_337 : memref<!tpu.dma_semaphore, #tpu.memory_space<semaphore_mem>>)
      %dma_wait3A_342 = arith.constant 0 : i32
      %dma_wait3A_343 = tpu.memref_slice %arg5[%multiple_of3A_30, %dma_wait3A_342] : memref<20224x128xf32, #tpu.memory_space<hbm>> -> memref<632x128xf32, #tpu.memory_space<hbm>>
      %dma_wait3A_344 = arith.constant 0 : i32
      %dma_wait3A_345 = tpu.memref_slice %arg10[%multiple_of3A, %dma_wait3A_344] : memref<10112x128xf32, #tpu.memory_space<vmem_shared>> -> memref<632x128xf32, #tpu.memory_space<vmem_shared>>
      tpu.wait_dma2 semaphore(%run_scoped3A_337 : memref<!tpu.dma_semaphore, #tpu.memory_space<semaphore_mem>>) src(%dma_wait3A_345 : memref<632x128xf32, #tpu.memory_space<vmem_shared>>) dst(%dma_wait3A_343 : memref<632x128xf32, #tpu.memory_space<hbm>>)
      tpu.yield
    }) : () -> ()
    return
  }
}

module attributes {stable_mosaic.version = 14 : i64} {
  func.func @body(%arg0: memref<10000x128xf32, #tpu.memory_space<vmem>>, %arg1: memref<128x128xf32, #tpu.memory_space<vmem>>, %arg2: memref<1x128xf32, #tpu.memory_space<vmem>>, %arg3: memref<10000x128xf32, #tpu.memory_space<vmem>>) attributes {dimension_semantics = [], scalar_prefetch = 0 : i64, scratch_operands = 0 : i64, tpu.core_type = #tpu.core_type<tc>} {
    %get3A = arith.constant 0 : index
    %get3A_0 = arith.constant 0 : index
    %get3A_1 = vector.load %arg0[%get3A, %get3A_0] : memref<10000x128xf32, #tpu.memory_space<vmem>>, vector<10000x128xf32>
    %get3A_2 = arith.constant 0 : index
    %get3A_3 = arith.constant 0 : index
    %get3A_4 = vector.load %arg1[%get3A_2, %get3A_3] : memref<128x128xf32, #tpu.memory_space<vmem>>, vector<128x128xf32>
    %dot_general3A = arith.constant dense<0.000000e+00> : vector<10000x128xf32>
    %dot_general3A_5 = tpu.matmul %get3A_1, %get3A_4, %dot_general3A {dimension_numbers = #tpu.dot_dimension_numbers<[1], [0], [0], [1], [0, 0, 1, 1], [], []>, transpose_lhs_hint = false} : vector<10000x128xf32>, vector<128x128xf32>, vector<10000x128xf32> -> vector<10000x128xf32>
    %get3A_6 = arith.constant 0 : index
    %get3A_7 = arith.constant 0 : index
    %get3A_8 = vector.load %arg2[%get3A_6, %get3A_7] : memref<1x128xf32, #tpu.memory_space<vmem>>, vector<1x128xf32>
    %add3A = vector.broadcast %get3A_8 : vector<1x128xf32> to vector<10000x128xf32>
    %add3A_9 = arith.addf %dot_general3A_5, %add3A : vector<10000x128xf32>
    %swap3A = arith.constant 0 : index
    %swap3A_10 = arith.constant 0 : index
    %swap3A_11 = vector.load %arg3[%swap3A, %swap3A_10] : memref<10000x128xf32, #tpu.memory_space<vmem>>, vector<10000x128xf32>
    tpu.vector_store %arg3[%swap3A, %swap3A_10], %add3A_9 {strides = array<i32>} : memref<10000x128xf32, #tpu.memory_space<vmem>>, vector<10000x128xf32>,
    return
  }
}

module attributes {stable_mosaic.version = 14 : i64} {
  func.func @body(%arg0: memref<20224x128xf32, #tpu.memory_space<vmem>>, %arg1: memref<20224x128xf32, #tpu.memory_space<vmem>>, %arg2: memref<10000x128xf32, #tpu.memory_space<vmem>>, %arg3: memref<128x128xf32, #tpu.memory_space<vmem>>, %arg4: memref<10000x128xf32, #tpu.memory_space<vmem>>, %arg5: memref<10000x1xf32, #tpu.memory_space<vmem>>) attributes {dimension_semantics = [], scalar_prefetch = 0 : i64, scratch_operands = 0 : i64, tpu.core_type = #tpu.core_type<tc>} {
    %get3A = arith.constant 0 : index
    %get3A_0 = arith.constant 0 : index
    %get3A_1 = vector.load %arg0[%get3A, %get3A_0] : memref<20224x128xf32, #tpu.memory_space<vmem>>, vector<20224x128xf32>
    %slice3A = vector.extract_strided_slice %get3A_1 {offsets = [0, 0], sizes = [10000, 128], strides = [1, 1]} : vector<20224x128xf32> to vector<10000x128xf32>
    %slice3A_2 = vector.extract_strided_slice %get3A_1 {offsets = [10112, 0], sizes = [10000, 128], strides = [1, 1]} : vector<20224x128xf32> to vector<10000x128xf32>
    %add3A = arith.addf %slice3A, %slice3A_2 : vector<10000x128xf32>
    %get3A_3 = arith.constant 0 : index
    %get3A_4 = arith.constant 0 : index
    %get3A_5 = vector.load %arg1[%get3A_3, %get3A_4] : memref<20224x128xf32, #tpu.memory_space<vmem>>, vector<20224x128xf32>
    %slice3A_6 = vector.extract_strided_slice %get3A_5 {offsets = [0, 0], sizes = [10000, 1], strides = [1, 1]} : vector<20224x128xf32> to vector<10000x1xf32>
    %slice3A_7 = vector.extract_strided_slice %get3A_5 {offsets = [10112, 0], sizes = [10000, 1], strides = [1, 1]} : vector<20224x128xf32> to vector<10000x1xf32>
    %add3A_8 = arith.addf %slice3A_6, %slice3A_7 : vector<10000x1xf32>
    %max3A = arith.constant 1.000000e+00 : f32
    %max3A_9 = vector.broadcast %max3A : f32 to vector<10000x1xf32>
    %max3A_10 = arith.maximumf %add3A_8, %max3A_9 : vector<10000x1xf32>
    %div3A = arith.constant 1.000000e+00 : f32
    %div3A_11 = vector.broadcast %div3A : f32 to vector<10000x1xf32>
    %div3A_12 = arith.divf %div3A_11, %max3A_10 : vector<10000x1xf32>
    %swap3A = arith.constant 0 : index
    %swap3A_13 = arith.constant 0 : index
    %swap3A_14 = vector.load %arg5[%swap3A, %swap3A_13] : memref<10000x1xf32, #tpu.memory_space<vmem>>, vector<10000x1xf32>
    tpu.vector_store %arg5[%swap3A, %swap3A_13], %div3A_12 {strides = array<i32>} : memref<10000x1xf32, #tpu.memory_space<vmem>>, vector<10000x1xf32>,
    %mul3A = vector.broadcast %div3A_12 : vector<10000x1xf32> to vector<10000x128xf32>
    %mul3A_15 = arith.mulf %add3A, %mul3A : vector<10000x128xf32>
    %get3A_16 = arith.constant 0 : index
    %get3A_17 = arith.constant 0 : index
    %get3A_18 = vector.load %arg3[%get3A_16, %get3A_17] : memref<128x128xf32, #tpu.memory_space<vmem>>, vector<128x128xf32>
    %dot_general3A = arith.constant dense<0.000000e+00> : vector<10000x128xf32>
    %dot_general3A_19 = tpu.matmul %mul3A_15, %get3A_18, %dot_general3A {dimension_numbers = #tpu.dot_dimension_numbers<[1], [0], [0], [1], [0, 0, 1, 1], [], []>, transpose_lhs_hint = false} : vector<10000x128xf32>, vector<128x128xf32>, vector<10000x128xf32> -> vector<10000x128xf32>
    %get3A_20 = arith.constant 0 : index
    %get3A_21 = arith.constant 0 : index
    %get3A_22 = vector.load %arg2[%get3A_20, %get3A_21] : memref<10000x128xf32, #tpu.memory_space<vmem>>, vector<10000x128xf32>
    %add3A_23 = arith.addf %dot_general3A_19, %get3A_22 : vector<10000x128xf32>
    %max3A_24 = arith.constant 0.000000e+00 : f32
    %max3A_25 = vector.broadcast %max3A_24 : f32 to vector<10000x128xf32>
    %max3A_26 = arith.maximumf %add3A_23, %max3A_25 : vector<10000x128xf32>
    %swap3A_27 = arith.constant 0 : index
    %swap3A_28 = arith.constant 0 : index
    %swap3A_29 = vector.load %arg4[%swap3A_27, %swap3A_28] : memref<10000x128xf32, #tpu.memory_space<vmem>>, vector<10000x128xf32>
    tpu.vector_store %arg4[%swap3A_27, %swap3A_28], %max3A_26 {strides = array<i32>} : memref<10000x128xf32, #tpu.memory_space<vmem>>, vector<10000x128xf32>,
    return
  }
}

module attributes {stable_mosaic.version = 14 : i64} {
  func.func @body(%arg0: memref<20224x128xf32, #tpu.memory_space<vmem>>, %arg1: memref<10000x1xf32, #tpu.memory_space<vmem>>, %arg2: memref<10000x128xf32, #tpu.memory_space<vmem>>, %arg3: memref<128x128xf32, #tpu.memory_space<vmem>>, %arg4: memref<10000x128xf32, #tpu.memory_space<vmem>>) attributes {dimension_semantics = [], scalar_prefetch = 0 : i64, scratch_operands = 0 : i64, tpu.core_type = #tpu.core_type<tc>} {
    %get3A = arith.constant 0 : index
    %get3A_0 = arith.constant 0 : index
    %get3A_1 = vector.load %arg0[%get3A, %get3A_0] : memref<20224x128xf32, #tpu.memory_space<vmem>>, vector<20224x128xf32>
    %slice3A = vector.extract_strided_slice %get3A_1 {offsets = [0, 0], sizes = [10000, 128], strides = [1, 1]} : vector<20224x128xf32> to vector<10000x128xf32>
    %slice3A_2 = vector.extract_strided_slice %get3A_1 {offsets = [10112, 0], sizes = [10000, 128], strides = [1, 1]} : vector<20224x128xf32> to vector<10000x128xf32>
    %add3A = arith.addf %slice3A, %slice3A_2 : vector<10000x128xf32>
    %get3A_3 = arith.constant 0 : index
    %get3A_4 = arith.constant 0 : index
    %get3A_5 = vector.load %arg1[%get3A_3, %get3A_4] : memref<10000x1xf32, #tpu.memory_space<vmem>>, vector<10000x1xf32>
    %mul3A = vector.broadcast %get3A_5 : vector<10000x1xf32> to vector<10000x128xf32>
    %mul3A_6 = arith.mulf %add3A, %mul3A : vector<10000x128xf32>
    %get3A_7 = arith.constant 0 : index
    %get3A_8 = arith.constant 0 : index
    %get3A_9 = vector.load %arg3[%get3A_7, %get3A_8] : memref<128x128xf32, #tpu.memory_space<vmem>>, vector<128x128xf32>
    %dot_general3A = arith.constant dense<0.000000e+00> : vector<10000x128xf32>
    %dot_general3A_10 = tpu.matmul %mul3A_6, %get3A_9, %dot_general3A {dimension_numbers = #tpu.dot_dimension_numbers<[1], [0], [0], [1], [0, 0, 1, 1], [], []>, transpose_lhs_hint = false} : vector<10000x128xf32>, vector<128x128xf32>, vector<10000x128xf32> -> vector<10000x128xf32>
    %get3A_11 = arith.constant 0 : index
    %get3A_12 = arith.constant 0 : index
    %get3A_13 = vector.load %arg2[%get3A_11, %get3A_12] : memref<10000x128xf32, #tpu.memory_space<vmem>>, vector<10000x128xf32>
    %add3A_14 = arith.addf %dot_general3A_10, %get3A_13 : vector<10000x128xf32>
    %swap3A = arith.constant 0 : index
    %swap3A_15 = arith.constant 0 : index
    %swap3A_16 = vector.load %arg4[%swap3A, %swap3A_15] : memref<10000x128xf32, #tpu.memory_space<vmem>>, vector<10000x128xf32>
    tpu.vector_store %arg4[%swap3A, %swap3A_15], %add3A_14 {strides = array<i32>} : memref<10000x128xf32, #tpu.memory_space<vmem>>, vector<10000x128xf32>,
    return
  }
}

</mosaic_0001>

<sc_bundles>
// kernel: kernel.11.cloned.1.call-start
scs
__scs_entry_jumppad:
0x0: {  	(pc) =	sbr.rel $0x88, $3  }
0x1: {  	(tag) =	ssettag $0x0;
	lr =	simm.s32 $0x1  }
0x2: {  	[smem:$0x3F99] =	sst lr;
	_ =	strace $0xD0000000  }
0x3: {  	_ = 	snop  }
0x4: {  	_ = 	snop  }
0x5: {  	_ = 	snop  }
0x6: {  	_ = 	snop  }
0x7: {  	_ = 	snop  }
__scs_overlays_trampoline_lowered:
0x8: {  	[smem:$0x3FA8] =	sst s0  }
0x9: {  	[smem:$0x3FA9] =	sst s1  }
0xa: {  	[smem:$0x3FAA] =	sst s2  }
0xb: {  	[smem:$0x3FAB] =	sst s3  }
0xc: {  	[smem:$0x3FAC] =	sst s4  }
0xd: {  	[smem:$0x3FAD] =	sst s5  }
0xe: {  	[smem:$0x3FAE] =	sst s6  }
0xf: {  	[smem:$0x3FAF] =	sst s7  }
0x10: {  	[smem:$0x3FB0] =	sst s8  }
0x11: {  	[smem:$0x3FB1] =	sst s9;
	s0 =	simm.s32 @!p0 $0x0  }
0x12: {  	s1 =	sld [smem:$0x3F97];
	s0 =	simm.s32 @p0 $0x1  }
0x13: {  	[smem:$0x3FB2] =	sst s0;
	s0 =	simm.s32 @!p1 $0x0  }
0x14: {  	s2 =	sld [smem:$0x3F96];
	s0 =	simm.s32 @p1 $0x1  }
0x15: {  	[smem:$0x3FB3] =	sst s0;
	s0 =	simm.s32 @!p2 $0x0  }
0x16: {  	s3 =	sld [smem:$0x3FDB];
	s0 =	simm.s32 @p2 $0x1  }
0x17: {  	s4 =	simm.s32 $0x1BF5;
	[smem:$0x3FB5] =	sst s0  }
0x18: {  	s0 =	sld [smem:$0x3F98];
	_ =	swait.ge [sflag:s4], $0x0  }
0x19: {  	s7 =	sld [smem:$0x3F99]  }
0x1a: {  	s8 =	sadd.s32 $0xFFFFE003, lr  }
0x1b: {  	s9 =	sadd.s32 $0xFFFFFEF7, lr;
	s5 =	simm.s32 $0xFFFFFFFF;
	p2 =	slt.u32 s8, $0xFFFFF086  }
0x1c: {  	p1 =	slt.u32 s9, $0xF7A;
	s5 =	simm.s32 @!p2 $0x0  }
0x1d: {  	s5 =	simm.s32 @p1 $0x1;
	p0 =	seq.s32 s7, s2  }
0x1e: {  	s7 =	smul.u32 @!p0 $0xF7A, s2;
	p2 =	seq.s32 @!p0 s5, $0x0  }
0x1f: {  	s9 =	smul.u32 $0xF7A, s1;
	s8 =	simm.s32 @!p0 $0x1BF5;
	p2 =	por !p2, p0  }
0x20: {  	[sflag:s8] =	ssyncset.s32 @!p0 $0xFFFFF086;
	s6 =	sadd.s32 @!p0 s3, s7;
	s7 =	simm.s32 @!p0 $0x108  }
0x21: {  	s3 =	sadd.s32 s3, s9;
	s6 =	sadd.s32 @!p0 $0x88, s6;
	s7 =	simm.s32 @p2 $0x1082  }
0x22: {  	[simem:s7], [sflag:s8] =	dma.local @!p0 [hbm:s6], $0xF7A  }
0x23: {  	s9 =	sor.u32 $0xD0000000, s2;
	s6 =	simm.s32 $0x108;
	_ =	swait.ge @!p0 [sflag:s8], $0x0  }
0x24: {  	s3 =	sadd.s32 $0x88, s3;
	s6 =	simm.s32 @!p1 $0x1082;
	[sflag:s4] =	ssyncset.s32 $0xFFFFF086  }
0x25: {  	[simem:s6], [sflag:s4] =	dma.local [hbm:s3], $0xF7A  }
0x26: {  	[smem:$0x3F99] =	sst s1;
	(tag) =	ssettag s2;
	_ =	strace s9  }
0x27: {  	s1 =	sld [smem:$0x3FA9]  }
0x28: {  	s2 =	sld [smem:$0x3FAA]  }
0x29: {  	s4 =	sld [smem:$0x3FAC]  }
0x2a: {  	p0 =	seq.s32 s5, $0x0;
	s5 =	sld [smem:$0x3FAD]  }
0x2b: {  	s6 =	sld [smem:$0x3FAE]  }
0x2c: {  	s7 =	sld [smem:$0x3FAF]  }
0x2d: {  	s3 =	simm.s32 $0x108;
	s8 =	sld [smem:$0x3FB0]  }
0x2e: {  	s3 =	simm.s32 @!p0 $0x1082;
	s9 =	sld [smem:$0x3FB1]  }
0x2f: {  	lr =	sadd.s32 s0, s3;
	s0 =	sld [smem:$0x3FA8]  }
0x30: {  	s3 =	sld [smem:$0x3FAB]  }
0x31: {  	[smem:$0x3FB4] =	sst s10  }
0x32: {  	s10 =	sld [smem:$0x3FB2];
	_ =	sdelay $0x3  }
0x33: {  	p0 =	seq.s32 s10, $0x1;
	s10 =	sld [smem:$0x3FB4];
	_ =	sdelay $0x3  }
0x34: {  	[smem:$0x3FB4] =	sst s10  }
0x35: {  	s10 =	sld [smem:$0x3FB3];
	_ =	sdelay $0x3  }
0x36: {  	p1 =	seq.s32 s10, $0x1;
	s10 =	sld [smem:$0x3FB4];
	_ =	sdelay $0x3  }
0x37: {  	[smem:$0x3FB4] =	sst s10  }
0x38: {  	s10 =	sld [smem:$0x3FB5]  }
0x39: {  	_ = 	snop;
	(pc) =	sbr.ind lr, $3  }
0x3a: {  	_ = 	snop  }
0x3b: {  	_ = 	snop  }
0x3c: {  	p2 =	seq.s32 s10, $0x1;
	s10 =	sld [smem:$0x3FB4]  }
0x3d: {  	_ =	shalt  }
0x3e: {  	_ =	shalt  }
0x3f: {  	_ =	shalt  }
0x40: {  	_ =	shalt  }
0x41: {  	_ =	shalt  }
0x42: {  	_ =	shalt  }
0x43: {  	_ =	shalt  }
0x44: {  	_ =	shalt  }
0x45: {  	_ =	shalt  }
0x46: {  	_ =	shalt  }
0x47: {  	_ =	shalt  }
0x48: {  	_ =	shalt  }
0x49: {  	_ =	shalt  }
0x4a: {  	_ =	shalt  }
0x4b: {  	_ =	shalt  }
0x4c: {  	_ =	shalt  }
0x4d: {  	_ =	shalt  }
0x4e: {  	_ =	shalt  }
0x4f: {  	_ =	shalt  }
0x50: {  	_ =	shalt  }
0x51: {  	_ =	shalt  }
0x52: {  	_ =	shalt  }
0x53: {  	_ =	shalt  }
0x54: {  	_ =	shalt  }
0x55: {  	_ =	shalt  }
0x56: {  	_ =	shalt  }
0x57: {  	_ =	shalt  }
0x58: {  	_ =	shalt  }
0x59: {  	_ =	shalt  }
0x5a: {  	_ =	shalt  }
0x5b: {  	_ =	shalt  }
0x5c: {  	_ =	shalt  }
0x5d: {  	_ =	shalt  }
0x5e: {  	_ =	shalt  }
0x5f: {  	_ =	shalt  }
0x60: {  	_ =	shalt  }
0x61: {  	_ =	shalt  }
0x62: {  	_ =	shalt  }
0x63: {  	_ =	shalt  }
0x64: {  	_ =	shalt  }
0x65: {  	_ =	shalt  }
0x66: {  	_ =	shalt  }
0x67: {  	_ =	shalt  }
0x68: {  	_ =	shalt  }
0x69: {  	_ =	shalt  }
0x6a: {  	_ =	shalt  }
0x6b: {  	_ =	shalt  }
0x6c: {  	_ =	shalt  }
0x6d: {  	_ =	shalt  }
0x6e: {  	_ =	shalt  }
0x6f: {  	_ =	shalt  }
0x70: {  	_ =	shalt  }
0x71: {  	_ =	shalt  }
0x72: {  	_ =	shalt  }
0x73: {  	_ =	shalt  }
0x74: {  	_ =	shalt  }
0x75: {  	_ =	shalt  }
0x76: {  	_ =	shalt  }
0x77: {  	_ =	shalt  }
0x78: {  	_ =	shalt  }
0x79: {  	_ =	shalt  }
0x7a: {  	_ =	shalt  }
0x7b: {  	_ =	shalt  }
0x7c: {  	_ =	shalt  }
0x7d: {  	_ =	shalt  }
0x7e: {  	_ =	shalt  }
0x7f: {  	_ =	shalt  }
0x80: {  	_ =	shalt  }
0x81: {  	_ =	shalt  }
0x82: {  	_ =	shalt  }
0x83: {  	_ =	shalt  }
0x84: {  	_ =	shalt  }
0x85: {  	_ =	shalt  }
0x86: {  	_ =	shalt  }
0x87: {  	_ =	shalt  }
.Lfunc_end0:
.L_simem_size_0:
called_computation.1_lowered:
.L_overlay_start_0:
0x88: {  	s2 =	sld [smem:$0x3FD9]  }
0x89: {  	s3 =	sld [smem:$0x3FFE];
	_ =	sdelay $0x1  }
0x8a: {  	s1 =	srdreg.scid  }
0x8b: {  	s0 =	sand.u32 $0x1, s1  }
0x8c: {  	s17 =	sshll.u32 s0, $0xA;
	s2 =	sadd.s32 s3, s2  }
0x8d: {  	s2 =	sadd.s32 s2, s17  }
0x8e: {  	[smem:$0x3FC0] =	sst s2  }
0x8f: {  	_ = 	snop  }
0x90: {  	s2 =	sld [smem:$0x3FD0];
	(tm) =	ssettm $0x1  }
0x91: {  	s18 =	sld [smem:$0x3FFB];
	_ =	sdelay $0x3  }
0x92: {  	_ =	strace s18  }
0x93: {  	s3 =	sld [smem:$0x3FFC];
	_ =	sdelay $0x3  }
0x94: {  	_ =	strace s3  }
0x95: {  	s3 =	sld [smem:$0x3FFD];
	_ =	sdelay $0x3  }
0x96: {  	_ =	strace s3  }
0x97: {  	_ =	strace $0x8FFFFFFF  }
0x98: {  	s19 =	sld [smem:$0x3FDB];
	_ =	sdelay $0x1  }
0x99: {  	s4 =	simm.s32 $_scs_section_size  }
0x9a: {  	s5 =	simm.s32 $_size__tile_overlayer_lowered;
	s6 =	simm.s32 $_tile_overlayer_lowered  }
0x9b: {  	s22 =	simm.s32 $0x1BFF;
	s21 =	sshll.u32 s6, $0x1;
	s3 =	sadd.s32 s4, s19  }
0x9c: {  	s7 =	simm.s32 $0x0;
	s20 =	sshll.u32 s5, $0x1;
	s5 =	sadd.s32 s21, s3  }
0x9d: {  	[timem:s7], [sflag:s22] =	dma.local [hbm:s5], s20  }
0x9e: {  	_ =	swait.ge [sflag:s22], s20  }
0x9f: {  	s4 =	ssub.s32 $0x0, s20;
	[sflag:s22] =	ssyncset.done $0x0  }
0xa0: {  	[sflag:s22] =	ssyncadd.s32 s4;
	_ =	sdelay $0x1  }
0xa1: {  	s23 =	simm.s32 $0x1B8B  }
0xa2: {  	_ =	swait.ge [sflag:s23], $0x1  }
0xa3: {  	[sflag:s23] =	ssyncset.done $0x0  }
0xa4: {  	s25 =	simm.s32 $0x1B8E;
	s24 =	sld [smem:$0x3FFE];
	[sflag:s23] =	ssyncadd.s32 $0xFFFFFFFF  }
0xa5: {  	s26 =	simm.s32 $execute0_lowered;
	[smem:$0x3FD2] =	sst s25  }
0xa6: {  	s5 =	sshll.u32 s26, $0x1;
	_ =	strace $0x80000049;
	[dreg:$0x1] =	wrdreg $0xFFFFFFFF  }
0xa7: {  	s28 =	simm.s32 $_size_execute0_lowered;
	s3 =	sadd.s32 s3, s5;
	[dreg:$0x0] =	wrdreg $0x0  }
0xa8: {  	s5 =	sshll.u32 s28, $0x1;
	[dreg:$0x2] =	wrdreg s3  }
0xa9: {  	[dreg:$0x3] =	wrdreg s5  }
0xaa: {  	[dreg:$0x4] =	wrdreg $0xC0  }
0xab: {  	_ =	task [dreg:s7], $0x5FFFF  }
0xac: {  	[dreg:$0x1] =	wrdreg $0xFFFFFFFF  }
0xad: {  	[dreg:$0x0] =	wrdreg $0x60  }
0xae: {  	[dreg:$0x2] =	wrdreg s2  }
0xaf: {  	[dreg:$0x3] =	wrdreg s24  }
0xb0: {  	[dreg:$0x4] =	wrdreg $0xB8000  }
0xb1: {  	[dreg:$0x5] =	wrdreg $0x9  }
0xb2: {  	_ =	task.clear_ibuf [dreg:s7], $0x6FFFF;
	_ =	strace $0x90000049  }
0xb3: {  	s29 =	simm.s32 $0x9;
	_ =	strace $0x8000004B  }
0xb4: {  	_ =	swait.ge [sflag:s29], $0x1  }
0xb5: {  	[sflag:s29] =	ssyncadd.s32 $0xFFFFFFFF  }
0xb6: {  	_ =	strace $0x9000004B  }
0xb7: {  	_ =	sfence  }
0xb8: {  	s30 =	sld [smem:$0x0];
	_ =	sdelay $0x2  }
0xb9: {  	s31 =	sshll.u32 s1, $0xD;
	s1 =	sshrl.u32 s1, $0x2  }
0xba: {  	s3 =	sand.u32 $0x4000, s31;
	s1 =	sadd.s32 s1, s30  }
0xbb: {  	s0 =	sor.u32 s3, s0;
	s1 =	sshll.u32 s1, $0x11  }
0xbc: {  	s0 =	sor.u32 s1, s0  }
0xbd: {  	s0 =	sadd.s32 $0x8F2B, s0  }
0xbe: {  	[sflag:s0] =	ssyncadd.remote.s32 $0x1  }
0xbf: {  	_ =	sfence.sel $0xFFFF  }
0xc0: {  	[dreg:$0x0] =	wrdreg $0xFFFFFFFF;
	(pc) =	sbr.abs _section_cstart, $3  }
0xc1: {  	[dreg:$0x1] =	wrdreg $0xFFFFFFFF  }
0xc2: {  	_ =	task.clear_ibuf [dreg:s7], $0x2FFFF;
	_ =	strace $0x9FFFFFFF  }
0xc3: {  	(tm) =	ssettm $0x7FFFFFFF  }
tec
execute0_lowered:
.L_overlay_start_1:
0x0: {  	(tag) =	ssettag $0x1  }
0x1: {  	s1 =	rddreg [dreg:$0x0]  }
0x2: {  	s0 =	rddreg [dreg:$0x1]  }
0x3: {  	s3 =	rddreg [dreg:$0x2]  }
0x4: {  	s2 =	srdreg.scid;
	s10 =	stileid.u32;
	s5 =	simm.s32 $0x0  }
0x5: {  	s28 =	simm.s32 $0x0;
	s2 =	sand.u32 $0x1, s2;
	s4 =	smul.u32 $0x2780, s10  }
0x6: {  	[smem:$0x7FF] =	sst s5;
	s7 =	sadd.s32 $0xC800, s0;
	s6 =	smul.u32 $0x48, s10  }
0x7: {  	s8 =	sadd.s32 $0x2000, s0;
	s9 =	smul.u32 $0x4F000, s10;
	s5 =	simm.s32 $0x5F  }
0x8: {  	s17 =	smul.u32 $0x27800, s2;
	_ =	strace $0x8000004A;
	s18 =	ssub.s32 $0x2, s2  }
0x9: {  	p0 =	seq.s32 s2, $0x0;
	s2 =	smul.u32 $0x5F, s10;
	s19 =	sshrl.u32 s18, $0x1  }
0xa: {  	s10 =	sadd.s32 $0x5F0, s6;
	s20 =	sshrl.u32 s9, $0x2;
	s5 =	simm.s32 @!p0 $0x48  }
0xb: {  	s4 =	sadd.s32 s4, s17;
	s6 =	sadd.s32 s20, s3;
	s31 =	sshll.u32 s5, $0x9  }
0xc: {  	s10 =	smov.u32 @p0 s2;
	s21 =	sadd.s32 $0x3C00, s6;
	[dreg:$0x4] =	wrdreg s31  }
0xd: {  	s0 =	sadd.s32 s4, s0;
	s22 =	sadd.s32 $0x7800, s6;
	[dreg:$0x5] =	wrdreg s21  }
0xe: {  	s4 =	ssub.s32 s18, s19;
	s24 =	sadd.s32 $0xB400, s6;
	[dreg:$0x6] =	wrdreg s22  }
0xf: {  	s23 =	sshll.u32 s10, $0x4;
	s25 =	sadd.s32 $0xF000, s6;
	[dreg:$0x7] =	wrdreg s24  }
0x10: {  	s29 =	sadd.s32 $0x12C00, s6;
	[dreg:$0x8] =	wrdreg s25;
	s26 =	sadd.s32 $0x10, s23  }
0x11: {  	[dreg:$0x9] =	wrdreg s29;
	s30 =	sadd.s32 s7, s23;
	s14 =	sadd.s32 s8, s23  }
0x12: {  	s2 =	sadd.s32 $0x20, s23;
	s19 =	sadd.s32 $0x17000, s0;
	s20 =	smax.u32 s4, $0x1  }
0x13: {  	s22 =	simm.s32 $0x4000;
	s23 =	simm.s32 $0x5;
	s24 =	simm.s32 $0x78  }
0x14: {  	s25 =	simm.s32 $0x80;
	s0 =	simm.s32 $0x1;
	s11 =	sadd.s32 s7, s26  }
0x15: {  	s9 =	sadd.s32 s8, s26;
	s8 =	sadd.s32 s8, s2;
	[dreg:$0xa] =	wrdreg s11  }
0x16: {  	s2 =	sadd.s32 s7, s2;
	s18 =	smov.u32 s30;
	[dreg:$0xb] =	wrdreg s9  }
0x17: {  	s7 =	sadd.s32 $0x30, s30;
	s26 =	simm.s32 $0x2;
	[dreg:$0xc] =	wrdreg s8  }
0x18: {  	v0 =	vimm.f32 $0.0e+00;
	s8 =	sadd.s32 $0x30, s14;
	[dreg:$0xd] =	wrdreg s2;
	s2 =	simm.s32 $0x4  }
.LBB2_1:
0x19: {  	s9 =	simm.s32 $0x0  }
0x1a: {  	s4 =	sand.u32 $0xFE00, s9  }
0x1b: {  	s9 =	sand.u32 $0x70, s9;
	s10 =	sshrl.u32 s4, $0x2  }
0x1c: {  	s4 =	simm.s32 $0x40;
	s10 =	sor.u32 s9, s10;
	s9 =	simm.s32 $0x0  }
.LBB2_2:
0x1d: {  	p0 =	sne.s32 s4, $0xEFC0  }
0x1e: {  	[tilespmem:s10+$0x4000] =	vst v0;
	s9 =	sadd.s32 $0x10, s9;
	s10 =	smov.u32 s4;
	s4 =	sadd.s32 $0x40, s4  }
.Ltmp0:
0x1f: {  	(pc) =	sbr.rel @p0 .LBB2_2-.Ltmp0, $4  }
0x20: {  	_ = 	snop  }
0x21: {  	s10 =	sand.u32 $0xFE00, s10  }
0x22: {  	s17 =	sand.u32 $0x70, s9;
	s10 =	sshrl.u32 s10, $0x2  }
0x23: {  	s10 =	sor.u32 s17, s10  }
0x24: {  	[tilespmem:s10+$0x4000] =	vst v0  }
0x25: {  	[spmem:s6] =	stream.linear.scatter [tilespmem:s22], [sflag:$0x5], $0x3C00, $0x38;
	[tilespmem:$0x1F400] =	vst v63  }
0x26: {  	_ =	swait.ge [sflag:s23], $0x3C00  }
0x27: {  	[sflag:s23] =	ssyncset.done $0x0  }
0x28: {  	s4 =	rddreg [dreg:$0x5];
	[sflag:s23] =	ssyncadd.s32 $0xFFFFC400  }
0x29: {  	[spmem:s4] =	stream.linear.scatter [tilespmem:s22], [sflag:$0x5], $0x3C00, $0x38;
	[tilespmem:$0x1F400] =	vst v63  }
0x2a: {  	_ =	swait.ge [sflag:s23], $0x3C00  }
0x2b: {  	[sflag:s23] =	ssyncset.done $0x0  }
0x2c: {  	s16 =	rddreg [dreg:$0x6];
	[sflag:s23] =	ssyncadd.s32 $0xFFFFC400  }
0x2d: {  	[spmem:s16] =	stream.linear.scatter [tilespmem:s22], [sflag:$0x5], $0x3C00, $0x38;
	[tilespmem:$0x1F400] =	vst v63  }
0x2e: {  	_ =	swait.ge [sflag:s23], $0x3C00  }
0x2f: {  	[sflag:s23] =	ssyncset.done $0x0  }
0x30: {  	s17 =	rddreg [dreg:$0x7];
	[sflag:s23] =	ssyncadd.s32 $0xFFFFC400  }
0x31: {  	[spmem:s17] =	stream.linear.scatter [tilespmem:s22], [sflag:$0x5], $0x3C00, $0x38;
	[tilespmem:$0x1F400] =	vst v63  }
0x32: {  	_ =	swait.ge [sflag:s23], $0x3C00  }
0x33: {  	[sflag:s23] =	ssyncset.done $0x0  }
0x34: {  	s21 =	rddreg [dreg:$0x8];
	[sflag:s23] =	ssyncadd.s32 $0xFFFFC400  }
0x35: {  	[spmem:s21] =	stream.linear.scatter [tilespmem:s22], [sflag:$0x5], $0x3C00, $0x38;
	[tilespmem:$0x1F400] =	vst v63  }
0x36: {  	_ =	swait.ge [sflag:s23], $0x3C00  }
0x37: {  	[sflag:s23] =	ssyncset.done $0x0  }
0x38: {  	s9 =	rddreg [dreg:$0x9];
	[sflag:s23] =	ssyncadd.s32 $0xFFFFC400  }
0x39: {  	[spmem:s9] =	stream.linear.scatter [tilespmem:s22], [sflag:$0x5], $0x1000, $0x38;
	[tilespmem:$0x1F400] =	vst v63  }
0x3a: {  	_ =	swait.ge [sflag:s23], $0x1000  }
0x3b: {  	[sflag:s23] =	ssyncset.done $0x0  }
0x3c: {  	[sflag:s23] =	ssyncadd.s32 $0xFFFFF000  }
0x3d: {  	s29 =	simm.s32 $0x0;
	[bflag:$0x0] =	sbarrier.arrive $0xFFFF  }
0x3e: {  	[tilespmem:s29], [sflag:$0x5] =	stream.linear.gather [hbm4b:s18+s29], $0x80, $0x38;
	[tilespmem:$0x1F400] =	vst v63  }
0x3f: {  	_ =	swait.ge [sflag:s23], $0x80  }
0x40: {  	[sflag:s23] =	ssyncset.done $0x0  }
0x41: {  	s30 =	simm.s32 $0x400;
	[sflag:s23] =	ssyncadd.s32 $0xFFFFFF80  }
0x42: {  	[tilespmem:s30], [sflag:$0x1] =	stream.indirect.gather [hbm4b:s1+s24], $0x80, s29, s24, $0xb8;
	[tilespmem:$0x1F400] =	vst v63  }
0x43: {  	s10 =	rddreg [dreg:$0xa]  }
0x44: {  	[tilespmem:s25], [sflag:$0x3] =	stream.linear.gather [hbm4b:s10+s29], $0x80, $0x38;
	[tilespmem:$0x1F400] =	vst v63  }
0x45: {  	s11 =	simm.s32 $0x200  }
0x46: {  	[tilespmem:s11], [sflag:$0x4] =	stream.linear.gather [hbm4b:s14+s29], $0x80, $0x38;
	[tilespmem:$0x1F400] =	vst v63  }
0x47: {  	s9 =	simm.s32 $0x280;
	s12 =	rddreg [dreg:$0xb]  }
0x48: {  	[tilespmem:s9], [sflag:$0x4] =	stream.linear.gather [hbm4b:s12+s29], $0x80, $0x38;
	[tilespmem:$0x1F400] =	vst v63  }
0x49: {  	s15 =	simm.s32 $0x300;
	s13 =	rddreg [dreg:$0xc]  }
0x4a: {  	[tilespmem:s15], [sflag:$0x4] =	stream.linear.gather [hbm4b:s13+s29], $0x80, $0x38;
	[tilespmem:$0x1F400] =	vst v63  }
0x4b: {  	s31 =	simm.s32 $0x3;
	s16 =	simm.s32 $0x380  }
0x4c: {  	[tilespmem:s16], [sflag:$0x4] =	stream.linear.gather [hbm4b:s8+s29], $0x80, $0x38;
	[tilespmem:$0x1F400] =	vst v63  }
0x4d: {  	_ =	swait.ge [sflag:s31], $0x80  }
0x4e: {  	[sflag:s31] =	ssyncset.done $0x0  }
0x4f: {  	s4 =	simm.s32 $0x7C00;
	[sflag:s31] =	ssyncadd.s32 $0xFFFFFF80  }
0x50: {  	[tilespmem:s22], [sflag:$0x1] =	stream.indirect.gather [hbm4b:s1+s24], $0x80, s25, s24, $0xb8;
	[tilespmem:$0x1F400] =	vst v63  }
0x51: {  	s21 =	simm.s32 $0x100;
	s10 =	simm.s32 $0x2;
	s17 =	rddreg [dreg:$0xd]  }
0x52: {  	[tilespmem:s21], [sflag:$0x3] =	stream.linear.gather [hbm4b:s17+s29], $0x80, $0x38;
	[tilespmem:$0x1F400] =	vst v63  }
0x53: {  	s9 =	simm.s32 $0x0;
	s21 =	smov.u32 s7;
	s17 =	smov.u32 s8  }
.LBB2_4:
0x54: {  	s11 =	smulhi.u32 $0xAAAAAAAB, s31;
	_ =	sdelay $0x1  }
0x55: {  	s11 =	sshrl.u32 s11, $0x1  }
0x56: {  	s11 =	smul.u32 $0xFFFFFA00, s11  }
0x57: {  	s13 =	sadd.s32 $0x1, s10  }
0x58: {  	_ =	swait.ge [sflag:s0], $0x3C00;
	p0 =	sge.u32 s13, s5;
	s11 =	sshra.s32 s11, $0x2  }
0x59: {  	[sflag:s0] =	ssyncset.done $0x0;
	s15 =	sshra.s32 @!p0 s29, $0x2;
	s11 =	sadd.s32 $0x180, s11  }
0x5a: {  	[sflag:s0] =	ssyncadd.s32 $0xFFFFC400;
	s11 =	sadd.s32 @!p0 s15, s11;
	s15 =	simm.s32 @!p0 $0x0  }
0x5b: {  	[tilespmem:s11], [sflag:$0x3] =	stream.linear.gather @!p0 [hbm4b:s21+s15], $0x80, $0x38;
	[tilespmem:$0x1F400] =	vst v63  }
0x5c: {  	p0 =	seq.s32 s29, $0x0  }
0x5d: {  	s15 =	smulhi.u32 $0xAAAAAAAB, s10;
	p1 =	sge.u32 @!p0 s13, s5  }
0x5e: {  	p1 =	por p1, p0  }
0x5f: {  	s11 =	sshrl.u32 s15, $0x1;
	s15 =	simm.s32 @!p0 $0x2;
	s16 =	sadd.s32 @!p1 $0x600, s29  }
0x60: {  	s12 =	smul.u32 $0xFFFD3000, s11;
	_ =	swait.ge @!p0 [sflag:s15], $0x3C00;
	s16 =	sand.u32 @!p1 $0x600, s16  }
0x61: {  	s11 =	smul.u32 $0xFFFFFA00, s11;
	[sflag:s15] =	ssyncset.done @!p0 $0x0;
	s16 =	sshrl.u32 @!p1 s16, $0x2  }
0x62: {  	[sflag:s15] =	ssyncadd.s32 @!p0 $0xFFFFC400;
	s15 =	sor.u32 @!p1 $0x200, s16;
	s16 =	simm.s32 @!p1 $0x0  }
0x63: {  	[tilespmem:s15], [sflag:$0x4] =	stream.linear.gather @!p1 [hbm4b:s17+s16], $0x80, $0x38;
	[tilespmem:$0x1F400] =	vst v63  }
0x64: {  	s12 =	sshra.s32 s12, $0x2;
	p0 =	sge.u32 s10, s5;
	s16 =	smulhi.u32 $0xAAAAAAAB, s9  }
0x65: {  	s11 =	sshra.s32 s11, $0x2;
	s10 =	sadd.s32 s12, s4;
	s12 =	simm.s32 @!p0 $0x3  }
0x66: {  	s11 =	sadd.s32 $0x100, s11;
	_ =	swait.ge @!p0 [sflag:s12], $0x80;
	s15 =	sshrl.u32 s16, $0x1  }
0x67: {  	[sflag:s12] =	ssyncset.done @!p0 $0x0;
	s16 =	sshra.s32 @!p0 s29, $0x2;
	s15 =	smul.u32 $0xFFFD3000, s15  }
0x68: {  	[sflag:s12] =	ssyncadd.s32 @!p0 $0xFFFFFF80;
	s11 =	sadd.s32 @!p0 s16, s11;
	s12 =	simm.s32 @!p0 $0x78  }
0x69: {  	[tilespmem:s10], [sflag:$0x1] =	stream.indirect.gather @!p0 [hbm4b:s1+s12], $0x80, s11, s12, $0xb8;
	[tilespmem:$0x1F400] =	vst v63  }
0x6a: {  	s12 =	sshra.s32 s15, $0x2;
	_ =	swait.ge [sflag:s2], $0x80  }
0x6b: {  	s15 =	sand.u32 $0x600, s29;
	s29 =	sadd.s32 $0x200, s29;
	s16 =	rddreg [dreg:$0x4]  }
0x6c: {  	s31 =	sadd.s32 $0x1, s31;
	p0 =	sne.s32 s16, s29  }
.Ltmp1:
0x6d: {  	s21 =	sadd.s32 $0x10, s21;
	s4 =	sadd.s32 $0x3C00, s4;
	(pc) =	sbr.rel @p0 .LBB2_4-.Ltmp1, $4  }
0x6e: {  	s9 =	sadd.s32 $0x1, s9;
	[sflag:s2] =	ssyncset.done $0x0;
	s11 =	sshrl.u32 s15, $0x2  }
0x6f: {  	s10 =	sadd.s32 s12, s30;
	[sflag:s2] =	ssyncadd.s32 $0xFFFFFF80;
	s11 =	sor.u32 $0x200, s11  }
0x70: {  	[spmem:s3] =	stream.indirect.scatter.add.f32 [tilespmem:s10], [sflag:$0x2], $0x80, s11, s24, $0xb8;
	[tilespmem:$0x1F400] =	vst v63  }
0x71: {  	s17 =	sadd.s32 $0x10, s17;
	s30 =	sadd.s32 $0x3C00, s30;
	s10 =	smov.u32 s13  }
0x72: {  	_ =	swait.ge [sflag:s26], $0x3C00;
	s4 =	stileid.u32  }
0x73: {  	s9 =	sshrl.u32 s6, $0x3;
	s28 =	sadd.s32 $0x1, s28;
	[sflag:s26] =	ssyncset.done $0x0  }
0x74: {  	s4 =	sshll.u32 s4, $0x6;
	p0 =	sne.s32 s28, s20;
	[sflag:s26] =	ssyncadd.s32 $0xFFFFC400  }
.Ltmp2:
0x75: {  	s4 =	sor.u32 $0x1C05, s4;
	[bflag:$0x0] =	sbarrier.arrive $0xFFFF;
	(pc) =	sbr.rel @p0 .LBB2_1-.Ltmp2, $4  }
0x76: {  	[hbm:s19], [sflag:s4] =	dma.local [spmem:s9], $0x2780  }
0x77: {  	_ =	swait.ge [sflag:s23], $0x2780  }
0x78: {  	[sflag:s23] =	ssyncset.done $0x0  }
0x79: {  	[sflag:s23] =	ssyncadd.s32 $0xFFFFD880  }
0x7a: {  	_ =	sfence.sel $0x180000  }
0x7b: {  	[bflag:$0x0] =	sbarrier.arrive $0xFFFF  }
0x7c: {  	_ =	strace $0x9000004A  }
0x7d: {  	s0 =	stileid.u32;
	[bflag:$0x2] =	sbarrier.arrive $0xFFFF  }
0x7e: {  	p0 =	sne.s32 s0, $0x0;
	s0 =	rddreg [dreg:$0x3]  }
0x7f: {  	s0 =	sadd.s32 @!p0 $0x100000, s0  }
0x80: {  	[sflag:s0] =	ssyncadd.tile.s32 @!p0 $0x1;
	_ =	shalt  }
.Lfunc_end2:
_tile_overlayer_lowered:
.L_overlay_start_2:
0x81: {  	(tag) =	ssettag $0x2  }
0x82: {  	s0 =	rddreg [dreg:$0x0];
	s2 =	stileid.u32  }
0x83: {  	s1 =	rddreg [dreg:$0x1];
	p0 =	sne.s32 s2, $0x0  }
0x84: {  	s3 =	rddreg [dreg:$0x2];
	[bflag:$0x3] =	sbarrier.arrive $0xFFFF;
	s2 =	simm.s32 @!p0 $0x1C05  }
0x85: {  	[timem:s3], [sflag:s2] =	dma.local @!p0 [hbm:s0], s1  }
0x86: {  	s0 =	simm.s32 @!p0 $0x5  }
0x87: {  	_ =	swait.ge @!p0 [sflag:s0], s1  }
0x88: {  	s1 =	ssub.s32 @!p0 $0x0, s1;
	[sflag:s0] =	ssyncset.done @!p0 $0x0  }
0x89: {  	[sflag:s0] =	ssyncadd.s32 @!p0 s1  }
0x8a: {  	[bflag:$0x3] =	sbarrier.arrive $0xFFFF  }
0x8b: {  	_ =	shalt  }

// kernel: kernel.8.cloned.1.call-start
scs
__scs_entry_jumppad:
0x0: {  	(pc) =	sbr.rel $0x88, $3  }
0x1: {  	(tag) =	ssettag $0x0;
	lr =	simm.s32 $0x1  }
0x2: {  	[smem:$0x3F99] =	sst lr;
	_ =	strace $0xD0000000  }
0x3: {  	_ = 	snop  }
0x4: {  	_ = 	snop  }
0x5: {  	_ = 	snop  }
0x6: {  	_ = 	snop  }
0x7: {  	_ = 	snop  }
__scs_overlays_trampoline_lowered:
0x8: {  	[smem:$0x3FA8] =	sst s0  }
0x9: {  	[smem:$0x3FA9] =	sst s1  }
0xa: {  	[smem:$0x3FAA] =	sst s2  }
0xb: {  	[smem:$0x3FAB] =	sst s3  }
0xc: {  	[smem:$0x3FAC] =	sst s4  }
0xd: {  	[smem:$0x3FAD] =	sst s5  }
0xe: {  	[smem:$0x3FAE] =	sst s6  }
0xf: {  	[smem:$0x3FAF] =	sst s7  }
0x10: {  	[smem:$0x3FB0] =	sst s8  }
0x11: {  	[smem:$0x3FB1] =	sst s9;
	s0 =	simm.s32 @!p0 $0x0  }
0x12: {  	s1 =	sld [smem:$0x3F97];
	s0 =	simm.s32 @p0 $0x1  }
0x13: {  	[smem:$0x3FB2] =	sst s0;
	s0 =	simm.s32 @!p1 $0x0  }
0x14: {  	s2 =	sld [smem:$0x3F96];
	s0 =	simm.s32 @p1 $0x1  }
0x15: {  	[smem:$0x3FB3] =	sst s0;
	s0 =	simm.s32 @!p2 $0x0  }
0x16: {  	s3 =	sld [smem:$0x3FDB];
	s0 =	simm.s32 @p2 $0x1  }
0x17: {  	s4 =	simm.s32 $0x1BF5;
	[smem:$0x3FB5] =	sst s0  }
0x18: {  	s0 =	sld [smem:$0x3F98];
	_ =	swait.ge [sflag:s4], $0x0  }
0x19: {  	s7 =	sld [smem:$0x3F99]  }
0x1a: {  	s8 =	sadd.s32 $0xFFFFE003, lr  }
0x1b: {  	s9 =	sadd.s32 $0xFFFFFEF7, lr;
	s5 =	simm.s32 $0xFFFFFFFF;
	p2 =	slt.u32 s8, $0xFFFFF086  }
0x1c: {  	p1 =	slt.u32 s9, $0xF7A;
	s5 =	simm.s32 @!p2 $0x0  }
0x1d: {  	s5 =	simm.s32 @p1 $0x1;
	p0 =	seq.s32 s7, s2  }
0x1e: {  	s7 =	smul.u32 @!p0 $0xF7A, s2;
	p2 =	seq.s32 @!p0 s5, $0x0  }
0x1f: {  	s9 =	smul.u32 $0xF7A, s1;
	s8 =	simm.s32 @!p0 $0x1BF5;
	p2 =	por !p2, p0  }
0x20: {  	[sflag:s8] =	ssyncset.s32 @!p0 $0xFFFFF086;
	s6 =	sadd.s32 @!p0 s3, s7;
	s7 =	simm.s32 @!p0 $0x108  }
0x21: {  	s3 =	sadd.s32 s3, s9;
	s6 =	sadd.s32 @!p0 $0x88, s6;
	s7 =	simm.s32 @p2 $0x1082  }
0x22: {  	[simem:s7], [sflag:s8] =	dma.local @!p0 [hbm:s6], $0xF7A  }
0x23: {  	s9 =	sor.u32 $0xD0000000, s2;
	s6 =	simm.s32 $0x108;
	_ =	swait.ge @!p0 [sflag:s8], $0x0  }
0x24: {  	s3 =	sadd.s32 $0x88, s3;
	s6 =	simm.s32 @!p1 $0x1082;
	[sflag:s4] =	ssyncset.s32 $0xFFFFF086  }
0x25: {  	[simem:s6], [sflag:s4] =	dma.local [hbm:s3], $0xF7A  }
0x26: {  	[smem:$0x3F99] =	sst s1;
	(tag) =	ssettag s2;
	_ =	strace s9  }
0x27: {  	s1 =	sld [smem:$0x3FA9]  }
0x28: {  	s2 =	sld [smem:$0x3FAA]  }
0x29: {  	s4 =	sld [smem:$0x3FAC]  }
0x2a: {  	p0 =	seq.s32 s5, $0x0;
	s5 =	sld [smem:$0x3FAD]  }
0x2b: {  	s6 =	sld [smem:$0x3FAE]  }
0x2c: {  	s7 =	sld [smem:$0x3FAF]  }
0x2d: {  	s3 =	simm.s32 $0x108;
	s8 =	sld [smem:$0x3FB0]  }
0x2e: {  	s3 =	simm.s32 @!p0 $0x1082;
	s9 =	sld [smem:$0x3FB1]  }
0x2f: {  	lr =	sadd.s32 s0, s3;
	s0 =	sld [smem:$0x3FA8]  }
0x30: {  	s3 =	sld [smem:$0x3FAB]  }
0x31: {  	[smem:$0x3FB4] =	sst s10  }
0x32: {  	s10 =	sld [smem:$0x3FB2];
	_ =	sdelay $0x3  }
0x33: {  	p0 =	seq.s32 s10, $0x1;
	s10 =	sld [smem:$0x3FB4];
	_ =	sdelay $0x3  }
0x34: {  	[smem:$0x3FB4] =	sst s10  }
0x35: {  	s10 =	sld [smem:$0x3FB3];
	_ =	sdelay $0x3  }
0x36: {  	p1 =	seq.s32 s10, $0x1;
	s10 =	sld [smem:$0x3FB4];
	_ =	sdelay $0x3  }
0x37: {  	[smem:$0x3FB4] =	sst s10  }
0x38: {  	s10 =	sld [smem:$0x3FB5]  }
0x39: {  	_ = 	snop;
	(pc) =	sbr.ind lr, $3  }
0x3a: {  	_ = 	snop  }
0x3b: {  	_ = 	snop  }
0x3c: {  	p2 =	seq.s32 s10, $0x1;
	s10 =	sld [smem:$0x3FB4]  }
0x3d: {  	_ =	shalt  }
0x3e: {  	_ =	shalt  }
0x3f: {  	_ =	shalt  }
0x40: {  	_ =	shalt  }
0x41: {  	_ =	shalt  }
0x42: {  	_ =	shalt  }
0x43: {  	_ =	shalt  }
0x44: {  	_ =	shalt  }
0x45: {  	_ =	shalt  }
0x46: {  	_ =	shalt  }
0x47: {  	_ =	shalt  }
0x48: {  	_ =	shalt  }
0x49: {  	_ =	shalt  }
0x4a: {  	_ =	shalt  }
0x4b: {  	_ =	shalt  }
0x4c: {  	_ =	shalt  }
0x4d: {  	_ =	shalt  }
0x4e: {  	_ =	shalt  }
0x4f: {  	_ =	shalt  }
0x50: {  	_ =	shalt  }
0x51: {  	_ =	shalt  }
0x52: {  	_ =	shalt  }
0x53: {  	_ =	shalt  }
0x54: {  	_ =	shalt  }
0x55: {  	_ =	shalt  }
0x56: {  	_ =	shalt  }
0x57: {  	_ =	shalt  }
0x58: {  	_ =	shalt  }
0x59: {  	_ =	shalt  }
0x5a: {  	_ =	shalt  }
0x5b: {  	_ =	shalt  }
0x5c: {  	_ =	shalt  }
0x5d: {  	_ =	shalt  }
0x5e: {  	_ =	shalt  }
0x5f: {  	_ =	shalt  }
0x60: {  	_ =	shalt  }
0x61: {  	_ =	shalt  }
0x62: {  	_ =	shalt  }
0x63: {  	_ =	shalt  }
0x64: {  	_ =	shalt  }
0x65: {  	_ =	shalt  }
0x66: {  	_ =	shalt  }
0x67: {  	_ =	shalt  }
0x68: {  	_ =	shalt  }
0x69: {  	_ =	shalt  }
0x6a: {  	_ =	shalt  }
0x6b: {  	_ =	shalt  }
0x6c: {  	_ =	shalt  }
0x6d: {  	_ =	shalt  }
0x6e: {  	_ =	shalt  }
0x6f: {  	_ =	shalt  }
0x70: {  	_ =	shalt  }
0x71: {  	_ =	shalt  }
0x72: {  	_ =	shalt  }
0x73: {  	_ =	shalt  }
0x74: {  	_ =	shalt  }
0x75: {  	_ =	shalt  }
0x76: {  	_ =	shalt  }
0x77: {  	_ =	shalt  }
0x78: {  	_ =	shalt  }
0x79: {  	_ =	shalt  }
0x7a: {  	_ =	shalt  }
0x7b: {  	_ =	shalt  }
0x7c: {  	_ =	shalt  }
0x7d: {  	_ =	shalt  }
0x7e: {  	_ =	shalt  }
0x7f: {  	_ =	shalt  }
0x80: {  	_ =	shalt  }
0x81: {  	_ =	shalt  }
0x82: {  	_ =	shalt  }
0x83: {  	_ =	shalt  }
0x84: {  	_ =	shalt  }
0x85: {  	_ =	shalt  }
0x86: {  	_ =	shalt  }
0x87: {  	_ =	shalt  }
.Lfunc_end0:
.L_simem_size_0:
called_computation_lowered:
.L_overlay_start_0:
0x88: {  	s2 =	sld [smem:$0x3FD9]  }
0x89: {  	s3 =	sld [smem:$0x3FFE];
	_ =	sdelay $0x1  }
0x8a: {  	s1 =	srdreg.scid  }
0x8b: {  	s0 =	sand.u32 $0x1, s1  }
0x8c: {  	s17 =	sshll.u32 s0, $0xA;
	s2 =	sadd.s32 s3, s2  }
0x8d: {  	s2 =	sadd.s32 s2, s17  }
0x8e: {  	[smem:$0x3FC0] =	sst s2  }
0x8f: {  	_ = 	snop  }
0x90: {  	s2 =	sld [smem:$0x3FC9];
	(tm) =	ssettm $0x1  }
0x91: {  	s18 =	sld [smem:$0x3FFB];
	_ =	sdelay $0x3  }
0x92: {  	_ =	strace s18  }
0x93: {  	s3 =	sld [smem:$0x3FFC];
	_ =	sdelay $0x3  }
0x94: {  	_ =	strace s3  }
0x95: {  	s3 =	sld [smem:$0x3FFD];
	_ =	sdelay $0x3  }
0x96: {  	_ =	strace s3  }
0x97: {  	_ =	strace $0x8FFFFFFF  }
0x98: {  	s19 =	sld [smem:$0x3FDB];
	_ =	sdelay $0x1  }
0x99: {  	s4 =	simm.s32 $_scs_section_size  }
0x9a: {  	s5 =	simm.s32 $_size__tile_overlayer_lowered;
	s6 =	simm.s32 $_tile_overlayer_lowered  }
0x9b: {  	s22 =	simm.s32 $0x1BFF;
	s21 =	sshll.u32 s6, $0x1;
	s3 =	sadd.s32 s4, s19  }
0x9c: {  	s7 =	simm.s32 $0x0;
	s20 =	sshll.u32 s5, $0x1;
	s5 =	sadd.s32 s21, s3  }
0x9d: {  	[timem:s7], [sflag:s22] =	dma.local [hbm:s5], s20  }
0x9e: {  	_ =	swait.ge [sflag:s22], s20  }
0x9f: {  	s4 =	ssub.s32 $0x0, s20;
	[sflag:s22] =	ssyncset.done $0x0  }
0xa0: {  	[sflag:s22] =	ssyncadd.s32 s4;
	_ =	sdelay $0x1  }
0xa1: {  	s23 =	simm.s32 $0x1B8B  }
0xa2: {  	_ =	swait.ge [sflag:s23], $0x1  }
0xa3: {  	[sflag:s23] =	ssyncset.done $0x0  }
0xa4: {  	s25 =	simm.s32 $0x1B8E;
	s24 =	sld [smem:$0x3FFE];
	[sflag:s23] =	ssyncadd.s32 $0xFFFFFFFF  }
0xa5: {  	s26 =	simm.s32 $execute0_lowered;
	[smem:$0x3FD2] =	sst s25  }
0xa6: {  	s5 =	sshll.u32 s26, $0x1;
	_ =	strace $0x80000046;
	[dreg:$0x1] =	wrdreg $0xFFFFFFFF  }
0xa7: {  	s28 =	simm.s32 $_size_execute0_lowered;
	s3 =	sadd.s32 s3, s5;
	[dreg:$0x0] =	wrdreg $0x0  }
0xa8: {  	s5 =	sshll.u32 s28, $0x1;
	[dreg:$0x2] =	wrdreg s3  }
0xa9: {  	[dreg:$0x3] =	wrdreg s5  }
0xaa: {  	[dreg:$0x4] =	wrdreg $0xC0  }
0xab: {  	_ =	task [dreg:s7], $0x5FFFF  }
0xac: {  	[dreg:$0x1] =	wrdreg $0xFFFFFFFF  }
0xad: {  	[dreg:$0x0] =	wrdreg $0x60  }
0xae: {  	[dreg:$0x2] =	wrdreg s2  }
0xaf: {  	[dreg:$0x3] =	wrdreg s24  }
0xb0: {  	[dreg:$0x4] =	wrdreg $0xB8000  }
0xb1: {  	[dreg:$0x5] =	wrdreg $0x9  }
0xb2: {  	_ =	task.clear_ibuf [dreg:s7], $0x6FFFF;
	_ =	strace $0x90000046  }
0xb3: {  	s29 =	simm.s32 $0x9;
	_ =	strace $0x80000048  }
0xb4: {  	_ =	swait.ge [sflag:s29], $0x1  }
0xb5: {  	[sflag:s29] =	ssyncadd.s32 $0xFFFFFFFF  }
0xb6: {  	_ =	strace $0x90000048  }
0xb7: {  	_ =	sfence  }
0xb8: {  	s30 =	sld [smem:$0x0];
	_ =	sdelay $0x2  }
0xb9: {  	s31 =	sshll.u32 s1, $0xD;
	s1 =	sshrl.u32 s1, $0x2  }
0xba: {  	s3 =	sand.u32 $0x4000, s31;
	s1 =	sadd.s32 s1, s30  }
0xbb: {  	s0 =	sor.u32 s3, s0;
	s1 =	sshll.u32 s1, $0x11  }
0xbc: {  	s0 =	sor.u32 s1, s0  }
0xbd: {  	s0 =	sadd.s32 $0x8F2B, s0  }
0xbe: {  	[sflag:s0] =	ssyncadd.remote.s32 $0x1  }
0xbf: {  	_ =	sfence.sel $0xFFFF  }
0xc0: {  	[dreg:$0x0] =	wrdreg $0xFFFFFFFF;
	(pc) =	sbr.abs _section_cstart, $3  }
0xc1: {  	[dreg:$0x1] =	wrdreg $0xFFFFFFFF  }
0xc2: {  	_ =	task.clear_ibuf [dreg:s7], $0x2FFFF;
	_ =	strace $0x9FFFFFFF  }
0xc3: {  	(tm) =	ssettm $0x7FFFFFFF  }
tec
execute0_lowered:
.L_overlay_start_1:
0x0: {  	(tag) =	ssettag $0x1  }
0x1: {  	s1 =	rddreg [dreg:$0x0]  }
0x2: {  	s0 =	rddreg [dreg:$0x1];
	s9 =	stileid.u32  }
0x3: {  	s2 =	srdreg.scid;
	s4 =	smul.u32 $0x278, s9  }
0x4: {  	s3 =	rddreg [dreg:$0x2];
	s25 =	smul.u32 $0x4F000, s9  }
0x5: {  	s6 =	simm.s32 $0x0;
	s2 =	sand.u32 $0x1, s2;
	s26 =	smul.u32 $0x48, s9  }
0x6: {  	[smem:$0x7FF] =	sst s6;
	s7 =	sadd.s32 $0xC800, s0;
	s9 =	smul.u32 $0x5F, s9  }
0x7: {  	s8 =	sadd.s32 $0x2000, s0;
	s5 =	smul.u32 $0x2780, s2;
	s23 =	ssub.s32 $0x2, s2  }
0x8: {  	_ =	strace $0x80000047;
	p0 =	seq.s32 s2, $0x0;
	s24 =	sshrl.u32 s23, $0x1  }
0x9: {  	s6 =	sshrl.u32 s25, $0x2;
	s2 =	sadd.s32 $0x5F0, s26;
	s4 =	sadd.s32 s4, s5  }
0xa: {  	s13 =	sadd.s32 s6, s3;
	s2 =	smov.u32 @p0 s9;
	s4 =	sshll.u32 s4, $0x4  }
0xb: {  	s14 =	sadd.s32 $0x3C00, s13;
	s15 =	sadd.s32 $0x7800, s13;
	[dreg:$0x4] =	wrdreg s13  }
0xc: {  	s17 =	sadd.s32 $0xB400, s13;
	s19 =	sadd.s32 $0xF000, s13;
	[dreg:$0x5] =	wrdreg s14  }
0xd: {  	s2 =	sshll.u32 s2, $0x4;
	s21 =	sadd.s32 $0x12C00, s13;
	[dreg:$0x6] =	wrdreg s15  }
0xe: {  	s0 =	sadd.s32 s4, s0;
	s4 =	ssub.s32 s23, s24;
	[dreg:$0x7] =	wrdreg s17  }
0xf: {  	s30 =	sadd.s32 $0x10, s2;
	s10 =	sadd.s32 $0x20, s2;
	[dreg:$0x8] =	wrdreg s19  }
0x10: {  	s23 =	sadd.s32 s8, s2;
	s2 =	sadd.s32 s7, s2;
	[dreg:$0x9] =	wrdreg s21  }
0x11: {  	[dreg:$0xf] =	wrdreg s2  }
0x12: {  	s28 =	simm.s32 $0x4000;
	s11 =	sadd.s32 $0x66000, s0;
	[dreg:$0xa] =	wrdreg s23  }
0x13: {  	s29 =	simm.s32 $0x5;
	s12 =	sadd.s32 s7, s30;
	[dreg:$0xe] =	wrdreg s11  }
0x14: {  	s31 =	simm.s32 $0x200;
	s16 =	sadd.s32 s7, s10;
	[dreg:$0x10] =	wrdreg s12  }
0x15: {  	s5 =	simm.s32 $0x5F;
	s0 =	sadd.s32 $0x17000, s0;
	[dreg:$0x11] =	wrdreg s16  }
0x16: {  	s6 =	simm.s32 $0x0;
	s18 =	smax.u32 s4, $0x1;
	[dreg:$0x12] =	wrdreg s0  }
0x17: {  	s5 =	simm.s32 @!p0 $0x48;
	s20 =	sadd.s32 $0x40, s23;
	[dreg:$0x13] =	wrdreg s18  }
0x18: {  	s24 =	sadd.s32 s8, s30;
	s30 =	sadd.s32 $0x30, s2;
	[dreg:$0x14] =	wrdreg s20  }
0x19: {  	s22 =	sshll.u32 s5, $0x9;
	s25 =	sadd.s32 s8, s10;
	[dreg:$0x15] =	wrdreg s30  }
0x1a: {  	s26 =	sadd.s32 $0x30, s23;
	s2 =	simm.s32 $0x78;
	[dreg:$0xb] =	wrdreg s24  }
0x1b: {  	s0 =	simm.s32 $0x2;
	s16 =	simm.s32 $0x4;
	[dreg:$0xc] =	wrdreg s25  }
0x1c: {  	v0 =	vimm.f32 $1.000000000e+00;
	v1 =	vimm.f32 $0.0e+00;
	s18 =	simm.s32 $0x400;
	s20 =	simm.s32 $0x1;
	[dreg:$0xd] =	wrdreg s26  }
.LBB2_1:
0x1d: {  	s4 =	simm.s32 $0x0;
	s7 =	simm.s32 $0x0  }
.LBB2_2:
0x1e: {  	p0 =	sne.s32 s7, $0xEFC0  }
.Ltmp0:
0x1f: {  	_ = 	snop;
	(pc) =	sbr.rel @p0 .LBB2_2-.Ltmp0, $4  }
0x20: {  	s8 =	sand.u32 $0xFE00, s7  }
0x21: {  	s9 =	sand.u32 $0x70, s4;
	s8 =	sshrl.u32 s8, $0x2  }
0x22: {  	s8 =	sor.u32 s9, s8  }
0x23: {  	s4 =	sadd.s32 $0x10, s4;
	s7 =	sadd.s32 $0x40, s7;
	[tilespmem:s8+$0x400] =	vst v0  }
0x24: {  	s4 =	simm.s32 $0x0  }
0x25: {  	s7 =	sand.u32 $0xFE00, s4  }
0x26: {  	s8 =	sand.u32 $0x70, s4;
	s9 =	sshrl.u32 s7, $0x2  }
0x27: {  	[dreg:$0x16] =	wrdreg s6;
	s7 =	simm.s32 $0x40;
	s8 =	sor.u32 s8, s9  }
.LBB2_4:
0x28: {  	p0 =	sne.s32 s7, $0xEFC0  }
0x29: {  	[tilespmem:s8+$0x4000] =	vst v1;
	s4 =	sadd.s32 $0x10, s4;
	s8 =	smov.u32 s7;
	s7 =	sadd.s32 $0x40, s7  }
.Ltmp1:
0x2a: {  	(pc) =	sbr.rel @p0 .LBB2_4-.Ltmp1, $4  }
0x2b: {  	_ = 	snop  }
0x2c: {  	s8 =	sand.u32 $0xFE00, s8  }
0x2d: {  	s9 =	sand.u32 $0x70, s4;
	s8 =	sshrl.u32 s8, $0x2  }
0x2e: {  	s8 =	sor.u32 s9, s8  }
0x2f: {  	[tilespmem:s8+$0x4000] =	vst v1  }
0x30: {  	[spmem:s13] =	stream.linear.scatter [tilespmem:s28], [sflag:$0x5], $0x3C00, $0x38;
	[tilespmem:$0x1F400] =	vst v63  }
0x31: {  	_ =	swait.ge [sflag:s29], $0x3C00  }
0x32: {  	[sflag:s29] =	ssyncset.done $0x0  }
0x33: {  	[sflag:s29] =	ssyncadd.s32 $0xFFFFC400  }
0x34: {  	[spmem:s14] =	stream.linear.scatter [tilespmem:s28], [sflag:$0x5], $0x3C00, $0x38;
	[tilespmem:$0x1F400] =	vst v63  }
0x35: {  	_ =	swait.ge [sflag:s29], $0x3C00  }
0x36: {  	[sflag:s29] =	ssyncset.done $0x0  }
0x37: {  	[sflag:s29] =	ssyncadd.s32 $0xFFFFC400  }
0x38: {  	[spmem:s15] =	stream.linear.scatter [tilespmem:s28], [sflag:$0x5], $0x3C00, $0x38;
	[tilespmem:$0x1F400] =	vst v63  }
0x39: {  	_ =	swait.ge [sflag:s29], $0x3C00  }
0x3a: {  	[sflag:s29] =	ssyncset.done $0x0  }
0x3b: {  	[sflag:s29] =	ssyncadd.s32 $0xFFFFC400  }
0x3c: {  	[spmem:s17] =	stream.linear.scatter [tilespmem:s28], [sflag:$0x5], $0x3C00, $0x38;
	[tilespmem:$0x1F400] =	vst v63  }
0x3d: {  	_ =	swait.ge [sflag:s29], $0x3C00  }
0x3e: {  	[sflag:s29] =	ssyncset.done $0x0  }
0x3f: {  	[sflag:s29] =	ssyncadd.s32 $0xFFFFC400  }
0x40: {  	[spmem:s19] =	stream.linear.scatter [tilespmem:s28], [sflag:$0x5], $0x3C00, $0x38;
	[tilespmem:$0x1F400] =	vst v63  }
0x41: {  	_ =	swait.ge [sflag:s29], $0x3C00  }
0x42: {  	[sflag:s29] =	ssyncset.done $0x0  }
0x43: {  	[sflag:s29] =	ssyncadd.s32 $0xFFFFC400  }
0x44: {  	[spmem:s21] =	stream.linear.scatter [tilespmem:s28], [sflag:$0x5], $0x1000, $0x38;
	[tilespmem:$0x1F400] =	vst v63  }
0x45: {  	_ =	swait.ge [sflag:s29], $0x1000  }
0x46: {  	[sflag:s29] =	ssyncset.done $0x0  }
0x47: {  	[sflag:s29] =	ssyncadd.s32 $0xFFFFF000  }
0x48: {  	s4 =	simm.s32 $0x0;
	[bflag:$0x0] =	sbarrier.arrive $0xFFFF  }
0x49: {  	[tilespmem:s31], [sflag:$0x4] =	stream.linear.gather [hbm4b:s23+s4], $0x80, $0x38;
	[tilespmem:$0x1F400] =	vst v63  }
0x4a: {  	s6 =	simm.s32 $0x280  }
0x4b: {  	[tilespmem:s6], [sflag:$0x4] =	stream.linear.gather [hbm4b:s24+s4], $0x80, $0x38;
	[tilespmem:$0x1F400] =	vst v63  }
0x4c: {  	s7 =	simm.s32 $0x300  }
0x4d: {  	[tilespmem:s7], [sflag:$0x4] =	stream.linear.gather [hbm4b:s25+s4], $0x80, $0x38;
	[tilespmem:$0x1F400] =	vst v63  }
0x4e: {  	s11 =	simm.s32 $0x380;
	s12 =	simm.s32 $0x4  }
0x4f: {  	[tilespmem:s11], [sflag:$0x4] =	stream.linear.gather [hbm4b:s26+s4], $0x80, $0x38;
	[tilespmem:$0x1F400] =	vst v63  }
0x50: {  	_ =	swait.ge [sflag:s12], $0x80  }
0x51: {  	[sflag:s12] =	ssyncset.done $0x0  }
0x52: {  	s30 =	simm.s32 $0x400;
	p2 =	sne.s32 s22, $0x600;
	[sflag:s12] =	ssyncadd.s32 $0xFFFFFF80  }
0x53: {  	[spmem:s3] =	stream.indirect.scatter.add.f32 [tilespmem:s30], [sflag:$0x2], $0x80, s31, s2, $0xb8;
	[tilespmem:$0x1F400] =	vst v63  }
.Ltmp2:
0x54: {  	_ = 	snop;
	(pc) =	sbr.rel @!p2 .LBB2_6-.Ltmp2, $4  }
0x55: {  	_ =	swait.ge [sflag:s12], $0x80  }
0x56: {  	p0 =	sle.u32 s5, $0x4;
	[sflag:s12] =	ssyncset.done $0x0  }
0x57: {  	p1 =	por $0x0, $0x0;
	s4 =	simm.s32 $0x600;
	[sflag:s12] =	ssyncadd.s32 $0xFFFFFF80  }
0x58: {  	[spmem:s3] =	stream.indirect.scatter.add.f32 [tilespmem:s30], [sflag:$0x2], $0x80, s6, s2, $0xb8;
	[tilespmem:$0x1F400] =	vst v63  }
0x59: {  	p0 =	por p0, p0;
	_ =	swait.ge [sflag:s0], $0x3C00  }
0x5a: {  	p2 =	sne.s32 s22, $0x800;
	s12 =	sand.u32 $0x600, s30;
	s7 =	simm.s32 @!p0 $0x800  }
0x5b: {  	s9 =	simm.s32 $0x6;
	[sflag:s0] =	ssyncset.done $0x0;
	s7 =	sand.u32 @!p0 $0x600, s7  }
0x5c: {  	s8 =	simm.s32 @!p0 $0x0;
	s6 =	rddreg [dreg:$0x14];
	s7 =	sshrl.u32 @!p0 s7, $0x2  }
.Ltmp3:
0x5d: {  	[sflag:s0] =	ssyncadd.s32 $0xFFFFC400;
	s7 =	sor.u32 @!p0 $0x200, s7;
	(pc) =	sbr.rel @!p2 .LBB2_9-.Ltmp3, $4  }
0x5e: {  	[tilespmem:s7], [sflag:$0x4] =	stream.linear.gather @!p0 [hbm4b:s6+s8], $0x80, $0x38;
	[tilespmem:$0x1F400] =	vst v63  }
0x5f: {  	p1 =	por $0x1, $0x1;
	s10 =	sshrl.u32 s12, $0x2;
	_ =	swait.ge [sflag:s16], $0x80  }
0x60: {  	s10 =	sor.u32 $0x200, s10;
	p0 =	sle.u32 s5, $0x5;
	[sflag:s16] =	ssyncset.done $0x0  }
0x61: {  	s8 =	simm.s32 $0x800;
	s7 =	sadd.s32 $0x10, s6;
	[sflag:s16] =	ssyncadd.s32 $0xFFFFFF80  }
.LBB2_8:
0x62: {  	[spmem:s3] =	stream.indirect.scatter.add.f32 [tilespmem:s18], [sflag:$0x2], $0x80, s10, s2, $0xb8;
	[tilespmem:$0x1F400] =	vst v63  }
0x63: {  	s10 =	smov.u32 s8;
	p3 =	por p0, p0  }
0x64: {  	p0 =	sge.u32 s9, s5;
	s8 =	sadd.s32 $0x200, s8;
	s11 =	sadd.s32 @!p3 $0x400, s4  }
0x65: {  	p2 =	sne.s32 s22, s8;
	_ =	swait.ge [sflag:s0], $0x3C00;
	s11 =	sand.u32 @!p3 $0x600, s11  }
0x66: {  	s12 =	simm.s32 @!p3 $0x0;
	[sflag:s0] =	ssyncset.done $0x0;
	s11 =	sshrl.u32 @!p3 s11, $0x2  }
.Ltmp4:
0x67: {  	[sflag:s0] =	ssyncadd.s32 $0xFFFFC400;
	s11 =	sor.u32 @!p3 $0x200, s11;
	(pc) =	sbr.rel @p2 .LBB2_8-.Ltmp4, $4  }
0x68: {  	[tilespmem:s11], [sflag:$0x4] =	stream.linear.gather @!p3 [hbm4b:s7+s12], $0x80, $0x38;
	[tilespmem:$0x1F400] =	vst v63  }
0x69: {  	s11 =	sand.u32 $0x600, s4;
	s4 =	smov.u32 s10;
	_ =	swait.ge [sflag:s16], $0x80  }
0x6a: {  	s7 =	sadd.s32 $0x10, s7;
	s10 =	sshrl.u32 s11, $0x2;
	[sflag:s16] =	ssyncset.done $0x0  }
0x6b: {  	s9 =	sadd.s32 $0x1, s9;
	s10 =	sor.u32 $0x200, s10;
	[sflag:s16] =	ssyncadd.s32 $0xFFFFFF80  }
.LBB2_9:
0x6c: {  	[spmem:s3] =	stream.indirect.scatter.add.f32 @p1 [tilespmem:s18], [sflag:$0x2], $0x80, s10, s2, $0xb8;
	[tilespmem:$0x1F400] =	vst v63  }
0x6d: {  	p0 =	por p0, p0  }
0x6e: {  	s8 =	sadd.s32 @!p0 $0x400, s4  }
0x6f: {  	_ =	swait.ge [sflag:s0], $0x3C00;
	s8 =	sand.u32 @!p0 $0x600, s8  }
0x70: {  	[sflag:s0] =	ssyncset.done $0x0;
	s8 =	sshrl.u32 @!p0 s8, $0x2  }
0x71: {  	s9 =	simm.s32 @!p0 $0x0;
	[sflag:s0] =	ssyncadd.s32 $0xFFFFC400;
	s8 =	sor.u32 @!p0 $0x200, s8  }
0x72: {  	[tilespmem:s8], [sflag:$0x4] =	stream.linear.gather @!p0 [hbm4b:s7+s9], $0x80, $0x38;
	[tilespmem:$0x1F400] =	vst v63  }
0x73: {  	s9 =	sand.u32 $0x600, s4;
	_ =	swait.ge [sflag:s16], $0x80  }
0x74: {  	s4 =	sshrl.u32 s9, $0x2;
	[sflag:s16] =	ssyncset.done $0x0  }
0x75: {  	s4 =	sor.u32 $0x200, s4;
	[sflag:s16] =	ssyncadd.s32 $0xFFFFFF80  }
0x76: {  	[spmem:s3] =	stream.indirect.scatter.add.f32 [tilespmem:s18], [sflag:$0x2], $0x80, s4, s2, $0xb8;
	[tilespmem:$0x1F400] =	vst v63  }
0x77: {  	s4 =	simm.s32 $0x2  }
0x78: {  	_ =	swait.ge [sflag:s4], $0x3C00  }
0x79: {  	[sflag:s4] =	ssyncset.done $0x0  }
0x7a: {  	[sflag:s4] =	ssyncadd.s32 $0xFFFFC400  }
0x7b: {  	_ =	swait.ge [sflag:s4], $0x3C00  }
0x7c: {  	[sflag:s4] =	ssyncset.done $0x0  }
0x7d: {  	s6 =	stileid.u32;
	[sflag:s4] =	ssyncadd.s32 $0xFFFFC400  }
0x7e: {  	s10 =	sshll.u32 s6, $0x6;
	[bflag:$0x0] =	sbarrier.arrive $0xFFFF  }
0x7f: {  	s7 =	sor.u32 $0x1C05, s10;
	s12 =	rddreg [dreg:$0xe]  }
0x80: {  	s11 =	sshrl.u32 s13, $0x3;
	[dreg:$0x17] =	wrdreg s7  }
0x81: {  	[dreg:$0x18] =	wrdreg s11  }
0x82: {  	[hbm:s12], [sflag:s7] =	dma.local [spmem:s11], $0x2780  }
0x83: {  	_ =	swait.ge [sflag:s29], $0x2780  }
0x84: {  	[sflag:s29] =	ssyncset.done $0x0  }
0x85: {  	[sflag:s29] =	ssyncadd.s32 $0xFFFFD880  }
0x86: {  	[spmem:s13] =	stream.linear.scatter [tilespmem:s28], [sflag:$0x5], $0x3C00, $0x38;
	[tilespmem:$0x1F400] =	vst v63  }
0x87: {  	_ =	swait.ge [sflag:s29], $0x3C00  }
0x88: {  	[sflag:s29] =	ssyncset.done $0x0  }
0x89: {  	[sflag:s29] =	ssyncadd.s32 $0xFFFFC400  }
0x8a: {  	[spmem:s14] =	stream.linear.scatter [tilespmem:s28], [sflag:$0x5], $0x3C00, $0x38;
	[tilespmem:$0x1F400] =	vst v63  }
0x8b: {  	_ =	swait.ge [sflag:s29], $0x3C00  }
0x8c: {  	[sflag:s29] =	ssyncset.done $0x0  }
0x8d: {  	[sflag:s29] =	ssyncadd.s32 $0xFFFFC400  }
0x8e: {  	[spmem:s15] =	stream.linear.scatter [tilespmem:s28], [sflag:$0x5], $0x3C00, $0x38;
	[tilespmem:$0x1F400] =	vst v63  }
0x8f: {  	_ =	swait.ge [sflag:s29], $0x3C00  }
0x90: {  	[sflag:s29] =	ssyncset.done $0x0  }
0x91: {  	[sflag:s29] =	ssyncadd.s32 $0xFFFFC400  }
0x92: {  	[spmem:s17] =	stream.linear.scatter [tilespmem:s28], [sflag:$0x5], $0x3C00, $0x38;
	[tilespmem:$0x1F400] =	vst v63  }
0x93: {  	_ =	swait.ge [sflag:s29], $0x3C00  }
0x94: {  	[sflag:s29] =	ssyncset.done $0x0  }
0x95: {  	[sflag:s29] =	ssyncadd.s32 $0xFFFFC400  }
0x96: {  	[spmem:s19] =	stream.linear.scatter [tilespmem:s28], [sflag:$0x5], $0x3C00, $0x38;
	[tilespmem:$0x1F400] =	vst v63  }
0x97: {  	_ =	swait.ge [sflag:s29], $0x3C00  }
0x98: {  	[sflag:s29] =	ssyncset.done $0x0  }
0x99: {  	[sflag:s29] =	ssyncadd.s32 $0xFFFFC400  }
0x9a: {  	[spmem:s21] =	stream.linear.scatter [tilespmem:s28], [sflag:$0x5], $0x1000, $0x38;
	[tilespmem:$0x1F400] =	vst v63  }
0x9b: {  	_ =	swait.ge [sflag:s29], $0x1000  }
0x9c: {  	[sflag:s29] =	ssyncset.done $0x0  }
0x9d: {  	[sflag:s29] =	ssyncadd.s32 $0xFFFFF000  }
0x9e: {  	[bflag:$0x0] =	sbarrier.arrive $0xFFFF  }
0x9f: {  	s10 =	simm.s32 $0x0;
	s17 =	rddreg [dreg:$0xf]  }
0xa0: {  	[tilespmem:s10], [sflag:$0x5] =	stream.linear.gather [hbm4b:s17+s10], $0x80, $0x38;
	[tilespmem:$0x1F400] =	vst v63  }
0xa1: {  	_ =	swait.ge [sflag:s29], $0x80  }
0xa2: {  	[sflag:s29] =	ssyncset.done $0x0  }
0xa3: {  	p1 =	sne.s32 s22, $0x200;
	p2 =	por $0x1, $0x1;
	[sflag:s29] =	ssyncadd.s32 $0xFFFFFF80  }
0xa4: {  	[tilespmem:s30], [sflag:$0x1] =	stream.indirect.gather [hbm4b:s1+s2], $0x80, s10, s2, $0xb8;
	[tilespmem:$0x1F400] =	vst v63  }
0xa5: {  	p4 =	sle.u32 @!p2 s5, $0x3;
	s21 =	simm.s32 $0x80;
	s19 =	rddreg [dreg:$0x10]  }
0xa6: {  	[tilespmem:s21], [sflag:$0x3] =	stream.linear.gather [hbm4b:s19+s10], $0x80, $0x38;
	[tilespmem:$0x1F400] =	vst v63  }
0xa7: {  	p3 =	sle.u32 s5, $0x3;
	p4 =	por p4, p2;
	p0 =	sle.u32 s5, $0x2  }
0xa8: {  	[tilespmem:s31], [sflag:$0x4] =	stream.linear.gather [hbm4b:s23+s10], $0x80, $0x38;
	[tilespmem:$0x1F400] =	vst v63  }
0xa9: {  	s9 =	simm.s32 $0x300;
	s7 =	simm.s32 $0x280;
	s15 =	smulhi.u32 $0xAAAAAAAB, s10  }
0xaa: {  	[tilespmem:s7], [sflag:$0x4] =	stream.linear.gather [hbm4b:s24+s10], $0x80, $0x38;
	[tilespmem:$0x1F400] =	vst v63  }
0xab: {  	s11 =	simm.s32 $0x380;
	s12 =	simm.s32 $0x3;
	s19 =	smulhi.u32 $0xAAAAAAAB, s4  }
0xac: {  	[tilespmem:s9], [sflag:$0x4] =	stream.linear.gather [hbm4b:s25+s10], $0x80, $0x38;
	[tilespmem:$0x1F400] =	vst v63  }
0xad: {  	s14 =	simm.s32 $0x100;
	s7 =	smulhi.u32 $0xAAAAAAAB, s12;
	s9 =	sshrl.u32 s19, $0x1  }
0xae: {  	s17 =	simm.s32 $0x200;
	s29 =	simm.s32 $0x4000;
	s23 =	smul.u32 $0xFFFFFA00, s9  }
0xaf: {  	s24 =	simm.s32 @!p4 $0x600;
	s7 =	sshrl.u32 s7, $0x1;
	s25 =	smul.u32 $0xFFFD3000, s9  }
0xb0: {  	[tilespmem:s11], [sflag:$0x4] =	stream.linear.gather [hbm4b:s26+s10], $0x80, $0x38;
	[tilespmem:$0x1F400] =	vst v63  }
0xb1: {  	s9 =	simm.s32 @!p4 $0x0;
	s11 =	smul.u32 $0xFFFFFA00, s7;
	_ =	swait.ge [sflag:s12], $0x80  }
0xb2: {  	s7 =	simm.s32 $0x3;
	[sflag:s12] =	ssyncset.done $0x0;
	s6 =	rddreg [dreg:$0x15]  }
0xb3: {  	s13 =	rddreg [dreg:$0x11];
	[sflag:s12] =	ssyncadd.s32 $0xFFFFFF80;
	s4 =	sadd.s32 $0x10, s6  }
0xb4: {  	[tilespmem:s28], [sflag:$0x1] =	stream.indirect.gather [hbm4b:s1+s2], $0x80, s21, s2, $0xb8;
	[tilespmem:$0x1F400] =	vst v63  }
0xb5: {  	s12 =	sshrl.u32 s15, $0x1;
	s28 =	simm.s32 $0x4;
	s21 =	sshra.s32 s11, $0x2  }
0xb6: {  	[tilespmem:s14], [sflag:$0x3] =	stream.linear.gather [hbm4b:s13+s10], $0x80, $0x38;
	[tilespmem:$0x1F400] =	vst v63  }
0xb7: {  	s11 =	simm.s32 @!p0 $0x3;
	s31 =	smul.u32 $0xFFFD3000, s12;
	_ =	swait.ge [sflag:s20], $0x3C00  }
0xb8: {  	s12 =	sand.u32 $0x600, s10;
	s8 =	sadd.s32 $0x180, s21;
	[sflag:s20] =	ssyncset.done $0x0  }
0xb9: {  	s13 =	simm.s32 @!p3 $0x0;
	s8 =	sadd.s32 @!p3 $0x0, s8;
	[sflag:s20] =	ssyncadd.s32 $0xFFFFC400  }
0xba: {  	[tilespmem:s8], [sflag:$0x3] =	stream.linear.gather @!p3 [hbm4b:s6+s13], $0x80, $0x38;
	[tilespmem:$0x1F400] =	vst v63  }
0xbb: {  	s14 =	simm.s32 @!p2 $0x2;
	s10 =	simm.s32 $0x1;
	s8 =	sand.u32 @!p4 $0x600, s24  }
0xbc: {  	s13 =	sshra.s32 s23, $0x2;
	_ =	swait.ge @!p2 [sflag:s14], $0x3C00;
	s8 =	sshrl.u32 @!p4 s8, $0x2  }
0xbd: {  	s13 =	sadd.s32 $0x100, s13;
	[sflag:s14] =	ssyncset.done @!p2 $0x0;
	s8 =	sor.u32 @!p4 $0x200, s8  }
.Ltmp5:
0xbe: {  	s24 =	sadd.s32 @!p0 $0x0, s13;
	[sflag:s14] =	ssyncadd.s32 @!p2 $0xFFFFC400;
	(pc) =	sbr.rel @!p1 .LBB2_11-.Ltmp5, $4  }
0xbf: {  	[tilespmem:s8], [sflag:$0x4] =	stream.linear.gather @!p4 [hbm4b:s26+s9], $0x80, $0x38;
	[tilespmem:$0x1F400] =	vst v63  }
0xc0: {  	s13 =	simm.s32 @!p0 $0x78;
	s14 =	sshra.s32 s31, $0x2;
	_ =	swait.ge @!p0 [sflag:s11], $0x80  }
0xc1: {  	s8 =	sadd.s32 $0x10, s26;
	s26 =	sshra.s32 s25, $0x2;
	[sflag:s11] =	ssyncset.done @!p0 $0x0  }
0xc2: {  	s9 =	simm.s32 $0xB800;
	[sflag:s11] =	ssyncadd.s32 @!p0 $0xFFFFFF80;
	s11 =	sadd.s32 $0x7C00, s26  }
.LBB2_10:
0xc3: {  	[tilespmem:s11], [sflag:$0x1] =	stream.indirect.gather @!p0 [hbm4b:s1+s13], $0x80, s24, s13, $0xb8;
	[tilespmem:$0x1F400] =	vst v63  }
0xc4: {  	s11 =	smov.u32 s17;
	s24 =	smov.u32 s4;
	s13 =	smov.u32 s8  }
0xc5: {  	s17 =	sadd.s32 $0x200, s17;
	s12 =	sshrl.u32 s12, $0x2;
	_ =	swait.ge [sflag:s16], $0x80  }
0xc6: {  	s14 =	sadd.s32 s14, s30;
	p1 =	sne.s32 s22, s17;
	[sflag:s16] =	ssyncset.done $0x0  }
0xc7: {  	s30 =	smov.u32 s29;
	s12 =	sor.u32 $0x200, s12;
	[sflag:s16] =	ssyncadd.s32 $0xFFFFFF80  }
0xc8: {  	[spmem:s3] =	stream.indirect.scatter.add.f32 [tilespmem:s14], [sflag:$0x2], $0x80, s12, s2, $0xb8;
	[tilespmem:$0x1F400] =	vst v63  }
0xc9: {  	s23 =	smulhi.u32 $0xAAAAAAAB, s10;
	s14 =	smov.u32 s9  }
0xca: {  	s29 =	sadd.s32 $0x3C00, s29;
	s12 =	smulhi.u32 $0xAAAAAAAB, s28  }
0xcb: {  	s6 =	smulhi.u32 $0xAAAAAAAB, s7;
	s4 =	sadd.s32 $0x10, s4;
	s28 =	sadd.s32 $0x1, s28  }
0xcc: {  	p0 =	sge.u32 s7, s5;
	s7 =	sadd.s32 $0x1, s7;
	s12 =	sshrl.u32 s12, $0x1  }
0xcd: {  	p2 =	seq.s32 s11, $0x0;
	s23 =	sshrl.u32 s23, $0x1;
	s12 =	smul.u32 $0xFFFFFA00, s12  }
0xce: {  	s15 =	sshra.s32 @!p0 s11, $0x2;
	s31 =	simm.s32 @!p0 $0x3;
	p4 =	sge.u32 s7, s5  }
0xcf: {  	s19 =	simm.s32 @!p4 $0x0;
	s12 =	sshra.s32 s12, $0x2;
	_ =	swait.ge [sflag:s20], $0x3C00  }
0xd0: {  	p3 =	sge.u32 @!p2 s7, s5;
	s12 =	sadd.s32 $0x180, s12;
	[sflag:s20] =	ssyncset.done $0x0  }
0xd1: {  	s25 =	sshra.s32 @!p4 s11, $0x2;
	s6 =	sshrl.u32 s6, $0x1;
	[sflag:s20] =	ssyncadd.s32 $0xFFFFC400  }
0xd2: {  	s21 =	simm.s32 @!p2 $0x2;
	p3 =	por p3, p2;
	s26 =	smul.u32 $0xFFFFFA00, s6  }
0xd3: {  	s6 =	smul.u32 $0xFFFD3000, s6;
	s12 =	sadd.s32 @!p4 s25, s12;
	s25 =	sadd.s32 @!p3 $0x600, s11  }
0xd4: {  	s8 =	sadd.s32 $0x10, s8;
	s25 =	sand.u32 @!p3 $0x600, s25  }
0xd5: {  	s9 =	sadd.s32 $0x3C00, s9;
	s6 =	sshra.s32 s6, $0x2;
	s25 =	sshrl.u32 @!p3 s25, $0x2  }
0xd6: {  	[tilespmem:s12], [sflag:$0x3] =	stream.linear.gather @!p4 [hbm4b:s24+s19], $0x80, $0x38;
	[tilespmem:$0x1F400] =	vst v63  }
0xd7: {  	s12 =	sshra.s32 s26, $0x2;
	s19 =	sor.u32 @!p3 $0x200, s25;
	_ =	swait.ge @!p2 [sflag:s21], $0x3C00  }
0xd8: {  	s25 =	simm.s32 @!p3 $0x0;
	s12 =	sadd.s32 $0x100, s12;
	[sflag:s21] =	ssyncset.done @!p2 $0x0  }
.Ltmp6:
0xd9: {  	s24 =	sadd.s32 @!p0 s15, s12;
	[sflag:s21] =	ssyncadd.s32 @!p2 $0xFFFFC400;
	(pc) =	sbr.rel @p1 .LBB2_10-.Ltmp6, $4  }
0xda: {  	[tilespmem:s19], [sflag:$0x4] =	stream.linear.gather @!p3 [hbm4b:s13+s25], $0x80, $0x38;
	[tilespmem:$0x1F400] =	vst v63  }
0xdb: {  	s15 =	smul.u32 $0xFFFD3000, s23;
	s13 =	simm.s32 @!p0 $0x78;
	_ =	swait.ge @!p0 [sflag:s31], $0x80  }
0xdc: {  	s10 =	sadd.s32 $0x1, s10;
	s12 =	sand.u32 $0x600, s11;
	[sflag:s31] =	ssyncset.done @!p0 $0x0  }
0xdd: {  	s11 =	sadd.s32 s6, s14;
	s14 =	sshra.s32 s15, $0x2;
	[sflag:s31] =	ssyncadd.s32 @!p0 $0xFFFFFF80  }
.LBB2_11:
0xde: {  	[tilespmem:s11], [sflag:$0x1] =	stream.indirect.gather @!p0 [hbm4b:s1+s13], $0x80, s24, s13, $0xb8;
	[tilespmem:$0x1F400] =	vst v63  }
0xdf: {  	_ =	swait.ge [sflag:s16], $0x80  }
0xe0: {  	s4 =	sshrl.u32 s12, $0x2;
	[sflag:s16] =	ssyncset.done $0x0  }
0xe1: {  	s6 =	sadd.s32 s14, s30;
	s4 =	sor.u32 $0x200, s4;
	[sflag:s16] =	ssyncadd.s32 $0xFFFFFF80  }
0xe2: {  	[spmem:s3] =	stream.indirect.scatter.add.f32 [tilespmem:s6], [sflag:$0x2], $0x80, s4, s2, $0xb8;
	[tilespmem:$0x1F400] =	vst v63  }
0xe3: {  	_ =	swait.ge [sflag:s0], $0x3C00  }
0xe4: {  	[sflag:s0] =	ssyncset.done $0x0  }
0xe5: {  	[sflag:s0] =	ssyncadd.s32 $0xFFFFC400  }
0xe6: {  	[bflag:$0x0] =	sbarrier.arrive $0xFFFF  }
0xe7: {  	s24 =	rddreg [dreg:$0x12]  }
0xe8: {  	s25 =	rddreg [dreg:$0x17]  }
0xe9: {  	s29 =	simm.s32 $0x5;
	s7 =	rddreg [dreg:$0x18]  }
0xea: {  	[hbm:s24], [sflag:s25] =	dma.local [spmem:s7], $0x2780  }
0xeb: {  	_ =	swait.ge [sflag:s29], $0x2780  }
0xec: {  	s26 =	rddreg [dreg:$0x16]  }
0xed: {  	s30 =	rddreg [dreg:$0x13]  }
0xee: {  	s13 =	rddreg [dreg:$0x4]  }
0xef: {  	s14 =	rddreg [dreg:$0x5]  }
0xf0: {  	s15 =	rddreg [dreg:$0x6]  }
0xf1: {  	s17 =	rddreg [dreg:$0x7];
	s6 =	sadd.s32 $0x1, s26  }
0xf2: {  	s19 =	rddreg [dreg:$0x8];
	p0 =	sne.s32 s6, s30  }
.Ltmp7:
0xf3: {  	s21 =	rddreg [dreg:$0x9];
	(pc) =	sbr.rel @p0 .LBB2_1-.Ltmp7, $4  }
.Ltmp8:
0xf4: {  	s23 =	rddreg [dreg:$0xa];
	(pc) =	sbr.rel @!p0 .LBB2_12-.Ltmp8, $4  }
0xf5: {  	s24 =	rddreg [dreg:$0xb]  }
0xf6: {  	s28 =	simm.s32 $0x4000;
	[sflag:s29] =	ssyncset.done $0x0;
	s25 =	rddreg [dreg:$0xc]  }
0xf7: {  	s31 =	simm.s32 $0x200;
	[sflag:s29] =	ssyncadd.s32 $0xFFFFD880;
	s26 =	rddreg [dreg:$0xd]  }
0xf8: {  	_ = 	snop  }
.LBB2_6:
.Ltmp9:
0xf9: {  	(pc) =	sbr.rel .LBB2_9-.Ltmp9, $2  }
0xfa: {  	_ =	sdelay $0x2  }
0xfb: {  	s4 =	simm.s32 $0x400;
	s7 =	rddreg [dreg:$0x14]  }
.LBB2_12:
0xfc: {  	_ =	sfence.sel $0x180000  }
0xfd: {  	[bflag:$0x0] =	sbarrier.arrive $0xFFFF  }
0xfe: {  	_ =	strace $0x90000047  }
0xff: {  	s0 =	stileid.u32;
	[bflag:$0x2] =	sbarrier.arrive $0xFFFF  }
0x100: {  	p0 =	sne.s32 s0, $0x0;
	s0 =	rddreg [dreg:$0x3]  }
0x101: {  	s0 =	sadd.s32 @!p0 $0x100000, s0  }
0x102: {  	[sflag:s0] =	ssyncadd.tile.s32 @!p0 $0x1;
	_ =	shalt  }
.Lfunc_end2:
_tile_overlayer_lowered:
.L_overlay_start_2:
0x103: {  	(tag) =	ssettag $0x2  }
0x104: {  	s0 =	rddreg [dreg:$0x0];
	s2 =	stileid.u32  }
0x105: {  	s1 =	rddreg [dreg:$0x1];
	p0 =	sne.s32 s2, $0x0  }
0x106: {  	s3 =	rddreg [dreg:$0x2];
	[bflag:$0x3] =	sbarrier.arrive $0xFFFF;
	s2 =	simm.s32 @!p0 $0x1C05  }
0x107: {  	[timem:s3], [sflag:s2] =	dma.local @!p0 [hbm:s0], s1  }
0x108: {  	s0 =	simm.s32 @!p0 $0x5  }
0x109: {  	_ =	swait.ge @!p0 [sflag:s0], s1  }
0x10a: {  	s1 =	ssub.s32 @!p0 $0x0, s1;
	[sflag:s0] =	ssyncset.done @!p0 $0x0  }
0x10b: {  	[sflag:s0] =	ssyncadd.s32 @!p0 s1  }
0x10c: {  	[bflag:$0x3] =	sbarrier.arrive $0xFFFF  }
0x10d: {  	_ =	shalt  }

</sc_bundles>
